<compile_context>
chip_gen: v7x
topology: tpu7x:2x2x1
jax: 0.10.2.dev20260603
libtpu: 0.0.44.dev20260713+nightly
codegen_flags: <defaults>
</compile_context>

<pallas_src>
import functools

import jax
import jax.numpy as jnp
from jax import lax
from jax.experimental import pallas as pl
from jax.experimental.pallas import tpu as pltpu
from jax.experimental.pallas import tpu_sc as plsc

N = 4096
C = 64
K = 32
BD = 4
TPREP = 1024
TKNN = 256
TM = 256
TD = 128
CNT = 16 * N * K
F32 = jnp.float32
HI = lax.Precision.HIGHEST


def _dotg(a, b):
    return lax.dot_general(a, b, (((1,), (0,)), ((), ())),
                           precision=HI, preferred_element_type=F32)


def _dotd(a, b):
    return lax.dot_general(a, b, (((1,), (0,)), ((), ())),
                           precision=lax.Precision.DEFAULT,
                           preferred_element_type=F32)


def _dotd_t(a, b):
    return lax.dot_general(a, b, (((1,), (1,)), ((), ())),
                           precision=lax.Precision.DEFAULT,
                           preferred_element_type=F32)


def _leaky(x):
    return jnp.where(x >= 0, x, 0.1 * x)


def _eg():
    r = lax.broadcasted_iota(jnp.int32, (64, 4), 0) // 16
    g = lax.broadcasted_iota(jnp.int32, (64, 4), 1)
    return (r == g).astype(F32)


def _egt():
    g = lax.broadcasted_iota(jnp.int32, (4, 64), 0)
    r = lax.broadcasted_iota(jnp.int32, (4, 64), 1) // 16
    return (g == r).astype(F32)



def _prep_body(ftab_ref, fp1_ref, knn_ref, pc_ref, w11t_ref, w22t_ref,
               b11_ref, b22_ref, tab_ref, p1s_ref, knn_n_ref):
    ftab = ftab_ref[0]
    p2 = _dotd(ftab, w22t_ref[...]) + b22_ref[...]
    pc = pc_ref[0]
    pad = jnp.zeros((p2.shape[0], TD - 67), F32)
    tab_ref[0] = jnp.concatenate([p2, pc, pad], axis=1)
    p1s_ref[0] = _dotd(fp1_ref[0], w11t_ref[...]) + b11_ref[...]
    k = knn_ref[0]
    nrm = jnp.sqrt(jnp.sum(k * k, axis=1, keepdims=True)) + 1e-8
    knn_n_ref[0] = k / nrm


def _prep_call(featsT, knnsT, pcsT, w11t, w22t, b11, b22):
    grid = (BD, N // TPREP)
    return pl.pallas_call(
        _prep_body,
        grid=grid,
        in_specs=[
            pl.BlockSpec((1, TPREP, C), lambda bd, t: ((bd + 2) % 4, t, 0)),
            pl.BlockSpec((1, TPREP, C), lambda bd, t: (bd, t, 0)),
            pl.BlockSpec((1, TPREP, C), lambda bd, t: (bd, t, 0)),
            pl.BlockSpec((1, TPREP, 3), lambda bd, t: ((bd + 2) % 4, t, 0)),
            pl.BlockSpec((C, C), lambda bd, t: (0, 0)),
            pl.BlockSpec((C, C), lambda bd, t: (0, 0)),
            pl.BlockSpec((1, C), lambda bd, t: (0, 0)),
            pl.BlockSpec((1, C), lambda bd, t: (0, 0)),
        ],
        out_specs=[
            pl.BlockSpec((1, TPREP, TD), lambda bd, t: (bd, t, 0)),
            pl.BlockSpec((1, TPREP, C), lambda bd, t: (bd, t, 0)),
            pl.BlockSpec((1, TPREP, C), lambda bd, t: (bd, t, 0)),
        ],
        out_shape=[
            jax.ShapeDtypeStruct((BD, N, TD), F32),
            jax.ShapeDtypeStruct((BD, N, C), F32),
            jax.ShapeDtypeStruct((BD, N, C), F32),
        ],
    )(featsT, featsT, knnsT, pcsT, w11t, w22t, b11, b22)



CH = 32


def _top16_min_T(x):
    w, t = x.shape
    nc = w // CH
    x3 = jnp.reshape(x, (nc, CH, t))
    iota_c = lax.broadcasted_iota(jnp.int32, (nc, CH, t), 1)
    base = lax.broadcasted_iota(jnp.int32, (nc, 1, t), 0) * CH
    vals, gidx = [], []
    for j in range(4):
        m = jnp.min(x3, axis=1, keepdims=True)
        tt = jnp.where(x3 == m, iota_c, CH)
        i = jnp.min(tt, axis=1, keepdims=True)
        vals.append(m)
        gidx.append(base + i)
        if j < 3:
            x3 = jnp.where(tt == i, jnp.inf, x3)
    cv = jnp.reshape(jnp.concatenate(vals, axis=1), (nc * 4, t))
    ci = jnp.reshape(jnp.concatenate(gidx, axis=1), (nc * 4, t))
    iota_p = lax.broadcasted_iota(jnp.int32, (nc * 4, t), 0)
    outs = []
    for j in range(16):
        m = jnp.min(cv, axis=0, keepdims=True)
        tt = jnp.where(cv == m, iota_p, nc * 4)
        p = jnp.min(tt, axis=0, keepdims=True)
        sel = tt == p
        g = jnp.sum(jnp.where(sel, ci, 0), axis=0, keepdims=True)
        outs.append(g)
        if j < 15:
            cv = jnp.where(sel, jnp.inf, cv)
    return jnp.concatenate(outs, axis=0)


def _knn_body(at_ref, b_ref, axt_ref, bx_ref, idx_ref, *, bd_off):
    bd = pl.program_id(0)
    simT = _dotd(b_ref[0], at_ref[0])
    axt = axt_ref[0]
    bx = bx_ref[0]
    crossT = _dotd(bx, axt)
    sa = jnp.sum(axt * axt, axis=0, keepdims=True)
    sb = jnp.sum(bx * bx, axis=1, keepdims=True)
    d2 = sa + sb - 2.0 * crossT
    pd = jnp.sqrt(jnp.maximum(d2, 1e-12))
    pidx = _top16_min_T(pd)
    fidx = _top16_min_T(1.0 - simT)
    idx_ref[0] = jnp.concatenate([pidx, fidx], axis=0) + (bd + bd_off) * N


def _knn_call(knn_nT_a, knn_n_b, pcs_a, pcsT_b, bd_off):
    nbd = knn_nT_a.shape[0]
    grid = (nbd, N // TKNN)
    return pl.pallas_call(
        functools.partial(_knn_body, bd_off=bd_off),
        grid=grid,
        in_specs=[
            pl.BlockSpec((1, C, TKNN), lambda bd, t: (bd, 0, t)),
            pl.BlockSpec((1, N, C), lambda bd, t: (bd, 0, 0)),
            pl.BlockSpec((1, 3, TKNN), lambda bd, t: (bd, 0, t)),
            pl.BlockSpec((1, N, 3), lambda bd, t: (bd, 0, 0)),
        ],
        out_specs=pl.BlockSpec((1, K, TKNN), lambda bd, t: (bd, 0, t)),
        out_shape=jax.ShapeDtypeStruct((nbd, K, N), jnp.int32),
    )(knn_nT_a, knn_n_b, pcs_a, pcsT_b)



def _sc_gather(tab, idx):
    numi = idx.shape[0]
    nw = 32
    per_w = numi // nw
    win = 128
    mesh = plsc.VectorSubcoreMesh(core_axis_name="c", subcore_axis_name="s")

    @functools.partial(
        pl.kernel, mesh=mesh,
        out_type=jax.ShapeDtypeStruct((numi, TD), F32),
        scratch_types=[
            pltpu.VMEM((win,), jnp.int32),
            pltpu.VMEM((win, TD), F32),
            pltpu.SemaphoreType.DMA,
        ],
    )
    def gk(tab_hbm, idx_hbm, out_hbm, idx_v, rows_v, sem):
        wid = lax.axis_index("s") * 2 + lax.axis_index("c")
        base = wid * per_w

        @pl.loop(0, per_w // win)
        def _(w):
            off = base + w * win
            pltpu.sync_copy(idx_hbm.at[pl.ds(off, win)], idx_v)
            pltpu.async_copy(tab_hbm.at[idx_v], rows_v, sem).wait()
            pltpu.sync_copy(rows_v, out_hbm.at[pl.ds(off, win)])

    return gk(tab, idx)



def _x1_compute(g80, p1, ax, wpos_t, bpos):
    g = g80[:, 0:64]
    gx = g80[:, 64:67]
    tm = p1.shape[0]
    tk = tm * K
    axr = jnp.reshape(jnp.broadcast_to(ax[:, None, :], (tm, K, 3)), (tk, 3))
    d = _dotd(gx - axr, wpos_t) + bpos
    p1r = jnp.reshape(jnp.broadcast_to(p1[:, None, :], (tm, K, C)), (tk, C))
    return g + p1r + d


def _gstats(x):
    s = jnp.sum(x, axis=0)[None, :]
    sq = jnp.sum(x * x, axis=0)[None, :]
    eg = _eg()
    sg = _dotg(s, eg)
    qg = _dotg(sq, eg)
    return jnp.concatenate([sg, qg], axis=1)


def _stats_update(stats_ref, vec8, t):
    v = jnp.concatenate([vec8, jnp.zeros((1, 120), F32)], axis=1)
    upd = jnp.broadcast_to(v, (8, 128))

    @pl.when(t == 0)
    def _():
        stats_ref[0] = jnp.zeros((8, 128), F32)

    stats_ref[0] += upd


def _gn_mult_add(stats_row, gamma, beta):
    sg = stats_row[:, 0:4]
    qg = stats_row[:, 4:8]
    m = sg / CNT
    var = qg / CNT - m * m
    a = lax.rsqrt(var + 1e-5)
    egt = _egt()
    m_c = _dotg(m, egt)
    a_c = _dotg(a, egt)
    mult = a_c * gamma
    add = beta - m_c * mult
    return mult, add


def _stats0_body(g_ref, p1_ref, ax_ref, wposT_ref, bpos_ref, s0_ref):
    t = pl.program_id(1)
    x1 = _x1_compute(g_ref[0], p1_ref[0], ax_ref[0], wposT_ref[...],
                     bpos_ref[...])
    _stats_update(s0_ref, _gstats(x1), t)


def _stats1_body(g_ref, p1_ref, ax_ref, wposT_ref, bpos_ref, s0_ref,
                 g0g_ref, g0b_ref, wmT_ref, bm_ref, s1_ref, y1_ref):
    t = pl.program_id(1)
    x1 = _x1_compute(g_ref[0], p1_ref[0], ax_ref[0], wposT_ref[...],
                     bpos_ref[...])
    mult0, add0 = _gn_mult_add(s0_ref[0, 0:1, :], g0g_ref[...], g0b_ref[...])
    y1 = _leaky(x1 * mult0 + add0)
    y1_ref[0] = y1.astype(jnp.bfloat16)
    x2 = _dotd(y1, wmT_ref[...]) + bm_ref[...]
    _stats_update(s1_ref, _gstats(x2), t)


def _final_body(y1_ref, wmT_ref, bm_ref, s1_ref, gmg_ref, gmb_ref, out_ref):
    y1 = y1_ref[0].astype(F32)
    x2 = _dotd(y1, wmT_ref[...]) + bm_ref[...]
    mult1, add1 = _gn_mult_add(s1_ref[0, 0:1, :], gmg_ref[...], gmb_ref[...])
    y2 = _leaky(x2 * mult1 + add1)
    y3 = jnp.reshape(y2, (TM, K, C))
    out_ref[0] = jnp.max(y3, axis=1)


def _mlp_specs():
    small = lambda shape: pl.BlockSpec(shape, lambda bd, t: tuple(0 for _ in shape))
    return [
        pl.BlockSpec((1, TM * K, TD), lambda bd, t: (bd, t, 0)),
        pl.BlockSpec((1, TM, C), lambda bd, t: (bd, t, 0)),
        pl.BlockSpec((1, TM, 3), lambda bd, t: (bd, t, 0)),
        small((3, C)),
        small((1, C)),
    ]


def _stats_spec():
    return pl.BlockSpec((1, 8, 128), lambda bd, t: (bd, 0, 0))


def _mlp_calls(grows, p1s, pcsT_a, wposT, bpos, g0g, g0b, wmT, bm, gmg, gmb):
    nbd = grows.shape[0]
    grid = (nbd, N // TM)
    stats_shape = jax.ShapeDtypeStruct((nbd, 8, 128), F32)
    small = lambda shape: pl.BlockSpec(shape, lambda bd, t: tuple(0 for _ in shape))

    s0 = pl.pallas_call(
        _stats0_body, grid=grid,
        in_specs=_mlp_specs(),
        out_specs=_stats_spec(),
        out_shape=stats_shape,
    )(grows, p1s, pcsT_a, wposT, bpos)

    y1_spec = pl.BlockSpec((1, TM * K, C), lambda bd, t: (bd, t, 0))
    s1, y1st = pl.pallas_call(
        _stats1_body, grid=grid,
        in_specs=_mlp_specs() + [_stats_spec(), small((1, C)), small((1, C)),
                                 small((C, C)), small((1, C))],
        out_specs=[_stats_spec(), y1_spec],
        out_shape=[stats_shape,
                   jax.ShapeDtypeStruct((nbd, N * K, C), jnp.bfloat16)],
    )(grows, p1s, pcsT_a, wposT, bpos, s0, g0g, g0b, wmT, bm)

    out = pl.pallas_call(
        _final_body, grid=grid,
        in_specs=[y1_spec, small((C, C)), small((1, C)),
                  _stats_spec(), small((1, C)), small((1, C))],
        out_specs=pl.BlockSpec((1, TM, C), lambda bd, t: (bd, t, 0)),
        out_shape=jax.ShapeDtypeStruct((nbd, N, C), F32),
    )(y1st, wmT, bm, s1, gmg, gmb)
    return out



def kernel(pc1, pc2, feat1, feat2, knn1, knn2, W11, b11, W22, b22, Wpos,
           bpos, gn0_gamma, gn0_beta, Wm, bm, gm_gamma, gm_beta):
    featsT = jnp.concatenate([feat1, feat2], axis=0).transpose(0, 2, 1)
    knnsT = jnp.concatenate([knn1, knn2], axis=0).transpose(0, 2, 1)
    pcsT = jnp.concatenate([pc1, pc2], axis=0).transpose(0, 2, 1)

    table, p1s, knn_n = _prep_call(
        featsT, knnsT, pcsT, W11.T, W22.T,
        b11.reshape(1, C), b22.reshape(1, C))

    pcs = jnp.concatenate([pc1, pc2], axis=0)
    knn_nT = knn_n.transpose(0, 2, 1)
    flat_tab = table.reshape(BD * N, TD)

    outs = []
    for h in (0, 1):
        a_sl = slice(2 * h, 2 * h + 2)
        b_sl = slice(2 - 2 * h, 4 - 2 * h)
        idxT = _knn_call(knn_nT[a_sl], knn_n[b_sl], pcs[a_sl], pcsT[b_sl],
                         2 * h)
        idx = idxT.transpose(0, 2, 1)
        g = _sc_gather(flat_tab, idx.reshape(2 * N * K))
        grows = g.reshape(2, N * K, TD)
        outs.append(_mlp_calls(
            grows, p1s[a_sl], pcsT[a_sl], Wpos.T, bpos.reshape(1, C),
            gn0_gamma.reshape(1, C), gn0_beta.reshape(1, C), Wm.T,
            bm.reshape(1, C), gm_gamma.reshape(1, C), gm_beta.reshape(1, C)))

    o0 = outs[0].transpose(0, 2, 1)
    o1 = outs[1].transpose(0, 2, 1)
    return o0, o1

# --- scband reference (transcript-rebuilt; emitter-appended) ---
"""Pipeline reference for scband-corr-layer-bidcos-78426102825595 (READ-ONLY COPY).

The authoritative reference and input builder live on the scoring server;
editing this copy changes nothing except your own understanding.
"""

import jax, jax.numpy as jnp
import numpy as np

NSAMPLE = 32

def cosine_distance(a, b):
    an = a / (jnp.linalg.norm(a, axis=-1, keepdims=True) + 1e-8)
    bn = b / (jnp.linalg.norm(b, axis=-1, keepdims=True) + 1e-8)
    return 1.0 - jnp.einsum('bnc,bmc->bnm', an, bn)

def pairwise_euclid(x1, x2):
    # x1: [B,3,N1], x2: [B,3,N2] -> [B,N1,N2]
    s1 = jnp.sum(x1 * x1, axis=1)
    s2 = jnp.sum(x2 * x2, axis=1)
    cross = jnp.einsum('bcn,bcm->bnm', x1, x2)
    d2 = s1[:, :, None] + s2[:, None, :] - 2.0 * cross
    return jnp.sqrt(jnp.maximum(d2, 1e-12))

def group(points, idx):
    # points: [B,C,N2], idx: [B,N1,K] -> [B,C,N1,K]
    return jax.vmap(lambda p, i: p[:, i])(points, idx)

def group_norm(x, gamma, beta, groups=4, eps=1e-5):
    B, C, N, K = x.shape
    xg = x.reshape(B, groups, C // groups, N, K)
    m = xg.mean(axis=(2, 3, 4), keepdims=True)
    v = xg.var(axis=(2, 3, 4), keepdims=True)
    xg = (xg - m) / jnp.sqrt(v + eps)
    x = xg.reshape(B, C, N, K)
    return x * gamma[None, :, None, None] + beta[None, :, None, None]

def leaky(x):
    return jnp.where(x >= 0, x, 0.1 * x)

def conv1d(W, b, x):
    return jnp.einsum('oc,bcn->bon', W, x) + b[None, :, None]

def setup_inputs(seed: int = 0):
    key = jax.random.key(seed)
    ks = jax.random.split(key, 12)
    B, N, C = 2, 4096, 64
    s = 0.05
    inp = {}
    inp['pc1'] = jax.random.normal(ks[0], (B, 3, N), dtype=jnp.float32)
    inp['pc2'] = jax.random.normal(ks[1], (B, 3, N), dtype=jnp.float32)
    inp['feat1'] = jax.random.normal(ks[2], (B, C, N), dtype=jnp.float32)
    inp['feat2'] = jax.random.normal(ks[3], (B, C, N), dtype=jnp.float32)
    inp['knn1'] = jax.random.normal(ks[4], (B, C, N), dtype=jnp.float32)
    inp['knn2'] = jax.random.normal(ks[5], (B, C, N), dtype=jnp.float32)
    inp['W11'] = jax.random.normal(ks[6], (64, C), dtype=jnp.float32) * s
    inp['b11'] = jnp.zeros((64,), dtype=jnp.float32)
    inp['W22'] = jax.random.normal(ks[7], (64, C), dtype=jnp.float32) * s
    inp['b22'] = jnp.zeros((64,), dtype=jnp.float32)
    inp['Wpos'] = jax.random.normal(ks[8], (64, 3), dtype=jnp.float32) * s
    inp['bpos'] = jnp.zeros((64,), dtype=jnp.float32)
    inp['gn0_gamma'] = jnp.ones((64,), dtype=jnp.float32)
    inp['gn0_beta'] = jnp.zeros((64,), dtype=jnp.float32)
    inp['Wm'] = jax.random.normal(ks[9], (64, 64), dtype=jnp.float32) * s
    inp['bm'] = jnp.zeros((64,), dtype=jnp.float32)
    inp['gm_gamma'] = jnp.ones((64,), dtype=jnp.float32)
    inp['gm_beta'] = jnp.zeros((64,), dtype=jnp.float32)
    return inp

def cross(xyz1, xyz2, p1, p2, knn1, knn2, Wpos, bpos, gn0_gamma, gn0_beta, Wm, bm, gm_gamma, gm_beta):
    nsample = NSAMPLE
    feat_dists = cosine_distance(jnp.transpose(knn1, (0, 2, 1)), jnp.transpose(knn2, (0, 2, 1)))
    point_dists = pairwise_euclid(xyz1, xyz2)
    _, knn_idx_feat = jax.lax.top_k(-feat_dists, nsample // 2)
    _, knn_idx_point = jax.lax.top_k(-point_dists, nsample // 2)
    knn_idx = jnp.concatenate([knn_idx_point, knn_idx_feat], axis=2)
    neighbor_xyz = group(xyz2, knn_idx)
    direction_xyz = neighbor_xyz - xyz1[:, :, :, None]
    grouped_points2 = group(p2, knn_idx)
    grouped_points1 = p1[:, :, :, None]
    d = jnp.einsum('oc,bcnk->bonk', Wpos, direction_xyz) + bpos[None, :, None, None]
    new_points = leaky(group_norm(grouped_points2 + grouped_points1 + d, gn0_gamma, gn0_beta))
    new_points = jnp.einsum('oc,bcnk->bonk', Wm, new_points) + bm[None, :, None, None]
    new_points = leaky(group_norm(new_points, gm_gamma, gm_beta))
    return new_points.max(axis=3)

def reference(pc1, pc2, feat1, feat2, knn1, knn2, W11, b11, W22, b22, Wpos, bpos, gn0_gamma, gn0_beta, Wm, bm, gm_gamma, gm_beta):
    p1 = conv1d(W11, b11, feat1)
    p2 = conv1d(W22, b22, feat2)
    p1b = conv1d(W11, b11, feat2)
    p2b = conv1d(W22, b22, feat1)
    feat1_new = cross(pc1, pc2, p1, p2, knn1, knn2, Wpos, bpos, gn0_gamma, gn0_beta, Wm, bm, gm_gamma, gm_beta)
    feat2_new = cross(pc2, pc1, p1b, p2b, knn2, knn1, Wpos, bpos, gn0_gamma, gn0_beta, Wm, bm, gm_gamma, gm_beta)
    return (feat1_new, feat2_new)

if __name__ == "__main__":
    import jax
    _d = setup_inputs()
    print(jax.jit(kernel)(*tuple(_d.values())))

</pallas_src>

<mosaic_0001>
#map = affine_map<(d0, d1) -> (0, 0)>
#map1 = affine_map<(d0, d1) -> (0)>
module attributes {stable_mosaic.version = 14 : i64} {
  func.func @gk(%arg0: i32, %arg1: i32, %arg2: memref<16384x128xf32, #tpu.memory_space<hbm>>, %arg3: memref<262144xi32, #tpu.memory_space<hbm>>, %arg4: memref<262144x128xf32, #tpu.memory_space<hbm>>, %arg5: memref<128xi32, #tpu.memory_space<vmem>>, %arg6: memref<128x128xf32, #tpu.memory_space<vmem>>, %arg7: memref<!tpu.dma_semaphore, #tpu.memory_space<semaphore_mem>>) attributes {dimension_semantics = [#tpu.dimension_semantics<core_parallel>, #tpu.dimension_semantics<subcore_parallel>], iteration_bounds = array<i64: 2, 16>, scalar_prefetch = 0 : i64, scratch_operands = 3 : i64, tpu.core_type = #tpu.core_type<sc_vector_subcore>, window_params = [{transform_indices = #map}, {transform_indices = #map1}, {transform_indices = #map}]} {
    %mul3A = arith.constant 2 : i32
    %mul3A_0 = arith.muli %arg1, %mul3A : i32
    %add3A = arith.addi %mul3A_0, %arg0 : i32
    %mul3A_1 = arith.constant 8192 : i32
    %mul3A_2 = arith.muli %add3A, %mul3A_1 : i32
    %scan3A = arith.constant 0 : i32
    %scan3A_3 = arith.constant 64 : i32
    %scan3A_4 = arith.addi %scan3A, %scan3A_3 : i32
    %scan3A_5 = arith.constant 1 : i32
    scf.for %scan3A_7 = %scan3A to %scan3A_4 step %scan3A_5  : i32 {
      %mul3A_8 = arith.constant 1 : i32
      %mul3A_9 = arith.muli %scan3A_7, %mul3A_8 : i32
      %add3A_10 = arith.constant 0 : i32
      %add3A_11 = arith.addi %add3A_10, %mul3A_9 : i32
      %mul3A_12 = arith.constant 128 : i32
      %mul3A_13 = arith.muli %add3A_11, %mul3A_12 : i32
      %add3A_14 = arith.addi %mul3A_2, %mul3A_13 : i32
      "tpu.region"() ({
        %run_scoped3A = tpu.sem_alloc : memref<!tpu.dma_semaphore, #tpu.memory_space<semaphore_mem>>
        %dma_start3A_19 = tpu.memref_slice %arg3[%add3A_14] : memref<262144xi32, #tpu.memory_space<hbm>> -> memref<128xi32, #tpu.memory_space<hbm>>
        %dma_start3A_20 = tpu.memref_slice %arg3[%add3A_14] : memref<262144xi32, #tpu.memory_space<hbm>> -> memref<128xi32, #tpu.memory_space<hbm>>
        tpu.enqueue_dma source(%dma_start3A_20 : memref<128xi32, #tpu.memory_space<hbm>>) target(%arg5 : memref<128xi32, #tpu.memory_space<vmem>>) target_semaphore(%run_scoped3A : memref<!tpu.dma_semaphore, #tpu.memory_space<semaphore_mem>>)
        %dma_wait3A_21 = tpu.memref_slice %arg3[%add3A_14] : memref<262144xi32, #tpu.memory_space<hbm>> -> memref<128xi32, #tpu.memory_space<hbm>>
        %dma_wait3A_22 = tpu.memref_slice %arg3[%add3A_14] : memref<262144xi32, #tpu.memory_space<hbm>> -> memref<128xi32, #tpu.memory_space<hbm>>
        tpu.wait_dma2 semaphore(%run_scoped3A : memref<!tpu.dma_semaphore, #tpu.memory_space<semaphore_mem>>) src(%dma_wait3A_22 : memref<128xi32, #tpu.memory_space<hbm>>) dst(%arg5 : memref<128xi32, #tpu.memory_space<vmem>>)
        tpu.yield
      }) : () -> ()
      %dma_start3A = arith.constant 0 : i32
      %dma_start3A_15 = arith.constant 0 : i32
      %dma_start3A_16 = tpu.memref_slice %arg2[%dma_start3A, %dma_start3A_15] : memref<16384x128xf32, #tpu.memory_space<hbm>> -> memref<16384x128xf32, #tpu.memory_space<hbm>>
      tpu.enqueue_indirect_dma source(%dma_start3A_16 : memref<16384x128xf32, #tpu.memory_space<hbm>>) target(%arg6 : memref<128x128xf32, #tpu.memory_space<vmem>>) offsets(%arg5 : memref<128xi32, #tpu.memory_space<vmem>>) semaphore(%arg7 : memref<!tpu.dma_semaphore, #tpu.memory_space<semaphore_mem>>)
      %dma_wait3A = arith.constant 0 : i32
      %dma_wait3A_17 = arith.constant 0 : i32
      %dma_wait3A_18 = tpu.memref_slice %arg2[%dma_wait3A, %dma_wait3A_17] : memref<16384x128xf32, #tpu.memory_space<hbm>> -> memref<16384x128xf32, #tpu.memory_space<hbm>>
      tpu.wait_indirect_dma semaphore(%arg7 : memref<!tpu.dma_semaphore, #tpu.memory_space<semaphore_mem>>) src(%dma_wait3A_18 : memref<16384x128xf32, #tpu.memory_space<hbm>>) dst(%arg6 : memref<128x128xf32, #tpu.memory_space<vmem>>)
      "tpu.region"() ({
        %run_scoped3A = tpu.sem_alloc : memref<!tpu.dma_semaphore, #tpu.memory_space<semaphore_mem>>
        %dma_start3A_19 = arith.constant 0 : i32
        %dma_start3A_20 = tpu.memref_slice %arg4[%add3A_14, %dma_start3A_19] : memref<262144x128xf32, #tpu.memory_space<hbm>> -> memref<128x128xf32, #tpu.memory_space<hbm>>
        %dma_start3A_21 = arith.constant 0 : i32
        %dma_start3A_22 = tpu.memref_slice %arg4[%add3A_14, %dma_start3A_21] : memref<262144x128xf32, #tpu.memory_space<hbm>> -> memref<128x128xf32, #tpu.memory_space<hbm>>
        tpu.enqueue_dma source(%arg6 : memref<128x128xf32, #tpu.memory_space<vmem>>) target(%dma_start3A_22 : memref<128x128xf32, #tpu.memory_space<hbm>>) target_semaphore(%run_scoped3A : memref<!tpu.dma_semaphore, #tpu.memory_space<semaphore_mem>>)
        %dma_wait3A_23 = arith.constant 0 : i32
        %dma_wait3A_24 = tpu.memref_slice %arg4[%add3A_14, %dma_wait3A_23] : memref<262144x128xf32, #tpu.memory_space<hbm>> -> memref<128x128xf32, #tpu.memory_space<hbm>>
        %dma_wait3A_25 = arith.constant 0 : i32
        %dma_wait3A_26 = tpu.memref_slice %arg4[%add3A_14, %dma_wait3A_25] : memref<262144x128xf32, #tpu.memory_space<hbm>> -> memref<128x128xf32, #tpu.memory_space<hbm>>
        tpu.wait_dma2 semaphore(%run_scoped3A : memref<!tpu.dma_semaphore, #tpu.memory_space<semaphore_mem>>) src(%arg6 : memref<128x128xf32, #tpu.memory_space<vmem>>) dst(%dma_wait3A_26 : memref<128x128xf32, #tpu.memory_space<hbm>>)
        tpu.yield
      }) : () -> ()
    }
    %scan3A_6 = arith.constant 64 : i32
    return
  }
}

#map = affine_map<(d0, d1) -> (0, 0)>
#map1 = affine_map<(d0, d1) -> (0)>
module attributes {stable_mosaic.version = 14 : i64} {
  func.func @gk(%arg0: i32, %arg1: i32, %arg2: memref<16384x128xf32, #tpu.memory_space<hbm>>, %arg3: memref<262144xi32, #tpu.memory_space<hbm>>, %arg4: memref<262144x128xf32, #tpu.memory_space<hbm>>, %arg5: memref<128xi32, #tpu.memory_space<vmem>>, %arg6: memref<128x128xf32, #tpu.memory_space<vmem>>, %arg7: memref<!tpu.dma_semaphore, #tpu.memory_space<semaphore_mem>>) attributes {dimension_semantics = [#tpu.dimension_semantics<core_parallel>, #tpu.dimension_semantics<subcore_parallel>], iteration_bounds = array<i64: 2, 16>, scalar_prefetch = 0 : i64, scratch_operands = 3 : i64, tpu.core_type = #tpu.core_type<sc_vector_subcore>, window_params = [{transform_indices = #map}, {transform_indices = #map1}, {transform_indices = #map}]} {
    %mul3A = arith.constant 2 : i32
    %mul3A_0 = arith.muli %arg1, %mul3A : i32
    %add3A = arith.addi %mul3A_0, %arg0 : i32
    %mul3A_1 = arith.constant 8192 : i32
    %mul3A_2 = arith.muli %add3A, %mul3A_1 : i32
    %scan3A = arith.constant 0 : i32
    %scan3A_3 = arith.constant 64 : i32
    %scan3A_4 = arith.addi %scan3A, %scan3A_3 : i32
    %scan3A_5 = arith.constant 1 : i32
    scf.for %scan3A_7 = %scan3A to %scan3A_4 step %scan3A_5  : i32 {
      %mul3A_8 = arith.constant 1 : i32
      %mul3A_9 = arith.muli %scan3A_7, %mul3A_8 : i32
      %add3A_10 = arith.constant 0 : i32
      %add3A_11 = arith.addi %add3A_10, %mul3A_9 : i32
      %mul3A_12 = arith.constant 128 : i32
      %mul3A_13 = arith.muli %add3A_11, %mul3A_12 : i32
      %add3A_14 = arith.addi %mul3A_2, %mul3A_13 : i32
      "tpu.region"() ({
        %run_scoped3A = tpu.sem_alloc : memref<!tpu.dma_semaphore, #tpu.memory_space<semaphore_mem>>
        %dma_start3A_19 = tpu.memref_slice %arg3[%add3A_14] : memref<262144xi32, #tpu.memory_space<hbm>> -> memref<128xi32, #tpu.memory_space<hbm>>
        %dma_start3A_20 = tpu.memref_slice %arg3[%add3A_14] : memref<262144xi32, #tpu.memory_space<hbm>> -> memref<128xi32, #tpu.memory_space<hbm>>
        tpu.enqueue_dma source(%dma_start3A_20 : memref<128xi32, #tpu.memory_space<hbm>>) target(%arg5 : memref<128xi32, #tpu.memory_space<vmem>>) target_semaphore(%run_scoped3A : memref<!tpu.dma_semaphore, #tpu.memory_space<semaphore_mem>>)
        %dma_wait3A_21 = tpu.memref_slice %arg3[%add3A_14] : memref<262144xi32, #tpu.memory_space<hbm>> -> memref<128xi32, #tpu.memory_space<hbm>>
        %dma_wait3A_22 = tpu.memref_slice %arg3[%add3A_14] : memref<262144xi32, #tpu.memory_space<hbm>> -> memref<128xi32, #tpu.memory_space<hbm>>
        tpu.wait_dma2 semaphore(%run_scoped3A : memref<!tpu.dma_semaphore, #tpu.memory_space<semaphore_mem>>) src(%dma_wait3A_22 : memref<128xi32, #tpu.memory_space<hbm>>) dst(%arg5 : memref<128xi32, #tpu.memory_space<vmem>>)
        tpu.yield
      }) : () -> ()
      %dma_start3A = arith.constant 0 : i32
      %dma_start3A_15 = arith.constant 0 : i32
      %dma_start3A_16 = tpu.memref_slice %arg2[%dma_start3A, %dma_start3A_15] : memref<16384x128xf32, #tpu.memory_space<hbm>> -> memref<16384x128xf32, #tpu.memory_space<hbm>>
      tpu.enqueue_indirect_dma source(%dma_start3A_16 : memref<16384x128xf32, #tpu.memory_space<hbm>>) target(%arg6 : memref<128x128xf32, #tpu.memory_space<vmem>>) offsets(%arg5 : memref<128xi32, #tpu.memory_space<vmem>>) semaphore(%arg7 : memref<!tpu.dma_semaphore, #tpu.memory_space<semaphore_mem>>)
      %dma_wait3A = arith.constant 0 : i32
      %dma_wait3A_17 = arith.constant 0 : i32
      %dma_wait3A_18 = tpu.memref_slice %arg2[%dma_wait3A, %dma_wait3A_17] : memref<16384x128xf32, #tpu.memory_space<hbm>> -> memref<16384x128xf32, #tpu.memory_space<hbm>>
      tpu.wait_indirect_dma semaphore(%arg7 : memref<!tpu.dma_semaphore, #tpu.memory_space<semaphore_mem>>) src(%dma_wait3A_18 : memref<16384x128xf32, #tpu.memory_space<hbm>>) dst(%arg6 : memref<128x128xf32, #tpu.memory_space<vmem>>)
      "tpu.region"() ({
        %run_scoped3A = tpu.sem_alloc : memref<!tpu.dma_semaphore, #tpu.memory_space<semaphore_mem>>
        %dma_start3A_19 = arith.constant 0 : i32
        %dma_start3A_20 = tpu.memref_slice %arg4[%add3A_14, %dma_start3A_19] : memref<262144x128xf32, #tpu.memory_space<hbm>> -> memref<128x128xf32, #tpu.memory_space<hbm>>
        %dma_start3A_21 = arith.constant 0 : i32
        %dma_start3A_22 = tpu.memref_slice %arg4[%add3A_14, %dma_start3A_21] : memref<262144x128xf32, #tpu.memory_space<hbm>> -> memref<128x128xf32, #tpu.memory_space<hbm>>
        tpu.enqueue_dma source(%arg6 : memref<128x128xf32, #tpu.memory_space<vmem>>) target(%dma_start3A_22 : memref<128x128xf32, #tpu.memory_space<hbm>>) target_semaphore(%run_scoped3A : memref<!tpu.dma_semaphore, #tpu.memory_space<semaphore_mem>>)
        %dma_wait3A_23 = arith.constant 0 : i32
        %dma_wait3A_24 = tpu.memref_slice %arg4[%add3A_14, %dma_wait3A_23] : memref<262144x128xf32, #tpu.memory_space<hbm>> -> memref<128x128xf32, #tpu.memory_space<hbm>>
        %dma_wait3A_25 = arith.constant 0 : i32
        %dma_wait3A_26 = tpu.memref_slice %arg4[%add3A_14, %dma_wait3A_25] : memref<262144x128xf32, #tpu.memory_space<hbm>> -> memref<128x128xf32, #tpu.memory_space<hbm>>
        tpu.wait_dma2 semaphore(%run_scoped3A : memref<!tpu.dma_semaphore, #tpu.memory_space<semaphore_mem>>) src(%arg6 : memref<128x128xf32, #tpu.memory_space<vmem>>) dst(%dma_wait3A_26 : memref<128x128xf32, #tpu.memory_space<hbm>>)
        tpu.yield
      }) : () -> ()
    }
    %scan3A_6 = arith.constant 64 : i32
    return
  }
}

module attributes {stable_mosaic.version = 14 : i64} {
  func.func @_prep_body(%arg0: i32, %arg1: i32, %arg2: memref<1x1024x64xf32, #tpu.memory_space<vmem>>, %arg3: memref<1x1024x64xf32, #tpu.memory_space<vmem>>, %arg4: memref<1x1024x64xf32, #tpu.memory_space<vmem>>, %arg5: memref<1x1024x3xf32, #tpu.memory_space<vmem>>, %arg6: memref<64x64xf32, #tpu.memory_space<vmem>>, %arg7: memref<64x64xf32, #tpu.memory_space<vmem>>, %arg8: memref<1x64xf32, #tpu.memory_space<vmem>>, %arg9: memref<1x64xf32, #tpu.memory_space<vmem>>, %arg10: memref<1x1024x128xf32, #tpu.memory_space<vmem>>, %arg11: memref<1x1024x64xf32, #tpu.memory_space<vmem>>, %arg12: memref<1x1024x64xf32, #tpu.memory_space<vmem>>) attributes {dimension_semantics = [#tpu.dimension_semantics<arbitrary>, #tpu.dimension_semantics<arbitrary>], iteration_bounds = array<i64: 4, 4>, scalar_prefetch = 0 : i64, scratch_operands = 0 : i64, tpu.core_type = #tpu.core_type<tc>, window_params = [{transform_indices = @transform_0, window_bounds = array<i64: 1, 1024, 64>}, {transform_indices = @transform_1, window_bounds = array<i64: 1, 1024, 64>}, {transform_indices = @transform_2, window_bounds = array<i64: 1, 1024, 64>}, {transform_indices = @transform_3, window_bounds = array<i64: 1, 1024, 3>}, {pipeline_mode = #tpu.pipeline_mode<synchronous>, transform_indices = @transform_4, window_bounds = array<i64: 64, 64>}, {pipeline_mode = #tpu.pipeline_mode<synchronous>, transform_indices = @transform_5, window_bounds = array<i64: 64, 64>}, {pipeline_mode = #tpu.pipeline_mode<synchronous>, transform_indices = @transform_6, window_bounds = array<i64: 1, 64>}, {pipeline_mode = #tpu.pipeline_mode<synchronous>, transform_indices = @transform_7, window_bounds = array<i64: 1, 64>}, {transform_indices = @transform_8, window_bounds = array<i64: 1, 1024, 128>}, {transform_indices = @transform_9, window_bounds = array<i64: 1, 1024, 64>}, {transform_indices = @transform_10, window_bounds = array<i64: 1, 1024, 64>}]} {
    %get3A = arith.constant 0 : index
    %get3A_0 = arith.constant 0 : index
    %get3A_1 = arith.constant 0 : index
    %get3A_2 = vector.load %arg2[%get3A, %get3A_0, %get3A_1] : memref<1x1024x64xf32, #tpu.memory_space<vmem>>, vector<1x1024x64xf32>
    %get3A_3 = vector.shape_cast %get3A_2 : vector<1x1024x64xf32> to vector<1024x64xf32>
    %get3A_4 = arith.constant 0 : index
    %get3A_5 = arith.constant 0 : index
    %get3A_6 = vector.load %arg7[%get3A_4, %get3A_5] : memref<64x64xf32, #tpu.memory_space<vmem>>, vector<64x64xf32>
    %dot_general3A = arith.constant dense<0.000000e+00> : vector<1024x64xf32>
    %dot_general3A_7 = tpu.matmul %get3A_3, %get3A_6, %dot_general3A {dimension_numbers = #tpu.dot_dimension_numbers<[1], [0], [0], [1], [0, 0, 1, 1], [], []>, transpose_lhs_hint = false} : vector<1024x64xf32>, vector<64x64xf32>, vector<1024x64xf32> -> vector<1024x64xf32>
    %get3A_8 = arith.constant 0 : index
    %get3A_9 = arith.constant 0 : index
    %get3A_10 = vector.load %arg9[%get3A_8, %get3A_9] : memref<1x64xf32, #tpu.memory_space<vmem>>, vector<1x64xf32>
    %add3A = vector.broadcast %get3A_10 : vector<1x64xf32> to vector<1024x64xf32>
    %add3A_11 = arith.addf %dot_general3A_7, %add3A : vector<1024x64xf32>
    %get3A_12 = arith.constant 0 : index
    %get3A_13 = arith.constant 0 : index
    %get3A_14 = arith.constant 0 : index
    %get3A_15 = vector.load %arg5[%get3A_12, %get3A_13, %get3A_14] : memref<1x1024x3xf32, #tpu.memory_space<vmem>>, vector<1x1024x3xf32>
    %get3A_16 = vector.shape_cast %get3A_15 : vector<1x1024x3xf32> to vector<1024x3xf32>
    %broadcast_in_dim3A = arith.constant 0.000000e+00 : f32
    %broadcast_in_dim3A_17 = vector.broadcast %broadcast_in_dim3A : f32 to vector<1024x61xf32>
    %concatenate3A = tpu.concatenate %add3A_11, %get3A_16, %broadcast_in_dim3A_17 in 1 : vector<1024x64xf32>, vector<1024x3xf32>, vector<1024x61xf32> -> vector<1024x128xf32>
    %swap3A = arith.constant 0 : index
    %swap3A_18 = arith.constant 0 : index
    %swap3A_19 = arith.constant 0 : index
    %swap3A_20 = vector.load %arg10[%swap3A, %swap3A_18, %swap3A_19] : memref<1x1024x128xf32, #tpu.memory_space<vmem>>, vector<1x1024x128xf32>
    %swap3A_21 = vector.shape_cast %swap3A_20 : vector<1x1024x128xf32> to vector<1024x128xf32>
    %swap3A_22 = vector.shape_cast %concatenate3A : vector<1024x128xf32> to vector<1x1024x128xf32>
    tpu.vector_store %arg10[%swap3A, %swap3A_18, %swap3A_19], %swap3A_22 {strides = array<i32>} : memref<1x1024x128xf32, #tpu.memory_space<vmem>>, vector<1x1024x128xf32>,
    %get3A_23 = arith.constant 0 : index
    %get3A_24 = arith.constant 0 : index
    %get3A_25 = arith.constant 0 : index
    %get3A_26 = vector.load %arg3[%get3A_23, %get3A_24, %get3A_25] : memref<1x1024x64xf32, #tpu.memory_space<vmem>>, vector<1x1024x64xf32>
    %get3A_27 = vector.shape_cast %get3A_26 : vector<1x1024x64xf32> to vector<1024x64xf32>
    %get3A_28 = arith.constant 0 : index
    %get3A_29 = arith.constant 0 : index
    %get3A_30 = vector.load %arg6[%get3A_28, %get3A_29] : memref<64x64xf32, #tpu.memory_space<vmem>>, vector<64x64xf32>
    %dot_general3A_31 = arith.constant dense<0.000000e+00> : vector<1024x64xf32>
    %dot_general3A_32 = tpu.matmul %get3A_27, %get3A_30, %dot_general3A_31 {dimension_numbers = #tpu.dot_dimension_numbers<[1], [0], [0], [1], [0, 0, 1, 1], [], []>, transpose_lhs_hint = false} : vector<1024x64xf32>, vector<64x64xf32>, vector<1024x64xf32> -> vector<1024x64xf32>
    %get3A_33 = arith.constant 0 : index
    %get3A_34 = arith.constant 0 : index
    %get3A_35 = vector.load %arg8[%get3A_33, %get3A_34] : memref<1x64xf32, #tpu.memory_space<vmem>>, vector<1x64xf32>
    %add3A_36 = vector.broadcast %get3A_35 : vector<1x64xf32> to vector<1024x64xf32>
    %add3A_37 = arith.addf %dot_general3A_32, %add3A_36 : vector<1024x64xf32>
    %swap3A_38 = arith.constant 0 : index
    %swap3A_39 = arith.constant 0 : index
    %swap3A_40 = arith.constant 0 : index
    %swap3A_41 = vector.load %arg11[%swap3A_38, %swap3A_39, %swap3A_40] : memref<1x1024x64xf32, #tpu.memory_space<vmem>>, vector<1x1024x64xf32>
    %swap3A_42 = vector.shape_cast %swap3A_41 : vector<1x1024x64xf32> to vector<1024x64xf32>
    %swap3A_43 = vector.shape_cast %add3A_37 : vector<1024x64xf32> to vector<1x1024x64xf32>
    tpu.vector_store %arg11[%swap3A_38, %swap3A_39, %swap3A_40], %swap3A_43 {strides = array<i32>} : memref<1x1024x64xf32, #tpu.memory_space<vmem>>, vector<1x1024x64xf32>,
    %get3A_44 = arith.constant 0 : index
    %get3A_45 = arith.constant 0 : index
    %get3A_46 = arith.constant 0 : index
    %get3A_47 = vector.load %arg4[%get3A_44, %get3A_45, %get3A_46] : memref<1x1024x64xf32, #tpu.memory_space<vmem>>, vector<1x1024x64xf32>
    %get3A_48 = vector.shape_cast %get3A_47 : vector<1x1024x64xf32> to vector<1024x64xf32>
    %mul3A = arith.mulf %get3A_48, %get3A_48 : vector<1024x64xf32>
    %reduce_sum3A = arith.constant dense<0.000000e+00> : vector<1024xf32>
    %reduce_sum3A_49 = vector.multi_reduction <add>, %mul3A, %reduce_sum3A [1] : vector<1024x64xf32> to vector<1024xf32>
    %broadcast_in_dim3A_50 = vector.shape_cast %reduce_sum3A_49 : vector<1024xf32> to vector<1024x1xf32>
    %sqrt3A = math.sqrt %broadcast_in_dim3A_50 : vector<1024x1xf32>
    %add3A_51 = arith.constant 9.99999993E-9 : f32
    %add3A_52 = vector.broadcast %add3A_51 : f32 to vector<1024x1xf32>
    %add3A_53 = arith.addf %sqrt3A, %add3A_52 : vector<1024x1xf32>
    %div3A = vector.broadcast %add3A_53 : vector<1024x1xf32> to vector<1024x64xf32>
    %div3A_54 = arith.divf %get3A_48, %div3A : vector<1024x64xf32>
    %swap3A_55 = arith.constant 0 : index
    %swap3A_56 = arith.constant 0 : index
    %swap3A_57 = arith.constant 0 : index
    %swap3A_58 = vector.load %arg12[%swap3A_55, %swap3A_56, %swap3A_57] : memref<1x1024x64xf32, #tpu.memory_space<vmem>>, vector<1x1024x64xf32>
    %swap3A_59 = vector.shape_cast %swap3A_58 : vector<1x1024x64xf32> to vector<1024x64xf32>
    %swap3A_60 = vector.shape_cast %div3A_54 : vector<1024x64xf32> to vector<1x1024x64xf32>
    tpu.vector_store %arg12[%swap3A_55, %swap3A_56, %swap3A_57], %swap3A_60 {strides = array<i32>} : memref<1x1024x64xf32, #tpu.memory_space<vmem>>, vector<1x1024x64xf32>,
    return
  }
  func.func @transform_0(%arg0: i32, %arg1: i32) -> (i32, i32, i32) {
    %add3A = arith.constant 2 : i32
    %add3A_0 = arith.addi %arg0, %add3A : i32
    %jit3A = arith.constant 4 : i32
    %eq3A = arith.constant 0 : i32
    %eq3A_1 = arith.cmpi eq, %jit3A, %eq3A : i32
    %jit3A_2 = arith.constant 1 : i32
    %select_n3A = arith.select %eq3A_1, %jit3A_2, %jit3A : i32
    %rem3A = arith.remsi %add3A_0, %select_n3A : i32
    %ne3A = arith.constant 0 : i32
    %ne3A_3 = arith.cmpi ne, %rem3A, %ne3A : i32
    %lt3A = arith.constant 0 : i32
    %lt3A_4 = arith.cmpi slt, %rem3A, %lt3A : i32
    %lt3A_5 = arith.constant 0 : i32
    %lt3A_6 = arith.cmpi slt, %select_n3A, %lt3A_5 : i32
    %ne3A_7 = arith.xori %lt3A_4, %lt3A_6 : i1
    %and3A = arith.andi %ne3A_7, %ne3A_3 : i1
    %add3A_8 = arith.addi %rem3A, %select_n3A : i32
    %select_n3A_9 = arith.select %and3A, %add3A_8, %rem3A : i32
    %c0_i32 = arith.constant 0 : i32
    %c0_i32_10 = arith.constant 0 : i32
    return %select_n3A_9, %arg1, %c0_i32 : i32, i32, i32
  }
  func.func @transform_1(%arg0: i32, %arg1: i32) -> (i32, i32, i32) {
    %c0_i32 = arith.constant 0 : i32
    %c0_i32_0 = arith.constant 0 : i32
    return %arg0, %arg1, %c0_i32 : i32, i32, i32
  }
  func.func @transform_2(%arg0: i32, %arg1: i32) -> (i32, i32, i32) {
    %c0_i32 = arith.constant 0 : i32
    %c0_i32_0 = arith.constant 0 : i32
    return %arg0, %arg1, %c0_i32 : i32, i32, i32
  }
  func.func @transform_3(%arg0: i32, %arg1: i32) -> (i32, i32, i32) {
    %add3A = arith.constant 2 : i32
    %add3A_0 = arith.addi %arg0, %add3A : i32
    %jit3A = arith.constant 4 : i32
    %eq3A = arith.constant 0 : i32
    %eq3A_1 = arith.cmpi eq, %jit3A, %eq3A : i32
    %jit3A_2 = arith.constant 1 : i32
    %select_n3A = arith.select %eq3A_1, %jit3A_2, %jit3A : i32
    %rem3A = arith.remsi %add3A_0, %select_n3A : i32
    %ne3A = arith.constant 0 : i32
    %ne3A_3 = arith.cmpi ne, %rem3A, %ne3A : i32
    %lt3A = arith.constant 0 : i32
    %lt3A_4 = arith.cmpi slt, %rem3A, %lt3A : i32
    %lt3A_5 = arith.constant 0 : i32
    %lt3A_6 = arith.cmpi slt, %select_n3A, %lt3A_5 : i32
    %ne3A_7 = arith.xori %lt3A_4, %lt3A_6 : i1
    %and3A = arith.andi %ne3A_7, %ne3A_3 : i1
    %add3A_8 = arith.addi %rem3A, %select_n3A : i32
    %select_n3A_9 = arith.select %and3A, %add3A_8, %rem3A : i32
    %c0_i32 = arith.constant 0 : i32
    %c0_i32_10 = arith.constant 0 : i32
    return %select_n3A_9, %arg1, %c0_i32 : i32, i32, i32
  }
  func.func @transform_4(%arg0: i32, %arg1: i32) -> (i32, i32) {
    %c0_i32 = arith.constant 0 : i32
    %c0_i32_0 = arith.constant 0 : i32
    %c0_i32_1 = arith.constant 0 : i32
    return %c0_i32, %c0_i32_0 : i32, i32
  }
  func.func @transform_5(%arg0: i32, %arg1: i32) -> (i32, i32) {
    %c0_i32 = arith.constant 0 : i32
    %c0_i32_0 = arith.constant 0 : i32
    %c0_i32_1 = arith.constant 0 : i32
    return %c0_i32, %c0_i32_0 : i32, i32
  }
  func.func @transform_6(%arg0: i32, %arg1: i32) -> (i32, i32) {
    %c0_i32 = arith.constant 0 : i32
    %c0_i32_0 = arith.constant 0 : i32
    %c0_i32_1 = arith.constant 0 : i32
    return %c0_i32, %c0_i32_0 : i32, i32
  }
  func.func @transform_7(%arg0: i32, %arg1: i32) -> (i32, i32) {
    %c0_i32 = arith.constant 0 : i32
    %c0_i32_0 = arith.constant 0 : i32
    %c0_i32_1 = arith.constant 0 : i32
    return %c0_i32, %c0_i32_0 : i32, i32
  }
  func.func @transform_8(%arg0: i32, %arg1: i32) -> (i32, i32, i32) {
    %c0_i32 = arith.constant 0 : i32
    %c0_i32_0 = arith.constant 0 : i32
    return %arg0, %arg1, %c0_i32 : i32, i32, i32
  }
  func.func @transform_9(%arg0: i32, %arg1: i32) -> (i32, i32, i32) {
    %c0_i32 = arith.constant 0 : i32
    %c0_i32_0 = arith.constant 0 : i32
    return %arg0, %arg1, %c0_i32 : i32, i32, i32
  }
  func.func @transform_10(%arg0: i32, %arg1: i32) -> (i32, i32, i32) {
    %c0_i32 = arith.constant 0 : i32
    %c0_i32_0 = arith.constant 0 : i32
    return %arg0, %arg1, %c0_i32 : i32, i32, i32
  }
}

module attributes {stable_mosaic.version = 14 : i64} {
  func.func @_knn_body(%arg0: i32, %arg1: i32, %arg2: memref<1x64x256xf32, #tpu.memory_space<vmem>>, %arg3: memref<1x4096x64xf32, #tpu.memory_space<vmem>>, %arg4: memref<1x3x256xf32, #tpu.memory_space<vmem>>, %arg5: memref<1x4096x3xf32, #tpu.memory_space<vmem>>, %arg6: memref<1x32x256xi32, #tpu.memory_space<vmem>>) attributes {dimension_semantics = [#tpu.dimension_semantics<arbitrary>, #tpu.dimension_semantics<arbitrary>], iteration_bounds = array<i64: 2, 16>, scalar_prefetch = 0 : i64, scratch_operands = 0 : i64, tpu.core_type = #tpu.core_type<tc>, window_params = [{transform_indices = @transform_0, window_bounds = array<i64: 1, 64, 256>}, {transform_indices = @transform_1, window_bounds = array<i64: 1, 4096, 64>}, {transform_indices = @transform_2, window_bounds = array<i64: 1, 3, 256>}, {transform_indices = @transform_3, window_bounds = array<i64: 1, 4096, 3>}, {transform_indices = @transform_4, window_bounds = array<i64: 1, 32, 256>}]} {
    %get3A = arith.constant 0 : index
    %get3A_0 = arith.constant 0 : index
    %get3A_1 = arith.constant 0 : index
    %get3A_2 = vector.load %arg3[%get3A, %get3A_0, %get3A_1] : memref<1x4096x64xf32, #tpu.memory_space<vmem>>, vector<1x4096x64xf32>
    %get3A_3 = vector.shape_cast %get3A_2 : vector<1x4096x64xf32> to vector<4096x64xf32>
    %get3A_4 = arith.constant 0 : index
    %get3A_5 = arith.constant 0 : index
    %get3A_6 = arith.constant 0 : index
    %get3A_7 = vector.load %arg2[%get3A_4, %get3A_5, %get3A_6] : memref<1x64x256xf32, #tpu.memory_space<vmem>>, vector<1x64x256xf32>
    %get3A_8 = vector.shape_cast %get3A_7 : vector<1x64x256xf32> to vector<64x256xf32>
    %dot_general3A = arith.constant dense<0.000000e+00> : vector<4096x256xf32>
    %dot_general3A_9 = tpu.matmul %get3A_3, %get3A_8, %dot_general3A {dimension_numbers = #tpu.dot_dimension_numbers<[1], [0], [0], [1], [0, 0, 1, 1], [], []>, transpose_lhs_hint = false} : vector<4096x64xf32>, vector<64x256xf32>, vector<4096x256xf32> -> vector<4096x256xf32>
    %get3A_10 = arith.constant 0 : index
    %get3A_11 = arith.constant 0 : index
    %get3A_12 = arith.constant 0 : index
    %get3A_13 = vector.load %arg4[%get3A_10, %get3A_11, %get3A_12] : memref<1x3x256xf32, #tpu.memory_space<vmem>>, vector<1x3x256xf32>
    %get3A_14 = vector.shape_cast %get3A_13 : vector<1x3x256xf32> to vector<3x256xf32>
    %get3A_15 = arith.constant 0 : index
    %get3A_16 = arith.constant 0 : index
    %get3A_17 = arith.constant 0 : index
    %get3A_18 = vector.load %arg5[%get3A_15, %get3A_16, %get3A_17] : memref<1x4096x3xf32, #tpu.memory_space<vmem>>, vector<1x4096x3xf32>
    %get3A_19 = vector.shape_cast %get3A_18 : vector<1x4096x3xf32> to vector<4096x3xf32>
    %dot_general3A_20 = arith.constant dense<0.000000e+00> : vector<4096x256xf32>
    %dot_general3A_21 = tpu.matmul %get3A_19, %get3A_14, %dot_general3A_20 {dimension_numbers = #tpu.dot_dimension_numbers<[1], [0], [0], [1], [0, 0, 1, 1], [], []>, transpose_lhs_hint = false} : vector<4096x3xf32>, vector<3x256xf32>, vector<4096x256xf32> -> vector<4096x256xf32>
    %mul3A = arith.mulf %get3A_14, %get3A_14 : vector<3x256xf32>
    %reduce_sum3A = arith.constant dense<0.000000e+00> : vector<256xf32>
    %reduce_sum3A_22 = vector.multi_reduction <add>, %mul3A, %reduce_sum3A [0] : vector<3x256xf32> to vector<256xf32>
    %broadcast_in_dim3A = vector.shape_cast %reduce_sum3A_22 : vector<256xf32> to vector<1x256xf32>
    %mul3A_23 = arith.mulf %get3A_19, %get3A_19 : vector<4096x3xf32>
    %reduce_sum3A_24 = arith.constant dense<0.000000e+00> : vector<4096xf32>
    %reduce_sum3A_25 = vector.multi_reduction <add>, %mul3A_23, %reduce_sum3A_24 [1] : vector<4096x3xf32> to vector<4096xf32>
    %broadcast_in_dim3A_26 = vector.shape_cast %reduce_sum3A_25 : vector<4096xf32> to vector<4096x1xf32>
    %add3A = vector.broadcast %broadcast_in_dim3A : vector<1x256xf32> to vector<4096x256xf32>
    %add3A_27 = vector.broadcast %broadcast_in_dim3A_26 : vector<4096x1xf32> to vector<4096x256xf32>
    %add3A_28 = arith.addf %add3A, %add3A_27 : vector<4096x256xf32>
    %mul3A_29 = arith.constant 2.000000e+00 : f32
    %mul3A_30 = vector.broadcast %mul3A_29 : f32 to vector<4096x256xf32>
    %mul3A_31 = arith.mulf %mul3A_30, %dot_general3A_21 : vector<4096x256xf32>
    %sub3A = arith.subf %add3A_28, %mul3A_31 : vector<4096x256xf32>
    %max3A = arith.constant 9.99999996E-13 : f32
    %max3A_32 = vector.broadcast %max3A : f32 to vector<4096x256xf32>
    %max3A_33 = arith.maximumf %sub3A, %max3A_32 : vector<4096x256xf32>
    %sqrt3A = math.sqrt %max3A_33 : vector<4096x256xf32>
    %reshape3A = vector.shape_cast %sqrt3A : vector<4096x256xf32> to vector<128x32x256xf32>
    %iota3A = tpu.iota {dimensions = array<i32: 1>} : vector<128x32x256xi32>
    %iota3A_34 = tpu.iota {dimensions = array<i32: 0>} : vector<128x1x256xi32>
    %mul3A_35 = arith.constant 32 : i32
    %mul3A_36 = vector.broadcast %mul3A_35 : i32 to vector<128x1x256xi32>
    %mul3A_37 = arith.muli %iota3A_34, %mul3A_36 : vector<128x1x256xi32>
    %reduce_min3A = arith.constant dense<0x7F800000> : vector<128x256xf32>
    %reduce_min3A_38 = vector.multi_reduction <minimumf>, %reshape3A, %reduce_min3A [1] : vector<128x32x256xf32> to vector<128x256xf32>
    %broadcast_in_dim3A_39 = vector.shape_cast %reduce_min3A_38 : vector<128x256xf32> to vector<128x1x256xf32>
    %eq3A = vector.broadcast %broadcast_in_dim3A_39 : vector<128x1x256xf32> to vector<128x32x256xf32>
    %eq3A_40 = arith.cmpf oeq, %reshape3A, %eq3A : vector<128x32x256xf32>
    %jit3A = arith.constant 32 : i32
    %broadcast_in_dim3A_41 = vector.broadcast %jit3A : i32 to vector<128x32x256xi32>
    %select_n3A = arith.select %eq3A_40, %iota3A, %broadcast_in_dim3A_41 : vector<128x32x256xi1>, vector<128x32x256xi32>
    %reduce_min3A_42 = arith.constant dense<2147483647> : vector<128x256xi32>
    %reduce_min3A_43 = vector.multi_reduction <minsi>, %select_n3A, %reduce_min3A_42 [1] : vector<128x32x256xi32> to vector<128x256xi32>
    %broadcast_in_dim3A_44 = vector.shape_cast %reduce_min3A_43 : vector<128x256xi32> to vector<128x1x256xi32>
    %add3A_45 = arith.addi %mul3A_37, %broadcast_in_dim3A_44 : vector<128x1x256xi32>
    %eq3A_46 = vector.broadcast %broadcast_in_dim3A_44 : vector<128x1x256xi32> to vector<128x32x256xi32>
    %eq3A_47 = arith.cmpi eq, %select_n3A, %eq3A_46 : vector<128x32x256xi32>
    %jit3A_48 = arith.constant 0x7F800000 : f32
    %broadcast_in_dim3A_49 = vector.broadcast %jit3A_48 : f32 to vector<128x32x256xf32>
    %select_n3A_50 = arith.select %eq3A_47, %broadcast_in_dim3A_49, %reshape3A : vector<128x32x256xi1>, vector<128x32x256xf32>
    %reduce_min3A_51 = arith.constant dense<0x7F800000> : vector<128x256xf32>
    %reduce_min3A_52 = vector.multi_reduction <minimumf>, %select_n3A_50, %reduce_min3A_51 [1] : vector<128x32x256xf32> to vector<128x256xf32>
    %broadcast_in_dim3A_53 = vector.shape_cast %reduce_min3A_52 : vector<128x256xf32> to vector<128x1x256xf32>
    %eq3A_54 = vector.broadcast %broadcast_in_dim3A_53 : vector<128x1x256xf32> to vector<128x32x256xf32>
    %eq3A_55 = arith.cmpf oeq, %select_n3A_50, %eq3A_54 : vector<128x32x256xf32>
    %jit3A_56 = arith.constant 32 : i32
    %broadcast_in_dim3A_57 = vector.broadcast %jit3A_56 : i32 to vector<128x32x256xi32>
    %select_n3A_58 = arith.select %eq3A_55, %iota3A, %broadcast_in_dim3A_57 : vector<128x32x256xi1>, vector<128x32x256xi32>
    %reduce_min3A_59 = arith.constant dense<2147483647> : vector<128x256xi32>
    %reduce_min3A_60 = vector.multi_reduction <minsi>, %select_n3A_58, %reduce_min3A_59 [1] : vector<128x32x256xi32> to vector<128x256xi32>
    %broadcast_in_dim3A_61 = vector.shape_cast %reduce_min3A_60 : vector<128x256xi32> to vector<128x1x256xi32>
    %add3A_62 = arith.addi %mul3A_37, %broadcast_in_dim3A_61 : vector<128x1x256xi32>
    %eq3A_63 = vector.broadcast %broadcast_in_dim3A_61 : vector<128x1x256xi32> to vector<128x32x256xi32>
    %eq3A_64 = arith.cmpi eq, %select_n3A_58, %eq3A_63 : vector<128x32x256xi32>
    %jit3A_65 = arith.constant 0x7F800000 : f32
    %broadcast_in_dim3A_66 = vector.broadcast %jit3A_65 : f32 to vector<128x32x256xf32>
    %select_n3A_67 = arith.select %eq3A_64, %broadcast_in_dim3A_66, %select_n3A_50 : vector<128x32x256xi1>, vector<128x32x256xf32>
    %reduce_min3A_68 = arith.constant dense<0x7F800000> : vector<128x256xf32>
    %reduce_min3A_69 = vector.multi_reduction <minimumf>, %select_n3A_67, %reduce_min3A_68 [1] : vector<128x32x256xf32> to vector<128x256xf32>
    %broadcast_in_dim3A_70 = vector.shape_cast %reduce_min3A_69 : vector<128x256xf32> to vector<128x1x256xf32>
    %eq3A_71 = vector.broadcast %broadcast_in_dim3A_70 : vector<128x1x256xf32> to vector<128x32x256xf32>
    %eq3A_72 = arith.cmpf oeq, %select_n3A_67, %eq3A_71 : vector<128x32x256xf32>
    %jit3A_73 = arith.constant 32 : i32
    %broadcast_in_dim3A_74 = vector.broadcast %jit3A_73 : i32 to vector<128x32x256xi32>
    %select_n3A_75 = arith.select %eq3A_72, %iota3A, %broadcast_in_dim3A_74 : vector<128x32x256xi1>, vector<128x32x256xi32>
    %reduce_min3A_76 = arith.constant dense<2147483647> : vector<128x256xi32>
    %reduce_min3A_77 = vector.multi_reduction <minsi>, %select_n3A_75, %reduce_min3A_76 [1] : vector<128x32x256xi32> to vector<128x256xi32>
    %broadcast_in_dim3A_78 = vector.shape_cast %reduce_min3A_77 : vector<128x256xi32> to vector<128x1x256xi32>
    %add3A_79 = arith.addi %mul3A_37, %broadcast_in_dim3A_78 : vector<128x1x256xi32>
    %eq3A_80 = vector.broadcast %broadcast_in_dim3A_78 : vector<128x1x256xi32> to vector<128x32x256xi32>
    %eq3A_81 = arith.cmpi eq, %select_n3A_75, %eq3A_80 : vector<128x32x256xi32>
    %jit3A_82 = arith.constant 0x7F800000 : f32
    %broadcast_in_dim3A_83 = vector.broadcast %jit3A_82 : f32 to vector<128x32x256xf32>
    %select_n3A_84 = arith.select %eq3A_81, %broadcast_in_dim3A_83, %select_n3A_67 : vector<128x32x256xi1>, vector<128x32x256xf32>
    %reduce_min3A_85 = arith.constant dense<0x7F800000> : vector<128x256xf32>
    %reduce_min3A_86 = vector.multi_reduction <minimumf>, %select_n3A_84, %reduce_min3A_85 [1] : vector<128x32x256xf32> to vector<128x256xf32>
    %broadcast_in_dim3A_87 = vector.shape_cast %reduce_min3A_86 : vector<128x256xf32> to vector<128x1x256xf32>
    %eq3A_88 = vector.broadcast %broadcast_in_dim3A_87 : vector<128x1x256xf32> to vector<128x32x256xf32>
    %eq3A_89 = arith.cmpf oeq, %select_n3A_84, %eq3A_88 : vector<128x32x256xf32>
    %jit3A_90 = arith.constant 32 : i32
    %broadcast_in_dim3A_91 = vector.broadcast %jit3A_90 : i32 to vector<128x32x256xi32>
    %select_n3A_92 = arith.select %eq3A_89, %iota3A, %broadcast_in_dim3A_91 : vector<128x32x256xi1>, vector<128x32x256xi32>
    %reduce_min3A_93 = arith.constant dense<2147483647> : vector<128x256xi32>
    %reduce_min3A_94 = vector.multi_reduction <minsi>, %select_n3A_92, %reduce_min3A_93 [1] : vector<128x32x256xi32> to vector<128x256xi32>
    %broadcast_in_dim3A_95 = vector.shape_cast %reduce_min3A_94 : vector<128x256xi32> to vector<128x1x256xi32>
    %add3A_96 = arith.addi %mul3A_37, %broadcast_in_dim3A_95 : vector<128x1x256xi32>
    %concatenate3A = tpu.concatenate %broadcast_in_dim3A_39, %broadcast_in_dim3A_53, %broadcast_in_dim3A_70, %broadcast_in_dim3A_87 in 1 : vector<128x1x256xf32>, vector<128x1x256xf32>, vector<128x1x256xf32>, vector<128x1x256xf32> -> vector<128x4x256xf32>
    %reshape3A_97 = vector.shape_cast %concatenate3A : vector<128x4x256xf32> to vector<512x256xf32>
    %concatenate3A_98 = tpu.concatenate %add3A_45, %add3A_62, %add3A_79, %add3A_96 in 1 : vector<128x1x256xi32>, vector<128x1x256xi32>, vector<128x1x256xi32>, vector<128x1x256xi32> -> vector<128x4x256xi32>
    %reshape3A_99 = vector.shape_cast %concatenate3A_98 : vector<128x4x256xi32> to vector<512x256xi32>
    %iota3A_100 = tpu.iota {dimensions = array<i32: 0>} : vector<512x256xi32>
    %reduce_min3A_101 = arith.constant dense<0x7F800000> : vector<256xf32>
    %reduce_min3A_102 = vector.multi_reduction <minimumf>, %reshape3A_97, %reduce_min3A_101 [0] : vector<512x256xf32> to vector<256xf32>
    %broadcast_in_dim3A_103 = vector.shape_cast %reduce_min3A_102 : vector<256xf32> to vector<1x256xf32>
    %eq3A_104 = vector.broadcast %broadcast_in_dim3A_103 : vector<1x256xf32> to vector<512x256xf32>
    %eq3A_105 = arith.cmpf oeq, %reshape3A_97, %eq3A_104 : vector<512x256xf32>
    %jit3A_106 = arith.constant 512 : i32
    %broadcast_in_dim3A_107 = vector.broadcast %jit3A_106 : i32 to vector<512x256xi32>
    %select_n3A_108 = arith.select %eq3A_105, %iota3A_100, %broadcast_in_dim3A_107 : vector<512x256xi1>, vector<512x256xi32>
    %reduce_min3A_109 = arith.constant dense<2147483647> : vector<256xi32>
    %reduce_min3A_110 = vector.multi_reduction <minsi>, %select_n3A_108, %reduce_min3A_109 [0] : vector<512x256xi32> to vector<256xi32>
    %broadcast_in_dim3A_111 = vector.shape_cast %reduce_min3A_110 : vector<256xi32> to vector<1x256xi32>
    %eq3A_112 = vector.broadcast %broadcast_in_dim3A_111 : vector<1x256xi32> to vector<512x256xi32>
    %eq3A_113 = arith.cmpi eq, %select_n3A_108, %eq3A_112 : vector<512x256xi32>
    %jit3A_114 = arith.constant 0 : i32
    %broadcast_in_dim3A_115 = vector.broadcast %jit3A_114 : i32 to vector<512x256xi32>
    %select_n3A_116 = arith.select %eq3A_113, %reshape3A_99, %broadcast_in_dim3A_115 : vector<512x256xi1>, vector<512x256xi32>
    %reduce_sum3A_117 = arith.constant dense<0> : vector<256xi32>
    %reduce_sum3A_118 = vector.multi_reduction <add>, %select_n3A_116, %reduce_sum3A_117 [0] : vector<512x256xi32> to vector<256xi32>
    %broadcast_in_dim3A_119 = vector.shape_cast %reduce_sum3A_118 : vector<256xi32> to vector<1x256xi32>
    %jit3A_120 = arith.constant 0x7F800000 : f32
    %broadcast_in_dim3A_121 = vector.broadcast %jit3A_120 : f32 to vector<512x256xf32>
    %select_n3A_122 = arith.select %eq3A_113, %broadcast_in_dim3A_121, %reshape3A_97 : vector<512x256xi1>, vector<512x256xf32>
    %reduce_min3A_123 = arith.constant dense<0x7F800000> : vector<256xf32>
    %reduce_min3A_124 = vector.multi_reduction <minimumf>, %select_n3A_122, %reduce_min3A_123 [0] : vector<512x256xf32> to vector<256xf32>
    %broadcast_in_dim3A_125 = vector.shape_cast %reduce_min3A_124 : vector<256xf32> to vector<1x256xf32>
    %eq3A_126 = vector.broadcast %broadcast_in_dim3A_125 : vector<1x256xf32> to vector<512x256xf32>
    %eq3A_127 = arith.cmpf oeq, %select_n3A_122, %eq3A_126 : vector<512x256xf32>
    %jit3A_128 = arith.constant 512 : i32
    %broadcast_in_dim3A_129 = vector.broadcast %jit3A_128 : i32 to vector<512x256xi32>
    %select_n3A_130 = arith.select %eq3A_127, %iota3A_100, %broadcast_in_dim3A_129 : vector<512x256xi1>, vector<512x256xi32>
    %reduce_min3A_131 = arith.constant dense<2147483647> : vector<256xi32>
    %reduce_min3A_132 = vector.multi_reduction <minsi>, %select_n3A_130, %reduce_min3A_131 [0] : vector<512x256xi32> to vector<256xi32>
    %broadcast_in_dim3A_133 = vector.shape_cast %reduce_min3A_132 : vector<256xi32> to vector<1x256xi32>
    %eq3A_134 = vector.broadcast %broadcast_in_dim3A_133 : vector<1x256xi32> to vector<512x256xi32>
    %eq3A_135 = arith.cmpi eq, %select_n3A_130, %eq3A_134 : vector<512x256xi32>
    %jit3A_136 = arith.constant 0 : i32
    %broadcast_in_dim3A_137 = vector.broadcast %jit3A_136 : i32 to vector<512x256xi32>
    %select_n3A_138 = arith.select %eq3A_135, %reshape3A_99, %broadcast_in_dim3A_137 : vector<512x256xi1>, vector<512x256xi32>
    %reduce_sum3A_139 = arith.constant dense<0> : vector<256xi32>
    %reduce_sum3A_140 = vector.multi_reduction <add>, %select_n3A_138, %reduce_sum3A_139 [0] : vector<512x256xi32> to vector<256xi32>
    %broadcast_in_dim3A_141 = vector.shape_cast %reduce_sum3A_140 : vector<256xi32> to vector<1x256xi32>
    %jit3A_142 = arith.constant 0x7F800000 : f32
    %broadcast_in_dim3A_143 = vector.broadcast %jit3A_142 : f32 to vector<512x256xf32>
    %select_n3A_144 = arith.select %eq3A_135, %broadcast_in_dim3A_143, %select_n3A_122 : vector<512x256xi1>, vector<512x256xf32>
    %reduce_min3A_145 = arith.constant dense<0x7F800000> : vector<256xf32>
    %reduce_min3A_146 = vector.multi_reduction <minimumf>, %select_n3A_144, %reduce_min3A_145 [0] : vector<512x256xf32> to vector<256xf32>
    %broadcast_in_dim3A_147 = vector.shape_cast %reduce_min3A_146 : vector<256xf32> to vector<1x256xf32>
    %eq3A_148 = vector.broadcast %broadcast_in_dim3A_147 : vector<1x256xf32> to vector<512x256xf32>
    %eq3A_149 = arith.cmpf oeq, %select_n3A_144, %eq3A_148 : vector<512x256xf32>
    %jit3A_150 = arith.constant 512 : i32
    %broadcast_in_dim3A_151 = vector.broadcast %jit3A_150 : i32 to vector<512x256xi32>
    %select_n3A_152 = arith.select %eq3A_149, %iota3A_100, %broadcast_in_dim3A_151 : vector<512x256xi1>, vector<512x256xi32>
    %reduce_min3A_153 = arith.constant dense<2147483647> : vector<256xi32>
    %reduce_min3A_154 = vector.multi_reduction <minsi>, %select_n3A_152, %reduce_min3A_153 [0] : vector<512x256xi32> to vector<256xi32>
    %broadcast_in_dim3A_155 = vector.shape_cast %reduce_min3A_154 : vector<256xi32> to vector<1x256xi32>
    %eq3A_156 = vector.broadcast %broadcast_in_dim3A_155 : vector<1x256xi32> to vector<512x256xi32>
    %eq3A_157 = arith.cmpi eq, %select_n3A_152, %eq3A_156 : vector<512x256xi32>
    %jit3A_158 = arith.constant 0 : i32
    %broadcast_in_dim3A_159 = vector.broadcast %jit3A_158 : i32 to vector<512x256xi32>
    %select_n3A_160 = arith.select %eq3A_157, %reshape3A_99, %broadcast_in_dim3A_159 : vector<512x256xi1>, vector<512x256xi32>
    %reduce_sum3A_161 = arith.constant dense<0> : vector<256xi32>
    %reduce_sum3A_162 = vector.multi_reduction <add>, %select_n3A_160, %reduce_sum3A_161 [0] : vector<512x256xi32> to vector<256xi32>
    %broadcast_in_dim3A_163 = vector.shape_cast %reduce_sum3A_162 : vector<256xi32> to vector<1x256xi32>
    %jit3A_164 = arith.constant 0x7F800000 : f32
    %broadcast_in_dim3A_165 = vector.broadcast %jit3A_164 : f32 to vector<512x256xf32>
    %select_n3A_166 = arith.select %eq3A_157, %broadcast_in_dim3A_165, %select_n3A_144 : vector<512x256xi1>, vector<512x256xf32>
    %reduce_min3A_167 = arith.constant dense<0x7F800000> : vector<256xf32>
    %reduce_min3A_168 = vector.multi_reduction <minimumf>, %select_n3A_166, %reduce_min3A_167 [0] : vector<512x256xf32> to vector<256xf32>
    %broadcast_in_dim3A_169 = vector.shape_cast %reduce_min3A_168 : vector<256xf32> to vector<1x256xf32>
    %eq3A_170 = vector.broadcast %broadcast_in_dim3A_169 : vector<1x256xf32> to vector<512x256xf32>
    %eq3A_171 = arith.cmpf oeq, %select_n3A_166, %eq3A_170 : vector<512x256xf32>
    %jit3A_172 = arith.constant 512 : i32
    %broadcast_in_dim3A_173 = vector.broadcast %jit3A_172 : i32 to vector<512x256xi32>
    %select_n3A_174 = arith.select %eq3A_171, %iota3A_100, %broadcast_in_dim3A_173 : vector<512x256xi1>, vector<512x256xi32>
    %reduce_min3A_175 = arith.constant dense<2147483647> : vector<256xi32>
    %reduce_min3A_176 = vector.multi_reduction <minsi>, %select_n3A_174, %reduce_min3A_175 [0] : vector<512x256xi32> to vector<256xi32>
    %broadcast_in_dim3A_177 = vector.shape_cast %reduce_min3A_176 : vector<256xi32> to vector<1x256xi32>
    %eq3A_178 = vector.broadcast %broadcast_in_dim3A_177 : vector<1x256xi32> to vector<512x256xi32>
    %eq3A_179 = arith.cmpi eq, %select_n3A_174, %eq3A_178 : vector<512x256xi32>
    %jit3A_180 = arith.constant 0 : i32
    %broadcast_in_dim3A_181 = vector.broadcast %jit3A_180 : i32 to vector<512x256xi32>
    %select_n3A_182 = arith.select %eq3A_179, %reshape3A_99, %broadcast_in_dim3A_181 : vector<512x256xi1>, vector<512x256xi32>
    %reduce_sum3A_183 = arith.constant dense<0> : vector<256xi32>
    %reduce_sum3A_184 = vector.multi_reduction <add>, %select_n3A_182, %reduce_sum3A_183 [0] : vector<512x256xi32> to vector<256xi32>
    %broadcast_in_dim3A_185 = vector.shape_cast %reduce_sum3A_184 : vector<256xi32> to vector<1x256xi32>
    %jit3A_186 = arith.constant 0x7F800000 : f32
    %broadcast_in_dim3A_187 = vector.broadcast %jit3A_186 : f32 to vector<512x256xf32>
    %select_n3A_188 = arith.select %eq3A_179, %broadcast_in_dim3A_187, %select_n3A_166 : vector<512x256xi1>, vector<512x256xf32>
    %reduce_min3A_189 = arith.constant dense<0x7F800000> : vector<256xf32>
    %reduce_min3A_190 = vector.multi_reduction <minimumf>, %select_n3A_188, %reduce_min3A_189 [0] : vector<512x256xf32> to vector<256xf32>
    %broadcast_in_dim3A_191 = vector.shape_cast %reduce_min3A_190 : vector<256xf32> to vector<1x256xf32>
    %eq3A_192 = vector.broadcast %broadcast_in_dim3A_191 : vector<1x256xf32> to vector<512x256xf32>
    %eq3A_193 = arith.cmpf oeq, %select_n3A_188, %eq3A_192 : vector<512x256xf32>
    %jit3A_194 = arith.constant 512 : i32
    %broadcast_in_dim3A_195 = vector.broadcast %jit3A_194 : i32 to vector<512x256xi32>
    %select_n3A_196 = arith.select %eq3A_193, %iota3A_100, %broadcast_in_dim3A_195 : vector<512x256xi1>, vector<512x256xi32>
    %reduce_min3A_197 = arith.constant dense<2147483647> : vector<256xi32>
    %reduce_min3A_198 = vector.multi_reduction <minsi>, %select_n3A_196, %reduce_min3A_197 [0] : vector<512x256xi32> to vector<256xi32>
    %broadcast_in_dim3A_199 = vector.shape_cast %reduce_min3A_198 : vector<256xi32> to vector<1x256xi32>
    %eq3A_200 = vector.broadcast %broadcast_in_dim3A_199 : vector<1x256xi32> to vector<512x256xi32>
    %eq3A_201 = arith.cmpi eq, %select_n3A_196, %eq3A_200 : vector<512x256xi32>
    %jit3A_202 = arith.constant 0 : i32
    %broadcast_in_dim3A_203 = vector.broadcast %jit3A_202 : i32 to vector<512x256xi32>
    %select_n3A_204 = arith.select %eq3A_201, %reshape3A_99, %broadcast_in_dim3A_203 : vector<512x256xi1>, vector<512x256xi32>
    %reduce_sum3A_205 = arith.constant dense<0> : vector<256xi32>
    %reduce_sum3A_206 = vector.multi_reduction <add>, %select_n3A_204, %reduce_sum3A_205 [0] : vector<512x256xi32> to vector<256xi32>
    %broadcast_in_dim3A_207 = vector.shape_cast %reduce_sum3A_206 : vector<256xi32> to vector<1x256xi32>
    %jit3A_208 = arith.constant 0x7F800000 : f32
    %broadcast_in_dim3A_209 = vector.broadcast %jit3A_208 : f32 to vector<512x256xf32>
    %select_n3A_210 = arith.select %eq3A_201, %broadcast_in_dim3A_209, %select_n3A_188 : vector<512x256xi1>, vector<512x256xf32>
    %reduce_min3A_211 = arith.constant dense<0x7F800000> : vector<256xf32>
    %reduce_min3A_212 = vector.multi_reduction <minimumf>, %select_n3A_210, %reduce_min3A_211 [0] : vector<512x256xf32> to vector<256xf32>
    %broadcast_in_dim3A_213 = vector.shape_cast %reduce_min3A_212 : vector<256xf32> to vector<1x256xf32>
    %eq3A_214 = vector.broadcast %broadcast_in_dim3A_213 : vector<1x256xf32> to vector<512x256xf32>
    %eq3A_215 = arith.cmpf oeq, %select_n3A_210, %eq3A_214 : vector<512x256xf32>
    %jit3A_216 = arith.constant 512 : i32
    %broadcast_in_dim3A_217 = vector.broadcast %jit3A_216 : i32 to vector<512x256xi32>
    %select_n3A_218 = arith.select %eq3A_215, %iota3A_100, %broadcast_in_dim3A_217 : vector<512x256xi1>, vector<512x256xi32>
    %reduce_min3A_219 = arith.constant dense<2147483647> : vector<256xi32>
    %reduce_min3A_220 = vector.multi_reduction <minsi>, %select_n3A_218, %reduce_min3A_219 [0] : vector<512x256xi32> to vector<256xi32>
    %broadcast_in_dim3A_221 = vector.shape_cast %reduce_min3A_220 : vector<256xi32> to vector<1x256xi32>
    %eq3A_222 = vector.broadcast %broadcast_in_dim3A_221 : vector<1x256xi32> to vector<512x256xi32>
    %eq3A_223 = arith.cmpi eq, %select_n3A_218, %eq3A_222 : vector<512x256xi32>
    %jit3A_224 = arith.constant 0 : i32
    %broadcast_in_dim3A_225 = vector.broadcast %jit3A_224 : i32 to vector<512x256xi32>
    %select_n3A_226 = arith.select %eq3A_223, %reshape3A_99, %broadcast_in_dim3A_225 : vector<512x256xi1>, vector<512x256xi32>
    %reduce_sum3A_227 = arith.constant dense<0> : vector<256xi32>
    %reduce_sum3A_228 = vector.multi_reduction <add>, %select_n3A_226, %reduce_sum3A_227 [0] : vector<512x256xi32> to vector<256xi32>
    %broadcast_in_dim3A_229 = vector.shape_cast %reduce_sum3A_228 : vector<256xi32> to vector<1x256xi32>
    %jit3A_230 = arith.constant 0x7F800000 : f32
    %broadcast_in_dim3A_231 = vector.broadcast %jit3A_230 : f32 to vector<512x256xf32>
    %select_n3A_232 = arith.select %eq3A_223, %broadcast_in_dim3A_231, %select_n3A_210 : vector<512x256xi1>, vector<512x256xf32>
    %reduce_min3A_233 = arith.constant dense<0x7F800000> : vector<256xf32>
    %reduce_min3A_234 = vector.multi_reduction <minimumf>, %select_n3A_232, %reduce_min3A_233 [0] : vector<512x256xf32> to vector<256xf32>
    %broadcast_in_dim3A_235 = vector.shape_cast %reduce_min3A_234 : vector<256xf32> to vector<1x256xf32>
    %eq3A_236 = vector.broadcast %broadcast_in_dim3A_235 : vector<1x256xf32> to vector<512x256xf32>
    %eq3A_237 = arith.cmpf oeq, %select_n3A_232, %eq3A_236 : vector<512x256xf32>
    %jit3A_238 = arith.constant 512 : i32
    %broadcast_in_dim3A_239 = vector.broadcast %jit3A_238 : i32 to vector<512x256xi32>
    %select_n3A_240 = arith.select %eq3A_237, %iota3A_100, %broadcast_in_dim3A_239 : vector<512x256xi1>, vector<512x256xi32>
    %reduce_min3A_241 = arith.constant dense<2147483647> : vector<256xi32>
    %reduce_min3A_242 = vector.multi_reduction <minsi>, %select_n3A_240, %reduce_min3A_241 [0] : vector<512x256xi32> to vector<256xi32>
    %broadcast_in_dim3A_243 = vector.shape_cast %reduce_min3A_242 : vector<256xi32> to vector<1x256xi32>
    %eq3A_244 = vector.broadcast %broadcast_in_dim3A_243 : vector<1x256xi32> to vector<512x256xi32>
    %eq3A_245 = arith.cmpi eq, %select_n3A_240, %eq3A_244 : vector<512x256xi32>
    %jit3A_246 = arith.constant 0 : i32
    %broadcast_in_dim3A_247 = vector.broadcast %jit3A_246 : i32 to vector<512x256xi32>
    %select_n3A_248 = arith.select %eq3A_245, %reshape3A_99, %broadcast_in_dim3A_247 : vector<512x256xi1>, vector<512x256xi32>
    %reduce_sum3A_249 = arith.constant dense<0> : vector<256xi32>
    %reduce_sum3A_250 = vector.multi_reduction <add>, %select_n3A_248, %reduce_sum3A_249 [0] : vector<512x256xi32> to vector<256xi32>
    %broadcast_in_dim3A_251 = vector.shape_cast %reduce_sum3A_250 : vector<256xi32> to vector<1x256xi32>
    %jit3A_252 = arith.constant 0x7F800000 : f32
    %broadcast_in_dim3A_253 = vector.broadcast %jit3A_252 : f32 to vector<512x256xf32>
    %select_n3A_254 = arith.select %eq3A_245, %broadcast_in_dim3A_253, %select_n3A_232 : vector<512x256xi1>, vector<512x256xf32>
    %reduce_min3A_255 = arith.constant dense<0x7F800000> : vector<256xf32>
    %reduce_min3A_256 = vector.multi_reduction <minimumf>, %select_n3A_254, %reduce_min3A_255 [0] : vector<512x256xf32> to vector<256xf32>
    %broadcast_in_dim3A_257 = vector.shape_cast %reduce_min3A_256 : vector<256xf32> to vector<1x256xf32>
    %eq3A_258 = vector.broadcast %broadcast_in_dim3A_257 : vector<1x256xf32> to vector<512x256xf32>
    %eq3A_259 = arith.cmpf oeq, %select_n3A_254, %eq3A_258 : vector<512x256xf32>
    %jit3A_260 = arith.constant 512 : i32
    %broadcast_in_dim3A_261 = vector.broadcast %jit3A_260 : i32 to vector<512x256xi32>
    %select_n3A_262 = arith.select %eq3A_259, %iota3A_100, %broadcast_in_dim3A_261 : vector<512x256xi1>, vector<512x256xi32>
    %reduce_min3A_263 = arith.constant dense<2147483647> : vector<256xi32>
    %reduce_min3A_264 = vector.multi_reduction <minsi>, %select_n3A_262, %reduce_min3A_263 [0] : vector<512x256xi32> to vector<256xi32>
    %broadcast_in_dim3A_265 = vector.shape_cast %reduce_min3A_264 : vector<256xi32> to vector<1x256xi32>
    %eq3A_266 = vector.broadcast %broadcast_in_dim3A_265 : vector<1x256xi32> to vector<512x256xi32>
    %eq3A_267 = arith.cmpi eq, %select_n3A_262, %eq3A_266 : vector<512x256xi32>
    %jit3A_268 = arith.constant 0 : i32
    %broadcast_in_dim3A_269 = vector.broadcast %jit3A_268 : i32 to vector<512x256xi32>
    %select_n3A_270 = arith.select %eq3A_267, %reshape3A_99, %broadcast_in_dim3A_269 : vector<512x256xi1>, vector<512x256xi32>
    %reduce_sum3A_271 = arith.constant dense<0> : vector<256xi32>
    %reduce_sum3A_272 = vector.multi_reduction <add>, %select_n3A_270, %reduce_sum3A_271 [0] : vector<512x256xi32> to vector<256xi32>
    %broadcast_in_dim3A_273 = vector.shape_cast %reduce_sum3A_272 : vector<256xi32> to vector<1x256xi32>
    %jit3A_274 = arith.constant 0x7F800000 : f32
    %broadcast_in_dim3A_275 = vector.broadcast %jit3A_274 : f32 to vector<512x256xf32>
    %select_n3A_276 = arith.select %eq3A_267, %broadcast_in_dim3A_275, %select_n3A_254 : vector<512x256xi1>, vector<512x256xf32>
    %reduce_min3A_277 = arith.constant dense<0x7F800000> : vector<256xf32>
    %reduce_min3A_278 = vector.multi_reduction <minimumf>, %select_n3A_276, %reduce_min3A_277 [0] : vector<512x256xf32> to vector<256xf32>
    %broadcast_in_dim3A_279 = vector.shape_cast %reduce_min3A_278 : vector<256xf32> to vector<1x256xf32>
    %eq3A_280 = vector.broadcast %broadcast_in_dim3A_279 : vector<1x256xf32> to vector<512x256xf32>
    %eq3A_281 = arith.cmpf oeq, %select_n3A_276, %eq3A_280 : vector<512x256xf32>
    %jit3A_282 = arith.constant 512 : i32
    %broadcast_in_dim3A_283 = vector.broadcast %jit3A_282 : i32 to vector<512x256xi32>
    %select_n3A_284 = arith.select %eq3A_281, %iota3A_100, %broadcast_in_dim3A_283 : vector<512x256xi1>, vector<512x256xi32>
    %reduce_min3A_285 = arith.constant dense<2147483647> : vector<256xi32>
    %reduce_min3A_286 = vector.multi_reduction <minsi>, %select_n3A_284, %reduce_min3A_285 [0] : vector<512x256xi32> to vector<256xi32>
    %broadcast_in_dim3A_287 = vector.shape_cast %reduce_min3A_286 : vector<256xi32> to vector<1x256xi32>
    %eq3A_288 = vector.broadcast %broadcast_in_dim3A_287 : vector<1x256xi32> to vector<512x256xi32>
    %eq3A_289 = arith.cmpi eq, %select_n3A_284, %eq3A_288 : vector<512x256xi32>
    %jit3A_290 = arith.constant 0 : i32
    %broadcast_in_dim3A_291 = vector.broadcast %jit3A_290 : i32 to vector<512x256xi32>
    %select_n3A_292 = arith.select %eq3A_289, %reshape3A_99, %broadcast_in_dim3A_291 : vector<512x256xi1>, vector<512x256xi32>
    %reduce_sum3A_293 = arith.constant dense<0> : vector<256xi32>
    %reduce_sum3A_294 = vector.multi_reduction <add>, %select_n3A_292, %reduce_sum3A_293 [0] : vector<512x256xi32> to vector<256xi32>
    %broadcast_in_dim3A_295 = vector.shape_cast %reduce_sum3A_294 : vector<256xi32> to vector<1x256xi32>
    %jit3A_296 = arith.constant 0x7F800000 : f32
    %broadcast_in_dim3A_297 = vector.broadcast %jit3A_296 : f32 to vector<512x256xf32>
    %select_n3A_298 = arith.select %eq3A_289, %broadcast_in_dim3A_297, %select_n3A_276 : vector<512x256xi1>, vector<512x256xf32>
    %reduce_min3A_299 = arith.constant dense<0x7F800000> : vector<256xf32>
    %reduce_min3A_300 = vector.multi_reduction <minimumf>, %select_n3A_298, %reduce_min3A_299 [0] : vector<512x256xf32> to vector<256xf32>
    %broadcast_in_dim3A_301 = vector.shape_cast %reduce_min3A_300 : vector<256xf32> to vector<1x256xf32>
    %eq3A_302 = vector.broadcast %broadcast_in_dim3A_301 : vector<1x256xf32> to vector<512x256xf32>
    %eq3A_303 = arith.cmpf oeq, %select_n3A_298, %eq3A_302 : vector<512x256xf32>
    %jit3A_304 = arith.constant 512 : i32
    %broadcast_in_dim3A_305 = vector.broadcast %jit3A_304 : i32 to vector<512x256xi32>
    %select_n3A_306 = arith.select %eq3A_303, %iota3A_100, %broadcast_in_dim3A_305 : vector<512x256xi1>, vector<512x256xi32>
    %reduce_min3A_307 = arith.constant dense<2147483647> : vector<256xi32>
    %reduce_min3A_308 = vector.multi_reduction <minsi>, %select_n3A_306, %reduce_min3A_307 [0] : vector<512x256xi32> to vector<256xi32>
    %broadcast_in_dim3A_309 = vector.shape_cast %reduce_min3A_308 : vector<256xi32> to vector<1x256xi32>
    %eq3A_310 = vector.broadcast %broadcast_in_dim3A_309 : vector<1x256xi32> to vector<512x256xi32>
    %eq3A_311 = arith.cmpi eq, %select_n3A_306, %eq3A_310 : vector<512x256xi32>
    %jit3A_312 = arith.constant 0 : i32
    %broadcast_in_dim3A_313 = vector.broadcast %jit3A_312 : i32 to vector<512x256xi32>
    %select_n3A_314 = arith.select %eq3A_311, %reshape3A_99, %broadcast_in_dim3A_313 : vector<512x256xi1>, vector<512x256xi32>
    %reduce_sum3A_315 = arith.constant dense<0> : vector<256xi32>
    %reduce_sum3A_316 = vector.multi_reduction <add>, %select_n3A_314, %reduce_sum3A_315 [0] : vector<512x256xi32> to vector<256xi32>
    %broadcast_in_dim3A_317 = vector.shape_cast %reduce_sum3A_316 : vector<256xi32> to vector<1x256xi32>
    %jit3A_318 = arith.constant 0x7F800000 : f32
    %broadcast_in_dim3A_319 = vector.broadcast %jit3A_318 : f32 to vector<512x256xf32>
    %select_n3A_320 = arith.select %eq3A_311, %broadcast_in_dim3A_319, %select_n3A_298 : vector<512x256xi1>, vector<512x256xf32>
    %reduce_min3A_321 = arith.constant dense<0x7F800000> : vector<256xf32>
    %reduce_min3A_322 = vector.multi_reduction <minimumf>, %select_n3A_320, %reduce_min3A_321 [0] : vector<512x256xf32> to vector<256xf32>
    %broadcast_in_dim3A_323 = vector.shape_cast %reduce_min3A_322 : vector<256xf32> to vector<1x256xf32>
    %eq3A_324 = vector.broadcast %broadcast_in_dim3A_323 : vector<1x256xf32> to vector<512x256xf32>
    %eq3A_325 = arith.cmpf oeq, %select_n3A_320, %eq3A_324 : vector<512x256xf32>
    %jit3A_326 = arith.constant 512 : i32
    %broadcast_in_dim3A_327 = vector.broadcast %jit3A_326 : i32 to vector<512x256xi32>
    %select_n3A_328 = arith.select %eq3A_325, %iota3A_100, %broadcast_in_dim3A_327 : vector<512x256xi1>, vector<512x256xi32>
    %reduce_min3A_329 = arith.constant dense<2147483647> : vector<256xi32>
    %reduce_min3A_330 = vector.multi_reduction <minsi>, %select_n3A_328, %reduce_min3A_329 [0] : vector<512x256xi32> to vector<256xi32>
    %broadcast_in_dim3A_331 = vector.shape_cast %reduce_min3A_330 : vector<256xi32> to vector<1x256xi32>
    %eq3A_332 = vector.broadcast %broadcast_in_dim3A_331 : vector<1x256xi32> to vector<512x256xi32>
    %eq3A_333 = arith.cmpi eq, %select_n3A_328, %eq3A_332 : vector<512x256xi32>
    %jit3A_334 = arith.constant 0 : i32
    %broadcast_in_dim3A_335 = vector.broadcast %jit3A_334 : i32 to vector<512x256xi32>
    %select_n3A_336 = arith.select %eq3A_333, %reshape3A_99, %broadcast_in_dim3A_335 : vector<512x256xi1>, vector<512x256xi32>
    %reduce_sum3A_337 = arith.constant dense<0> : vector<256xi32>
    %reduce_sum3A_338 = vector.multi_reduction <add>, %select_n3A_336, %reduce_sum3A_337 [0] : vector<512x256xi32> to vector<256xi32>
    %broadcast_in_dim3A_339 = vector.shape_cast %reduce_sum3A_338 : vector<256xi32> to vector<1x256xi32>
    %jit3A_340 = arith.constant 0x7F800000 : f32
    %broadcast_in_dim3A_341 = vector.broadcast %jit3A_340 : f32 to vector<512x256xf32>
    %select_n3A_342 = arith.select %eq3A_333, %broadcast_in_dim3A_341, %select_n3A_320 : vector<512x256xi1>, vector<512x256xf32>
    %reduce_min3A_343 = arith.constant dense<0x7F800000> : vector<256xf32>
    %reduce_min3A_344 = vector.multi_reduction <minimumf>, %select_n3A_342, %reduce_min3A_343 [0] : vector<512x256xf32> to vector<256xf32>
    %broadcast_in_dim3A_345 = vector.shape_cast %reduce_min3A_344 : vector<256xf32> to vector<1x256xf32>
    %eq3A_346 = vector.broadcast %broadcast_in_dim3A_345 : vector<1x256xf32> to vector<512x256xf32>
    %eq3A_347 = arith.cmpf oeq, %select_n3A_342, %eq3A_346 : vector<512x256xf32>
    %jit3A_348 = arith.constant 512 : i32
    %broadcast_in_dim3A_349 = vector.broadcast %jit3A_348 : i32 to vector<512x256xi32>
    %select_n3A_350 = arith.select %eq3A_347, %iota3A_100, %broadcast_in_dim3A_349 : vector<512x256xi1>, vector<512x256xi32>
    %reduce_min3A_351 = arith.constant dense<2147483647> : vector<256xi32>
    %reduce_min3A_352 = vector.multi_reduction <minsi>, %select_n3A_350, %reduce_min3A_351 [0] : vector<512x256xi32> to vector<256xi32>
    %broadcast_in_dim3A_353 = vector.shape_cast %reduce_min3A_352 : vector<256xi32> to vector<1x256xi32>
    %eq3A_354 = vector.broadcast %broadcast_in_dim3A_353 : vector<1x256xi32> to vector<512x256xi32>
    %eq3A_355 = arith.cmpi eq, %select_n3A_350, %eq3A_354 : vector<512x256xi32>
    %jit3A_356 = arith.constant 0 : i32
    %broadcast_in_dim3A_357 = vector.broadcast %jit3A_356 : i32 to vector<512x256xi32>
    %select_n3A_358 = arith.select %eq3A_355, %reshape3A_99, %broadcast_in_dim3A_357 : vector<512x256xi1>, vector<512x256xi32>
    %reduce_sum3A_359 = arith.constant dense<0> : vector<256xi32>
    %reduce_sum3A_360 = vector.multi_reduction <add>, %select_n3A_358, %reduce_sum3A_359 [0] : vector<512x256xi32> to vector<256xi32>
    %broadcast_in_dim3A_361 = vector.shape_cast %reduce_sum3A_360 : vector<256xi32> to vector<1x256xi32>
    %jit3A_362 = arith.constant 0x7F800000 : f32
    %broadcast_in_dim3A_363 = vector.broadcast %jit3A_362 : f32 to vector<512x256xf32>
    %select_n3A_364 = arith.select %eq3A_355, %broadcast_in_dim3A_363, %select_n3A_342 : vector<512x256xi1>, vector<512x256xf32>
    %reduce_min3A_365 = arith.constant dense<0x7F800000> : vector<256xf32>
    %reduce_min3A_366 = vector.multi_reduction <minimumf>, %select_n3A_364, %reduce_min3A_365 [0] : vector<512x256xf32> to vector<256xf32>
    %broadcast_in_dim3A_367 = vector.shape_cast %reduce_min3A_366 : vector<256xf32> to vector<1x256xf32>
    %eq3A_368 = vector.broadcast %broadcast_in_dim3A_367 : vector<1x256xf32> to vector<512x256xf32>
    %eq3A_369 = arith.cmpf oeq, %select_n3A_364, %eq3A_368 : vector<512x256xf32>
    %jit3A_370 = arith.constant 512 : i32
    %broadcast_in_dim3A_371 = vector.broadcast %jit3A_370 : i32 to vector<512x256xi32>
    %select_n3A_372 = arith.select %eq3A_369, %iota3A_100, %broadcast_in_dim3A_371 : vector<512x256xi1>, vector<512x256xi32>
    %reduce_min3A_373 = arith.constant dense<2147483647> : vector<256xi32>
    %reduce_min3A_374 = vector.multi_reduction <minsi>, %select_n3A_372, %reduce_min3A_373 [0] : vector<512x256xi32> to vector<256xi32>
    %broadcast_in_dim3A_375 = vector.shape_cast %reduce_min3A_374 : vector<256xi32> to vector<1x256xi32>
    %eq3A_376 = vector.broadcast %broadcast_in_dim3A_375 : vector<1x256xi32> to vector<512x256xi32>
    %eq3A_377 = arith.cmpi eq, %select_n3A_372, %eq3A_376 : vector<512x256xi32>
    %jit3A_378 = arith.constant 0 : i32
    %broadcast_in_dim3A_379 = vector.broadcast %jit3A_378 : i32 to vector<512x256xi32>
    %select_n3A_380 = arith.select %eq3A_377, %reshape3A_99, %broadcast_in_dim3A_379 : vector<512x256xi1>, vector<512x256xi32>
    %reduce_sum3A_381 = arith.constant dense<0> : vector<256xi32>
    %reduce_sum3A_382 = vector.multi_reduction <add>, %select_n3A_380, %reduce_sum3A_381 [0] : vector<512x256xi32> to vector<256xi32>
    %broadcast_in_dim3A_383 = vector.shape_cast %reduce_sum3A_382 : vector<256xi32> to vector<1x256xi32>
    %jit3A_384 = arith.constant 0x7F800000 : f32
    %broadcast_in_dim3A_385 = vector.broadcast %jit3A_384 : f32 to vector<512x256xf32>
    %select_n3A_386 = arith.select %eq3A_377, %broadcast_in_dim3A_385, %select_n3A_364 : vector<512x256xi1>, vector<512x256xf32>
    %reduce_min3A_387 = arith.constant dense<0x7F800000> : vector<256xf32>
    %reduce_min3A_388 = vector.multi_reduction <minimumf>, %select_n3A_386, %reduce_min3A_387 [0] : vector<512x256xf32> to vector<256xf32>
    %broadcast_in_dim3A_389 = vector.shape_cast %reduce_min3A_388 : vector<256xf32> to vector<1x256xf32>
    %eq3A_390 = vector.broadcast %broadcast_in_dim3A_389 : vector<1x256xf32> to vector<512x256xf32>
    %eq3A_391 = arith.cmpf oeq, %select_n3A_386, %eq3A_390 : vector<512x256xf32>
    %jit3A_392 = arith.constant 512 : i32
    %broadcast_in_dim3A_393 = vector.broadcast %jit3A_392 : i32 to vector<512x256xi32>
    %select_n3A_394 = arith.select %eq3A_391, %iota3A_100, %broadcast_in_dim3A_393 : vector<512x256xi1>, vector<512x256xi32>
    %reduce_min3A_395 = arith.constant dense<2147483647> : vector<256xi32>
    %reduce_min3A_396 = vector.multi_reduction <minsi>, %select_n3A_394, %reduce_min3A_395 [0] : vector<512x256xi32> to vector<256xi32>
    %broadcast_in_dim3A_397 = vector.shape_cast %reduce_min3A_396 : vector<256xi32> to vector<1x256xi32>
    %eq3A_398 = vector.broadcast %broadcast_in_dim3A_397 : vector<1x256xi32> to vector<512x256xi32>
    %eq3A_399 = arith.cmpi eq, %select_n3A_394, %eq3A_398 : vector<512x256xi32>
    %jit3A_400 = arith.constant 0 : i32
    %broadcast_in_dim3A_401 = vector.broadcast %jit3A_400 : i32 to vector<512x256xi32>
    %select_n3A_402 = arith.select %eq3A_399, %reshape3A_99, %broadcast_in_dim3A_401 : vector<512x256xi1>, vector<512x256xi32>
    %reduce_sum3A_403 = arith.constant dense<0> : vector<256xi32>
    %reduce_sum3A_404 = vector.multi_reduction <add>, %select_n3A_402, %reduce_sum3A_403 [0] : vector<512x256xi32> to vector<256xi32>
    %broadcast_in_dim3A_405 = vector.shape_cast %reduce_sum3A_404 : vector<256xi32> to vector<1x256xi32>
    %jit3A_406 = arith.constant 0x7F800000 : f32
    %broadcast_in_dim3A_407 = vector.broadcast %jit3A_406 : f32 to vector<512x256xf32>
    %select_n3A_408 = arith.select %eq3A_399, %broadcast_in_dim3A_407, %select_n3A_386 : vector<512x256xi1>, vector<512x256xf32>
    %reduce_min3A_409 = arith.constant dense<0x7F800000> : vector<256xf32>
    %reduce_min3A_410 = vector.multi_reduction <minimumf>, %select_n3A_408, %reduce_min3A_409 [0] : vector<512x256xf32> to vector<256xf32>
    %broadcast_in_dim3A_411 = vector.shape_cast %reduce_min3A_410 : vector<256xf32> to vector<1x256xf32>
    %eq3A_412 = vector.broadcast %broadcast_in_dim3A_411 : vector<1x256xf32> to vector<512x256xf32>
    %eq3A_413 = arith.cmpf oeq, %select_n3A_408, %eq3A_412 : vector<512x256xf32>
    %jit3A_414 = arith.constant 512 : i32
    %broadcast_in_dim3A_415 = vector.broadcast %jit3A_414 : i32 to vector<512x256xi32>
    %select_n3A_416 = arith.select %eq3A_413, %iota3A_100, %broadcast_in_dim3A_415 : vector<512x256xi1>, vector<512x256xi32>
    %reduce_min3A_417 = arith.constant dense<2147483647> : vector<256xi32>
    %reduce_min3A_418 = vector.multi_reduction <minsi>, %select_n3A_416, %reduce_min3A_417 [0] : vector<512x256xi32> to vector<256xi32>
    %broadcast_in_dim3A_419 = vector.shape_cast %reduce_min3A_418 : vector<256xi32> to vector<1x256xi32>
    %eq3A_420 = vector.broadcast %broadcast_in_dim3A_419 : vector<1x256xi32> to vector<512x256xi32>
    %eq3A_421 = arith.cmpi eq, %select_n3A_416, %eq3A_420 : vector<512x256xi32>
    %jit3A_422 = arith.constant 0 : i32
    %broadcast_in_dim3A_423 = vector.broadcast %jit3A_422 : i32 to vector<512x256xi32>
    %select_n3A_424 = arith.select %eq3A_421, %reshape3A_99, %broadcast_in_dim3A_423 : vector<512x256xi1>, vector<512x256xi32>
    %reduce_sum3A_425 = arith.constant dense<0> : vector<256xi32>
    %reduce_sum3A_426 = vector.multi_reduction <add>, %select_n3A_424, %reduce_sum3A_425 [0] : vector<512x256xi32> to vector<256xi32>
    %broadcast_in_dim3A_427 = vector.shape_cast %reduce_sum3A_426 : vector<256xi32> to vector<1x256xi32>
    %jit3A_428 = arith.constant 0x7F800000 : f32
    %broadcast_in_dim3A_429 = vector.broadcast %jit3A_428 : f32 to vector<512x256xf32>
    %select_n3A_430 = arith.select %eq3A_421, %broadcast_in_dim3A_429, %select_n3A_408 : vector<512x256xi1>, vector<512x256xf32>
    %reduce_min3A_431 = arith.constant dense<0x7F800000> : vector<256xf32>
    %reduce_min3A_432 = vector.multi_reduction <minimumf>, %select_n3A_430, %reduce_min3A_431 [0] : vector<512x256xf32> to vector<256xf32>
    %broadcast_in_dim3A_433 = vector.shape_cast %reduce_min3A_432 : vector<256xf32> to vector<1x256xf32>
    %eq3A_434 = vector.broadcast %broadcast_in_dim3A_433 : vector<1x256xf32> to vector<512x256xf32>
    %eq3A_435 = arith.cmpf oeq, %select_n3A_430, %eq3A_434 : vector<512x256xf32>
    %jit3A_436 = arith.constant 512 : i32
    %broadcast_in_dim3A_437 = vector.broadcast %jit3A_436 : i32 to vector<512x256xi32>
    %select_n3A_438 = arith.select %eq3A_435, %iota3A_100, %broadcast_in_dim3A_437 : vector<512x256xi1>, vector<512x256xi32>
    %reduce_min3A_439 = arith.constant dense<2147483647> : vector<256xi32>
    %reduce_min3A_440 = vector.multi_reduction <minsi>, %select_n3A_438, %reduce_min3A_439 [0] : vector<512x256xi32> to vector<256xi32>
    %broadcast_in_dim3A_441 = vector.shape_cast %reduce_min3A_440 : vector<256xi32> to vector<1x256xi32>
    %eq3A_442 = vector.broadcast %broadcast_in_dim3A_441 : vector<1x256xi32> to vector<512x256xi32>
    %eq3A_443 = arith.cmpi eq, %select_n3A_438, %eq3A_442 : vector<512x256xi32>
    %jit3A_444 = arith.constant 0 : i32
    %broadcast_in_dim3A_445 = vector.broadcast %jit3A_444 : i32 to vector<512x256xi32>
    %select_n3A_446 = arith.select %eq3A_443, %reshape3A_99, %broadcast_in_dim3A_445 : vector<512x256xi1>, vector<512x256xi32>
    %reduce_sum3A_447 = arith.constant dense<0> : vector<256xi32>
    %reduce_sum3A_448 = vector.multi_reduction <add>, %select_n3A_446, %reduce_sum3A_447 [0] : vector<512x256xi32> to vector<256xi32>
    %broadcast_in_dim3A_449 = vector.shape_cast %reduce_sum3A_448 : vector<256xi32> to vector<1x256xi32>
    %concatenate3A_450 = tpu.concatenate %broadcast_in_dim3A_119, %broadcast_in_dim3A_141, %broadcast_in_dim3A_163, %broadcast_in_dim3A_185, %broadcast_in_dim3A_207, %broadcast_in_dim3A_229, %broadcast_in_dim3A_251, %broadcast_in_dim3A_273, %broadcast_in_dim3A_295, %broadcast_in_dim3A_317, %broadcast_in_dim3A_339, %broadcast_in_dim3A_361, %broadcast_in_dim3A_383, %broadcast_in_dim3A_405, %broadcast_in_dim3A_427, %broadcast_in_dim3A_449 in 0 : vector<1x256xi32>, vector<1x256xi32>, vector<1x256xi32>, vector<1x256xi32>, vector<1x256xi32>, vector<1x256xi32>, vector<1x256xi32>, vector<1x256xi32>, vector<1x256xi32>, vector<1x256xi32>, vector<1x256xi32>, vector<1x256xi32>, vector<1x256xi32>, vector<1x256xi32>, vector<1x256xi32>, vector<1x256xi32> -> vector<16x256xi32>
    %sub3A_451 = arith.constant 1.000000e+00 : f32
    %sub3A_452 = vector.broadcast %sub3A_451 : f32 to vector<4096x256xf32>
    %sub3A_453 = arith.subf %sub3A_452, %dot_general3A_9 : vector<4096x256xf32>
    %reshape3A_454 = vector.shape_cast %sub3A_453 : vector<4096x256xf32> to vector<128x32x256xf32>
    %iota3A_455 = tpu.iota {dimensions = array<i32: 1>} : vector<128x32x256xi32>
    %iota3A_456 = tpu.iota {dimensions = array<i32: 0>} : vector<128x1x256xi32>
    %mul3A_457 = arith.constant 32 : i32
    %mul3A_458 = vector.broadcast %mul3A_457 : i32 to vector<128x1x256xi32>
    %mul3A_459 = arith.muli %iota3A_456, %mul3A_458 : vector<128x1x256xi32>
    %reduce_min3A_460 = arith.constant dense<0x7F800000> : vector<128x256xf32>
    %reduce_min3A_461 = vector.multi_reduction <minimumf>, %reshape3A_454, %reduce_min3A_460 [1] : vector<128x32x256xf32> to vector<128x256xf32>
    %broadcast_in_dim3A_462 = vector.shape_cast %reduce_min3A_461 : vector<128x256xf32> to vector<128x1x256xf32>
    %eq3A_463 = vector.broadcast %broadcast_in_dim3A_462 : vector<128x1x256xf32> to vector<128x32x256xf32>
    %eq3A_464 = arith.cmpf oeq, %reshape3A_454, %eq3A_463 : vector<128x32x256xf32>
    %jit3A_465 = arith.constant 32 : i32
    %broadcast_in_dim3A_466 = vector.broadcast %jit3A_465 : i32 to vector<128x32x256xi32>
    %select_n3A_467 = arith.select %eq3A_464, %iota3A_455, %broadcast_in_dim3A_466 : vector<128x32x256xi1>, vector<128x32x256xi32>
    %reduce_min3A_468 = arith.constant dense<2147483647> : vector<128x256xi32>
    %reduce_min3A_469 = vector.multi_reduction <minsi>, %select_n3A_467, %reduce_min3A_468 [1] : vector<128x32x256xi32> to vector<128x256xi32>
    %broadcast_in_dim3A_470 = vector.shape_cast %reduce_min3A_469 : vector<128x256xi32> to vector<128x1x256xi32>
    %add3A_471 = arith.addi %mul3A_459, %broadcast_in_dim3A_470 : vector<128x1x256xi32>
    %eq3A_472 = vector.broadcast %broadcast_in_dim3A_470 : vector<128x1x256xi32> to vector<128x32x256xi32>
    %eq3A_473 = arith.cmpi eq, %select_n3A_467, %eq3A_472 : vector<128x32x256xi32>
    %jit3A_474 = arith.constant 0x7F800000 : f32
    %broadcast_in_dim3A_475 = vector.broadcast %jit3A_474 : f32 to vector<128x32x256xf32>
    %select_n3A_476 = arith.select %eq3A_473, %broadcast_in_dim3A_475, %reshape3A_454 : vector<128x32x256xi1>, vector<128x32x256xf32>
    %reduce_min3A_477 = arith.constant dense<0x7F800000> : vector<128x256xf32>
    %reduce_min3A_478 = vector.multi_reduction <minimumf>, %select_n3A_476, %reduce_min3A_477 [1] : vector<128x32x256xf32> to vector<128x256xf32>
    %broadcast_in_dim3A_479 = vector.shape_cast %reduce_min3A_478 : vector<128x256xf32> to vector<128x1x256xf32>
    %eq3A_480 = vector.broadcast %broadcast_in_dim3A_479 : vector<128x1x256xf32> to vector<128x32x256xf32>
    %eq3A_481 = arith.cmpf oeq, %select_n3A_476, %eq3A_480 : vector<128x32x256xf32>
    %jit3A_482 = arith.constant 32 : i32
    %broadcast_in_dim3A_483 = vector.broadcast %jit3A_482 : i32 to vector<128x32x256xi32>
    %select_n3A_484 = arith.select %eq3A_481, %iota3A_455, %broadcast_in_dim3A_483 : vector<128x32x256xi1>, vector<128x32x256xi32>
    %reduce_min3A_485 = arith.constant dense<2147483647> : vector<128x256xi32>
    %reduce_min3A_486 = vector.multi_reduction <minsi>, %select_n3A_484, %reduce_min3A_485 [1] : vector<128x32x256xi32> to vector<128x256xi32>
    %broadcast_in_dim3A_487 = vector.shape_cast %reduce_min3A_486 : vector<128x256xi32> to vector<128x1x256xi32>
    %add3A_488 = arith.addi %mul3A_459, %broadcast_in_dim3A_487 : vector<128x1x256xi32>
    %eq3A_489 = vector.broadcast %broadcast_in_dim3A_487 : vector<128x1x256xi32> to vector<128x32x256xi32>
    %eq3A_490 = arith.cmpi eq, %select_n3A_484, %eq3A_489 : vector<128x32x256xi32>
    %jit3A_491 = arith.constant 0x7F800000 : f32
    %broadcast_in_dim3A_492 = vector.broadcast %jit3A_491 : f32 to vector<128x32x256xf32>
    %select_n3A_493 = arith.select %eq3A_490, %broadcast_in_dim3A_492, %select_n3A_476 : vector<128x32x256xi1>, vector<128x32x256xf32>
    %reduce_min3A_494 = arith.constant dense<0x7F800000> : vector<128x256xf32>
    %reduce_min3A_495 = vector.multi_reduction <minimumf>, %select_n3A_493, %reduce_min3A_494 [1] : vector<128x32x256xf32> to vector<128x256xf32>
    %broadcast_in_dim3A_496 = vector.shape_cast %reduce_min3A_495 : vector<128x256xf32> to vector<128x1x256xf32>
    %eq3A_497 = vector.broadcast %broadcast_in_dim3A_496 : vector<128x1x256xf32> to vector<128x32x256xf32>
    %eq3A_498 = arith.cmpf oeq, %select_n3A_493, %eq3A_497 : vector<128x32x256xf32>
    %jit3A_499 = arith.constant 32 : i32
    %broadcast_in_dim3A_500 = vector.broadcast %jit3A_499 : i32 to vector<128x32x256xi32>
    %select_n3A_501 = arith.select %eq3A_498, %iota3A_455, %broadcast_in_dim3A_500 : vector<128x32x256xi1>, vector<128x32x256xi32>
    %reduce_min3A_502 = arith.constant dense<2147483647> : vector<128x256xi32>
    %reduce_min3A_503 = vector.multi_reduction <minsi>, %select_n3A_501, %reduce_min3A_502 [1] : vector<128x32x256xi32> to vector<128x256xi32>
    %broadcast_in_dim3A_504 = vector.shape_cast %reduce_min3A_503 : vector<128x256xi32> to vector<128x1x256xi32>
    %add3A_505 = arith.addi %mul3A_459, %broadcast_in_dim3A_504 : vector<128x1x256xi32>
    %eq3A_506 = vector.broadcast %broadcast_in_dim3A_504 : vector<128x1x256xi32> to vector<128x32x256xi32>
    %eq3A_507 = arith.cmpi eq, %select_n3A_501, %eq3A_506 : vector<128x32x256xi32>
    %jit3A_508 = arith.constant 0x7F800000 : f32
    %broadcast_in_dim3A_509 = vector.broadcast %jit3A_508 : f32 to vector<128x32x256xf32>
    %select_n3A_510 = arith.select %eq3A_507, %broadcast_in_dim3A_509, %select_n3A_493 : vector<128x32x256xi1>, vector<128x32x256xf32>
    %reduce_min3A_511 = arith.constant dense<0x7F800000> : vector<128x256xf32>
    %reduce_min3A_512 = vector.multi_reduction <minimumf>, %select_n3A_510, %reduce_min3A_511 [1] : vector<128x32x256xf32> to vector<128x256xf32>
    %broadcast_in_dim3A_513 = vector.shape_cast %reduce_min3A_512 : vector<128x256xf32> to vector<128x1x256xf32>
    %eq3A_514 = vector.broadcast %broadcast_in_dim3A_513 : vector<128x1x256xf32> to vector<128x32x256xf32>
    %eq3A_515 = arith.cmpf oeq, %select_n3A_510, %eq3A_514 : vector<128x32x256xf32>
    %jit3A_516 = arith.constant 32 : i32
    %broadcast_in_dim3A_517 = vector.broadcast %jit3A_516 : i32 to vector<128x32x256xi32>
    %select_n3A_518 = arith.select %eq3A_515, %iota3A_455, %broadcast_in_dim3A_517 : vector<128x32x256xi1>, vector<128x32x256xi32>
    %reduce_min3A_519 = arith.constant dense<2147483647> : vector<128x256xi32>
    %reduce_min3A_520 = vector.multi_reduction <minsi>, %select_n3A_518, %reduce_min3A_519 [1] : vector<128x32x256xi32> to vector<128x256xi32>
    %broadcast_in_dim3A_521 = vector.shape_cast %reduce_min3A_520 : vector<128x256xi32> to vector<128x1x256xi32>
    %add3A_522 = arith.addi %mul3A_459, %broadcast_in_dim3A_521 : vector<128x1x256xi32>
    %concatenate3A_523 = tpu.concatenate %broadcast_in_dim3A_462, %broadcast_in_dim3A_479, %broadcast_in_dim3A_496, %broadcast_in_dim3A_513 in 1 : vector<128x1x256xf32>, vector<128x1x256xf32>, vector<128x1x256xf32>, vector<128x1x256xf32> -> vector<128x4x256xf32>
    %reshape3A_524 = vector.shape_cast %concatenate3A_523 : vector<128x4x256xf32> to vector<512x256xf32>
    %concatenate3A_525 = tpu.concatenate %add3A_471, %add3A_488, %add3A_505, %add3A_522 in 1 : vector<128x1x256xi32>, vector<128x1x256xi32>, vector<128x1x256xi32>, vector<128x1x256xi32> -> vector<128x4x256xi32>
    %reshape3A_526 = vector.shape_cast %concatenate3A_525 : vector<128x4x256xi32> to vector<512x256xi32>
    %iota3A_527 = tpu.iota {dimensions = array<i32: 0>} : vector<512x256xi32>
    %reduce_min3A_528 = arith.constant dense<0x7F800000> : vector<256xf32>
    %reduce_min3A_529 = vector.multi_reduction <minimumf>, %reshape3A_524, %reduce_min3A_528 [0] : vector<512x256xf32> to vector<256xf32>
    %broadcast_in_dim3A_530 = vector.shape_cast %reduce_min3A_529 : vector<256xf32> to vector<1x256xf32>
    %eq3A_531 = vector.broadcast %broadcast_in_dim3A_530 : vector<1x256xf32> to vector<512x256xf32>
    %eq3A_532 = arith.cmpf oeq, %reshape3A_524, %eq3A_531 : vector<512x256xf32>
    %jit3A_533 = arith.constant 512 : i32
    %broadcast_in_dim3A_534 = vector.broadcast %jit3A_533 : i32 to vector<512x256xi32>
    %select_n3A_535 = arith.select %eq3A_532, %iota3A_527, %broadcast_in_dim3A_534 : vector<512x256xi1>, vector<512x256xi32>
    %reduce_min3A_536 = arith.constant dense<2147483647> : vector<256xi32>
    %reduce_min3A_537 = vector.multi_reduction <minsi>, %select_n3A_535, %reduce_min3A_536 [0] : vector<512x256xi32> to vector<256xi32>
    %broadcast_in_dim3A_538 = vector.shape_cast %reduce_min3A_537 : vector<256xi32> to vector<1x256xi32>
    %eq3A_539 = vector.broadcast %broadcast_in_dim3A_538 : vector<1x256xi32> to vector<512x256xi32>
    %eq3A_540 = arith.cmpi eq, %select_n3A_535, %eq3A_539 : vector<512x256xi32>
    %jit3A_541 = arith.constant 0 : i32
    %broadcast_in_dim3A_542 = vector.broadcast %jit3A_541 : i32 to vector<512x256xi32>
    %select_n3A_543 = arith.select %eq3A_540, %reshape3A_526, %broadcast_in_dim3A_542 : vector<512x256xi1>, vector<512x256xi32>
    %reduce_sum3A_544 = arith.constant dense<0> : vector<256xi32>
    %reduce_sum3A_545 = vector.multi_reduction <add>, %select_n3A_543, %reduce_sum3A_544 [0] : vector<512x256xi32> to vector<256xi32>
    %broadcast_in_dim3A_546 = vector.shape_cast %reduce_sum3A_545 : vector<256xi32> to vector<1x256xi32>
    %jit3A_547 = arith.constant 0x7F800000 : f32
    %broadcast_in_dim3A_548 = vector.broadcast %jit3A_547 : f32 to vector<512x256xf32>
    %select_n3A_549 = arith.select %eq3A_540, %broadcast_in_dim3A_548, %reshape3A_524 : vector<512x256xi1>, vector<512x256xf32>
    %reduce_min3A_550 = arith.constant dense<0x7F800000> : vector<256xf32>
    %reduce_min3A_551 = vector.multi_reduction <minimumf>, %select_n3A_549, %reduce_min3A_550 [0] : vector<512x256xf32> to vector<256xf32>
    %broadcast_in_dim3A_552 = vector.shape_cast %reduce_min3A_551 : vector<256xf32> to vector<1x256xf32>
    %eq3A_553 = vector.broadcast %broadcast_in_dim3A_552 : vector<1x256xf32> to vector<512x256xf32>
    %eq3A_554 = arith.cmpf oeq, %select_n3A_549, %eq3A_553 : vector<512x256xf32>
    %jit3A_555 = arith.constant 512 : i32
    %broadcast_in_dim3A_556 = vector.broadcast %jit3A_555 : i32 to vector<512x256xi32>
    %select_n3A_557 = arith.select %eq3A_554, %iota3A_527, %broadcast_in_dim3A_556 : vector<512x256xi1>, vector<512x256xi32>
    %reduce_min3A_558 = arith.constant dense<2147483647> : vector<256xi32>
    %reduce_min3A_559 = vector.multi_reduction <minsi>, %select_n3A_557, %reduce_min3A_558 [0] : vector<512x256xi32> to vector<256xi32>
    %broadcast_in_dim3A_560 = vector.shape_cast %reduce_min3A_559 : vector<256xi32> to vector<1x256xi32>
    %eq3A_561 = vector.broadcast %broadcast_in_dim3A_560 : vector<1x256xi32> to vector<512x256xi32>
    %eq3A_562 = arith.cmpi eq, %select_n3A_557, %eq3A_561 : vector<512x256xi32>
    %jit3A_563 = arith.constant 0 : i32
    %broadcast_in_dim3A_564 = vector.broadcast %jit3A_563 : i32 to vector<512x256xi32>
    %select_n3A_565 = arith.select %eq3A_562, %reshape3A_526, %broadcast_in_dim3A_564 : vector<512x256xi1>, vector<512x256xi32>
    %reduce_sum3A_566 = arith.constant dense<0> : vector<256xi32>
    %reduce_sum3A_567 = vector.multi_reduction <add>, %select_n3A_565, %reduce_sum3A_566 [0] : vector<512x256xi32> to vector<256xi32>
    %broadcast_in_dim3A_568 = vector.shape_cast %reduce_sum3A_567 : vector<256xi32> to vector<1x256xi32>
    %jit3A_569 = arith.constant 0x7F800000 : f32
    %broadcast_in_dim3A_570 = vector.broadcast %jit3A_569 : f32 to vector<512x256xf32>
    %select_n3A_571 = arith.select %eq3A_562, %broadcast_in_dim3A_570, %select_n3A_549 : vector<512x256xi1>, vector<512x256xf32>
    %reduce_min3A_572 = arith.constant dense<0x7F800000> : vector<256xf32>
    %reduce_min3A_573 = vector.multi_reduction <minimumf>, %select_n3A_571, %reduce_min3A_572 [0] : vector<512x256xf32> to vector<256xf32>
    %broadcast_in_dim3A_574 = vector.shape_cast %reduce_min3A_573 : vector<256xf32> to vector<1x256xf32>
    %eq3A_575 = vector.broadcast %broadcast_in_dim3A_574 : vector<1x256xf32> to vector<512x256xf32>
    %eq3A_576 = arith.cmpf oeq, %select_n3A_571, %eq3A_575 : vector<512x256xf32>
    %jit3A_577 = arith.constant 512 : i32
    %broadcast_in_dim3A_578 = vector.broadcast %jit3A_577 : i32 to vector<512x256xi32>
    %select_n3A_579 = arith.select %eq3A_576, %iota3A_527, %broadcast_in_dim3A_578 : vector<512x256xi1>, vector<512x256xi32>
    %reduce_min3A_580 = arith.constant dense<2147483647> : vector<256xi32>
    %reduce_min3A_581 = vector.multi_reduction <minsi>, %select_n3A_579, %reduce_min3A_580 [0] : vector<512x256xi32> to vector<256xi32>
    %broadcast_in_dim3A_582 = vector.shape_cast %reduce_min3A_581 : vector<256xi32> to vector<1x256xi32>
    %eq3A_583 = vector.broadcast %broadcast_in_dim3A_582 : vector<1x256xi32> to vector<512x256xi32>
    %eq3A_584 = arith.cmpi eq, %select_n3A_579, %eq3A_583 : vector<512x256xi32>
    %jit3A_585 = arith.constant 0 : i32
    %broadcast_in_dim3A_586 = vector.broadcast %jit3A_585 : i32 to vector<512x256xi32>
    %select_n3A_587 = arith.select %eq3A_584, %reshape3A_526, %broadcast_in_dim3A_586 : vector<512x256xi1>, vector<512x256xi32>
    %reduce_sum3A_588 = arith.constant dense<0> : vector<256xi32>
    %reduce_sum3A_589 = vector.multi_reduction <add>, %select_n3A_587, %reduce_sum3A_588 [0] : vector<512x256xi32> to vector<256xi32>
    %broadcast_in_dim3A_590 = vector.shape_cast %reduce_sum3A_589 : vector<256xi32> to vector<1x256xi32>
    %jit3A_591 = arith.constant 0x7F800000 : f32
    %broadcast_in_dim3A_592 = vector.broadcast %jit3A_591 : f32 to vector<512x256xf32>
    %select_n3A_593 = arith.select %eq3A_584, %broadcast_in_dim3A_592, %select_n3A_571 : vector<512x256xi1>, vector<512x256xf32>
    %reduce_min3A_594 = arith.constant dense<0x7F800000> : vector<256xf32>
    %reduce_min3A_595 = vector.multi_reduction <minimumf>, %select_n3A_593, %reduce_min3A_594 [0] : vector<512x256xf32> to vector<256xf32>
    %broadcast_in_dim3A_596 = vector.shape_cast %reduce_min3A_595 : vector<256xf32> to vector<1x256xf32>
    %eq3A_597 = vector.broadcast %broadcast_in_dim3A_596 : vector<1x256xf32> to vector<512x256xf32>
    %eq3A_598 = arith.cmpf oeq, %select_n3A_593, %eq3A_597 : vector<512x256xf32>
    %jit3A_599 = arith.constant 512 : i32
    %broadcast_in_dim3A_600 = vector.broadcast %jit3A_599 : i32 to vector<512x256xi32>
    %select_n3A_601 = arith.select %eq3A_598, %iota3A_527, %broadcast_in_dim3A_600 : vector<512x256xi1>, vector<512x256xi32>
    %reduce_min3A_602 = arith.constant dense<2147483647> : vector<256xi32>
    %reduce_min3A_603 = vector.multi_reduction <minsi>, %select_n3A_601, %reduce_min3A_602 [0] : vector<512x256xi32> to vector<256xi32>
    %broadcast_in_dim3A_604 = vector.shape_cast %reduce_min3A_603 : vector<256xi32> to vector<1x256xi32>
    %eq3A_605 = vector.broadcast %broadcast_in_dim3A_604 : vector<1x256xi32> to vector<512x256xi32>
    %eq3A_606 = arith.cmpi eq, %select_n3A_601, %eq3A_605 : vector<512x256xi32>
    %jit3A_607 = arith.constant 0 : i32
    %broadcast_in_dim3A_608 = vector.broadcast %jit3A_607 : i32 to vector<512x256xi32>
    %select_n3A_609 = arith.select %eq3A_606, %reshape3A_526, %broadcast_in_dim3A_608 : vector<512x256xi1>, vector<512x256xi32>
    %reduce_sum3A_610 = arith.constant dense<0> : vector<256xi32>
    %reduce_sum3A_611 = vector.multi_reduction <add>, %select_n3A_609, %reduce_sum3A_610 [0] : vector<512x256xi32> to vector<256xi32>
    %broadcast_in_dim3A_612 = vector.shape_cast %reduce_sum3A_611 : vector<256xi32> to vector<1x256xi32>
    %jit3A_613 = arith.constant 0x7F800000 : f32
    %broadcast_in_dim3A_614 = vector.broadcast %jit3A_613 : f32 to vector<512x256xf32>
    %select_n3A_615 = arith.select %eq3A_606, %broadcast_in_dim3A_614, %select_n3A_593 : vector<512x256xi1>, vector<512x256xf32>
    %reduce_min3A_616 = arith.constant dense<0x7F800000> : vector<256xf32>
    %reduce_min3A_617 = vector.multi_reduction <minimumf>, %select_n3A_615, %reduce_min3A_616 [0] : vector<512x256xf32> to vector<256xf32>
    %broadcast_in_dim3A_618 = vector.shape_cast %reduce_min3A_617 : vector<256xf32> to vector<1x256xf32>
    %eq3A_619 = vector.broadcast %broadcast_in_dim3A_618 : vector<1x256xf32> to vector<512x256xf32>
    %eq3A_620 = arith.cmpf oeq, %select_n3A_615, %eq3A_619 : vector<512x256xf32>
    %jit3A_621 = arith.constant 512 : i32
    %broadcast_in_dim3A_622 = vector.broadcast %jit3A_621 : i32 to vector<512x256xi32>
    %select_n3A_623 = arith.select %eq3A_620, %iota3A_527, %broadcast_in_dim3A_622 : vector<512x256xi1>, vector<512x256xi32>
    %reduce_min3A_624 = arith.constant dense<2147483647> : vector<256xi32>
    %reduce_min3A_625 = vector.multi_reduction <minsi>, %select_n3A_623, %reduce_min3A_624 [0] : vector<512x256xi32> to vector<256xi32>
    %broadcast_in_dim3A_626 = vector.shape_cast %reduce_min3A_625 : vector<256xi32> to vector<1x256xi32>
    %eq3A_627 = vector.broadcast %broadcast_in_dim3A_626 : vector<1x256xi32> to vector<512x256xi32>
    %eq3A_628 = arith.cmpi eq, %select_n3A_623, %eq3A_627 : vector<512x256xi32>
    %jit3A_629 = arith.constant 0 : i32
    %broadcast_in_dim3A_630 = vector.broadcast %jit3A_629 : i32 to vector<512x256xi32>
    %select_n3A_631 = arith.select %eq3A_628, %reshape3A_526, %broadcast_in_dim3A_630 : vector<512x256xi1>, vector<512x256xi32>
    %reduce_sum3A_632 = arith.constant dense<0> : vector<256xi32>
    %reduce_sum3A_633 = vector.multi_reduction <add>, %select_n3A_631, %reduce_sum3A_632 [0] : vector<512x256xi32> to vector<256xi32>
    %broadcast_in_dim3A_634 = vector.shape_cast %reduce_sum3A_633 : vector<256xi32> to vector<1x256xi32>
    %jit3A_635 = arith.constant 0x7F800000 : f32
    %broadcast_in_dim3A_636 = vector.broadcast %jit3A_635 : f32 to vector<512x256xf32>
    %select_n3A_637 = arith.select %eq3A_628, %broadcast_in_dim3A_636, %select_n3A_615 : vector<512x256xi1>, vector<512x256xf32>
    %reduce_min3A_638 = arith.constant dense<0x7F800000> : vector<256xf32>
    %reduce_min3A_639 = vector.multi_reduction <minimumf>, %select_n3A_637, %reduce_min3A_638 [0] : vector<512x256xf32> to vector<256xf32>
    %broadcast_in_dim3A_640 = vector.shape_cast %reduce_min3A_639 : vector<256xf32> to vector<1x256xf32>
    %eq3A_641 = vector.broadcast %broadcast_in_dim3A_640 : vector<1x256xf32> to vector<512x256xf32>
    %eq3A_642 = arith.cmpf oeq, %select_n3A_637, %eq3A_641 : vector<512x256xf32>
    %jit3A_643 = arith.constant 512 : i32
    %broadcast_in_dim3A_644 = vector.broadcast %jit3A_643 : i32 to vector<512x256xi32>
    %select_n3A_645 = arith.select %eq3A_642, %iota3A_527, %broadcast_in_dim3A_644 : vector<512x256xi1>, vector<512x256xi32>
    %reduce_min3A_646 = arith.constant dense<2147483647> : vector<256xi32>
    %reduce_min3A_647 = vector.multi_reduction <minsi>, %select_n3A_645, %reduce_min3A_646 [0] : vector<512x256xi32> to vector<256xi32>
    %broadcast_in_dim3A_648 = vector.shape_cast %reduce_min3A_647 : vector<256xi32> to vector<1x256xi32>
    %eq3A_649 = vector.broadcast %broadcast_in_dim3A_648 : vector<1x256xi32> to vector<512x256xi32>
    %eq3A_650 = arith.cmpi eq, %select_n3A_645, %eq3A_649 : vector<512x256xi32>
    %jit3A_651 = arith.constant 0 : i32
    %broadcast_in_dim3A_652 = vector.broadcast %jit3A_651 : i32 to vector<512x256xi32>
    %select_n3A_653 = arith.select %eq3A_650, %reshape3A_526, %broadcast_in_dim3A_652 : vector<512x256xi1>, vector<512x256xi32>
    %reduce_sum3A_654 = arith.constant dense<0> : vector<256xi32>
    %reduce_sum3A_655 = vector.multi_reduction <add>, %select_n3A_653, %reduce_sum3A_654 [0] : vector<512x256xi32> to vector<256xi32>
    %broadcast_in_dim3A_656 = vector.shape_cast %reduce_sum3A_655 : vector<256xi32> to vector<1x256xi32>
    %jit3A_657 = arith.constant 0x7F800000 : f32
    %broadcast_in_dim3A_658 = vector.broadcast %jit3A_657 : f32 to vector<512x256xf32>
    %select_n3A_659 = arith.select %eq3A_650, %broadcast_in_dim3A_658, %select_n3A_637 : vector<512x256xi1>, vector<512x256xf32>
    %reduce_min3A_660 = arith.constant dense<0x7F800000> : vector<256xf32>
    %reduce_min3A_661 = vector.multi_reduction <minimumf>, %select_n3A_659, %reduce_min3A_660 [0] : vector<512x256xf32> to vector<256xf32>
    %broadcast_in_dim3A_662 = vector.shape_cast %reduce_min3A_661 : vector<256xf32> to vector<1x256xf32>
    %eq3A_663 = vector.broadcast %broadcast_in_dim3A_662 : vector<1x256xf32> to vector<512x256xf32>
    %eq3A_664 = arith.cmpf oeq, %select_n3A_659, %eq3A_663 : vector<512x256xf32>
    %jit3A_665 = arith.constant 512 : i32
    %broadcast_in_dim3A_666 = vector.broadcast %jit3A_665 : i32 to vector<512x256xi32>
    %select_n3A_667 = arith.select %eq3A_664, %iota3A_527, %broadcast_in_dim3A_666 : vector<512x256xi1>, vector<512x256xi32>
    %reduce_min3A_668 = arith.constant dense<2147483647> : vector<256xi32>
    %reduce_min3A_669 = vector.multi_reduction <minsi>, %select_n3A_667, %reduce_min3A_668 [0] : vector<512x256xi32> to vector<256xi32>
    %broadcast_in_dim3A_670 = vector.shape_cast %reduce_min3A_669 : vector<256xi32> to vector<1x256xi32>
    %eq3A_671 = vector.broadcast %broadcast_in_dim3A_670 : vector<1x256xi32> to vector<512x256xi32>
    %eq3A_672 = arith.cmpi eq, %select_n3A_667, %eq3A_671 : vector<512x256xi32>
    %jit3A_673 = arith.constant 0 : i32
    %broadcast_in_dim3A_674 = vector.broadcast %jit3A_673 : i32 to vector<512x256xi32>
    %select_n3A_675 = arith.select %eq3A_672, %reshape3A_526, %broadcast_in_dim3A_674 : vector<512x256xi1>, vector<512x256xi32>
    %reduce_sum3A_676 = arith.constant dense<0> : vector<256xi32>
    %reduce_sum3A_677 = vector.multi_reduction <add>, %select_n3A_675, %reduce_sum3A_676 [0] : vector<512x256xi32> to vector<256xi32>
    %broadcast_in_dim3A_678 = vector.shape_cast %reduce_sum3A_677 : vector<256xi32> to vector<1x256xi32>
    %jit3A_679 = arith.constant 0x7F800000 : f32
    %broadcast_in_dim3A_680 = vector.broadcast %jit3A_679 : f32 to vector<512x256xf32>
    %select_n3A_681 = arith.select %eq3A_672, %broadcast_in_dim3A_680, %select_n3A_659 : vector<512x256xi1>, vector<512x256xf32>
    %reduce_min3A_682 = arith.constant dense<0x7F800000> : vector<256xf32>
    %reduce_min3A_683 = vector.multi_reduction <minimumf>, %select_n3A_681, %reduce_min3A_682 [0] : vector<512x256xf32> to vector<256xf32>
    %broadcast_in_dim3A_684 = vector.shape_cast %reduce_min3A_683 : vector<256xf32> to vector<1x256xf32>
    %eq3A_685 = vector.broadcast %broadcast_in_dim3A_684 : vector<1x256xf32> to vector<512x256xf32>
    %eq3A_686 = arith.cmpf oeq, %select_n3A_681, %eq3A_685 : vector<512x256xf32>
    %jit3A_687 = arith.constant 512 : i32
    %broadcast_in_dim3A_688 = vector.broadcast %jit3A_687 : i32 to vector<512x256xi32>
    %select_n3A_689 = arith.select %eq3A_686, %iota3A_527, %broadcast_in_dim3A_688 : vector<512x256xi1>, vector<512x256xi32>
    %reduce_min3A_690 = arith.constant dense<2147483647> : vector<256xi32>
    %reduce_min3A_691 = vector.multi_reduction <minsi>, %select_n3A_689, %reduce_min3A_690 [0] : vector<512x256xi32> to vector<256xi32>
    %broadcast_in_dim3A_692 = vector.shape_cast %reduce_min3A_691 : vector<256xi32> to vector<1x256xi32>
    %eq3A_693 = vector.broadcast %broadcast_in_dim3A_692 : vector<1x256xi32> to vector<512x256xi32>
    %eq3A_694 = arith.cmpi eq, %select_n3A_689, %eq3A_693 : vector<512x256xi32>
    %jit3A_695 = arith.constant 0 : i32
    %broadcast_in_dim3A_696 = vector.broadcast %jit3A_695 : i32 to vector<512x256xi32>
    %select_n3A_697 = arith.select %eq3A_694, %reshape3A_526, %broadcast_in_dim3A_696 : vector<512x256xi1>, vector<512x256xi32>
    %reduce_sum3A_698 = arith.constant dense<0> : vector<256xi32>
    %reduce_sum3A_699 = vector.multi_reduction <add>, %select_n3A_697, %reduce_sum3A_698 [0] : vector<512x256xi32> to vector<256xi32>
    %broadcast_in_dim3A_700 = vector.shape_cast %reduce_sum3A_699 : vector<256xi32> to vector<1x256xi32>
    %jit3A_701 = arith.constant 0x7F800000 : f32
    %broadcast_in_dim3A_702 = vector.broadcast %jit3A_701 : f32 to vector<512x256xf32>
    %select_n3A_703 = arith.select %eq3A_694, %broadcast_in_dim3A_702, %select_n3A_681 : vector<512x256xi1>, vector<512x256xf32>
    %reduce_min3A_704 = arith.constant dense<0x7F800000> : vector<256xf32>
    %reduce_min3A_705 = vector.multi_reduction <minimumf>, %select_n3A_703, %reduce_min3A_704 [0] : vector<512x256xf32> to vector<256xf32>
    %broadcast_in_dim3A_706 = vector.shape_cast %reduce_min3A_705 : vector<256xf32> to vector<1x256xf32>
    %eq3A_707 = vector.broadcast %broadcast_in_dim3A_706 : vector<1x256xf32> to vector<512x256xf32>
    %eq3A_708 = arith.cmpf oeq, %select_n3A_703, %eq3A_707 : vector<512x256xf32>
    %jit3A_709 = arith.constant 512 : i32
    %broadcast_in_dim3A_710 = vector.broadcast %jit3A_709 : i32 to vector<512x256xi32>
    %select_n3A_711 = arith.select %eq3A_708, %iota3A_527, %broadcast_in_dim3A_710 : vector<512x256xi1>, vector<512x256xi32>
    %reduce_min3A_712 = arith.constant dense<2147483647> : vector<256xi32>
    %reduce_min3A_713 = vector.multi_reduction <minsi>, %select_n3A_711, %reduce_min3A_712 [0] : vector<512x256xi32> to vector<256xi32>
    %broadcast_in_dim3A_714 = vector.shape_cast %reduce_min3A_713 : vector<256xi32> to vector<1x256xi32>
    %eq3A_715 = vector.broadcast %broadcast_in_dim3A_714 : vector<1x256xi32> to vector<512x256xi32>
    %eq3A_716 = arith.cmpi eq, %select_n3A_711, %eq3A_715 : vector<512x256xi32>
    %jit3A_717 = arith.constant 0 : i32
    %broadcast_in_dim3A_718 = vector.broadcast %jit3A_717 : i32 to vector<512x256xi32>
    %select_n3A_719 = arith.select %eq3A_716, %reshape3A_526, %broadcast_in_dim3A_718 : vector<512x256xi1>, vector<512x256xi32>
    %reduce_sum3A_720 = arith.constant dense<0> : vector<256xi32>
    %reduce_sum3A_721 = vector.multi_reduction <add>, %select_n3A_719, %reduce_sum3A_720 [0] : vector<512x256xi32> to vector<256xi32>
    %broadcast_in_dim3A_722 = vector.shape_cast %reduce_sum3A_721 : vector<256xi32> to vector<1x256xi32>
    %jit3A_723 = arith.constant 0x7F800000 : f32
    %broadcast_in_dim3A_724 = vector.broadcast %jit3A_723 : f32 to vector<512x256xf32>
    %select_n3A_725 = arith.select %eq3A_716, %broadcast_in_dim3A_724, %select_n3A_703 : vector<512x256xi1>, vector<512x256xf32>
    %reduce_min3A_726 = arith.constant dense<0x7F800000> : vector<256xf32>
    %reduce_min3A_727 = vector.multi_reduction <minimumf>, %select_n3A_725, %reduce_min3A_726 [0] : vector<512x256xf32> to vector<256xf32>
    %broadcast_in_dim3A_728 = vector.shape_cast %reduce_min3A_727 : vector<256xf32> to vector<1x256xf32>
    %eq3A_729 = vector.broadcast %broadcast_in_dim3A_728 : vector<1x256xf32> to vector<512x256xf32>
    %eq3A_730 = arith.cmpf oeq, %select_n3A_725, %eq3A_729 : vector<512x256xf32>
    %jit3A_731 = arith.constant 512 : i32
    %broadcast_in_dim3A_732 = vector.broadcast %jit3A_731 : i32 to vector<512x256xi32>
    %select_n3A_733 = arith.select %eq3A_730, %iota3A_527, %broadcast_in_dim3A_732 : vector<512x256xi1>, vector<512x256xi32>
    %reduce_min3A_734 = arith.constant dense<2147483647> : vector<256xi32>
    %reduce_min3A_735 = vector.multi_reduction <minsi>, %select_n3A_733, %reduce_min3A_734 [0] : vector<512x256xi32> to vector<256xi32>
    %broadcast_in_dim3A_736 = vector.shape_cast %reduce_min3A_735 : vector<256xi32> to vector<1x256xi32>
    %eq3A_737 = vector.broadcast %broadcast_in_dim3A_736 : vector<1x256xi32> to vector<512x256xi32>
    %eq3A_738 = arith.cmpi eq, %select_n3A_733, %eq3A_737 : vector<512x256xi32>
    %jit3A_739 = arith.constant 0 : i32
    %broadcast_in_dim3A_740 = vector.broadcast %jit3A_739 : i32 to vector<512x256xi32>
    %select_n3A_741 = arith.select %eq3A_738, %reshape3A_526, %broadcast_in_dim3A_740 : vector<512x256xi1>, vector<512x256xi32>
    %reduce_sum3A_742 = arith.constant dense<0> : vector<256xi32>
    %reduce_sum3A_743 = vector.multi_reduction <add>, %select_n3A_741, %reduce_sum3A_742 [0] : vector<512x256xi32> to vector<256xi32>
    %broadcast_in_dim3A_744 = vector.shape_cast %reduce_sum3A_743 : vector<256xi32> to vector<1x256xi32>
    %jit3A_745 = arith.constant 0x7F800000 : f32
    %broadcast_in_dim3A_746 = vector.broadcast %jit3A_745 : f32 to vector<512x256xf32>
    %select_n3A_747 = arith.select %eq3A_738, %broadcast_in_dim3A_746, %select_n3A_725 : vector<512x256xi1>, vector<512x256xf32>
    %reduce_min3A_748 = arith.constant dense<0x7F800000> : vector<256xf32>
    %reduce_min3A_749 = vector.multi_reduction <minimumf>, %select_n3A_747, %reduce_min3A_748 [0] : vector<512x256xf32> to vector<256xf32>
    %broadcast_in_dim3A_750 = vector.shape_cast %reduce_min3A_749 : vector<256xf32> to vector<1x256xf32>
    %eq3A_751 = vector.broadcast %broadcast_in_dim3A_750 : vector<1x256xf32> to vector<512x256xf32>
    %eq3A_752 = arith.cmpf oeq, %select_n3A_747, %eq3A_751 : vector<512x256xf32>
    %jit3A_753 = arith.constant 512 : i32
    %broadcast_in_dim3A_754 = vector.broadcast %jit3A_753 : i32 to vector<512x256xi32>
    %select_n3A_755 = arith.select %eq3A_752, %iota3A_527, %broadcast_in_dim3A_754 : vector<512x256xi1>, vector<512x256xi32>
    %reduce_min3A_756 = arith.constant dense<2147483647> : vector<256xi32>
    %reduce_min3A_757 = vector.multi_reduction <minsi>, %select_n3A_755, %reduce_min3A_756 [0] : vector<512x256xi32> to vector<256xi32>
    %broadcast_in_dim3A_758 = vector.shape_cast %reduce_min3A_757 : vector<256xi32> to vector<1x256xi32>
    %eq3A_759 = vector.broadcast %broadcast_in_dim3A_758 : vector<1x256xi32> to vector<512x256xi32>
    %eq3A_760 = arith.cmpi eq, %select_n3A_755, %eq3A_759 : vector<512x256xi32>
    %jit3A_761 = arith.constant 0 : i32
    %broadcast_in_dim3A_762 = vector.broadcast %jit3A_761 : i32 to vector<512x256xi32>
    %select_n3A_763 = arith.select %eq3A_760, %reshape3A_526, %broadcast_in_dim3A_762 : vector<512x256xi1>, vector<512x256xi32>
    %reduce_sum3A_764 = arith.constant dense<0> : vector<256xi32>
    %reduce_sum3A_765 = vector.multi_reduction <add>, %select_n3A_763, %reduce_sum3A_764 [0] : vector<512x256xi32> to vector<256xi32>
    %broadcast_in_dim3A_766 = vector.shape_cast %reduce_sum3A_765 : vector<256xi32> to vector<1x256xi32>
    %jit3A_767 = arith.constant 0x7F800000 : f32
    %broadcast_in_dim3A_768 = vector.broadcast %jit3A_767 : f32 to vector<512x256xf32>
    %select_n3A_769 = arith.select %eq3A_760, %broadcast_in_dim3A_768, %select_n3A_747 : vector<512x256xi1>, vector<512x256xf32>
    %reduce_min3A_770 = arith.constant dense<0x7F800000> : vector<256xf32>
    %reduce_min3A_771 = vector.multi_reduction <minimumf>, %select_n3A_769, %reduce_min3A_770 [0] : vector<512x256xf32> to vector<256xf32>
    %broadcast_in_dim3A_772 = vector.shape_cast %reduce_min3A_771 : vector<256xf32> to vector<1x256xf32>
    %eq3A_773 = vector.broadcast %broadcast_in_dim3A_772 : vector<1x256xf32> to vector<512x256xf32>
    %eq3A_774 = arith.cmpf oeq, %select_n3A_769, %eq3A_773 : vector<512x256xf32>
    %jit3A_775 = arith.constant 512 : i32
    %broadcast_in_dim3A_776 = vector.broadcast %jit3A_775 : i32 to vector<512x256xi32>
    %select_n3A_777 = arith.select %eq3A_774, %iota3A_527, %broadcast_in_dim3A_776 : vector<512x256xi1>, vector<512x256xi32>
    %reduce_min3A_778 = arith.constant dense<2147483647> : vector<256xi32>
    %reduce_min3A_779 = vector.multi_reduction <minsi>, %select_n3A_777, %reduce_min3A_778 [0] : vector<512x256xi32> to vector<256xi32>
    %broadcast_in_dim3A_780 = vector.shape_cast %reduce_min3A_779 : vector<256xi32> to vector<1x256xi32>
    %eq3A_781 = vector.broadcast %broadcast_in_dim3A_780 : vector<1x256xi32> to vector<512x256xi32>
    %eq3A_782 = arith.cmpi eq, %select_n3A_777, %eq3A_781 : vector<512x256xi32>
    %jit3A_783 = arith.constant 0 : i32
    %broadcast_in_dim3A_784 = vector.broadcast %jit3A_783 : i32 to vector<512x256xi32>
    %select_n3A_785 = arith.select %eq3A_782, %reshape3A_526, %broadcast_in_dim3A_784 : vector<512x256xi1>, vector<512x256xi32>
    %reduce_sum3A_786 = arith.constant dense<0> : vector<256xi32>
    %reduce_sum3A_787 = vector.multi_reduction <add>, %select_n3A_785, %reduce_sum3A_786 [0] : vector<512x256xi32> to vector<256xi32>
    %broadcast_in_dim3A_788 = vector.shape_cast %reduce_sum3A_787 : vector<256xi32> to vector<1x256xi32>
    %jit3A_789 = arith.constant 0x7F800000 : f32
    %broadcast_in_dim3A_790 = vector.broadcast %jit3A_789 : f32 to vector<512x256xf32>
    %select_n3A_791 = arith.select %eq3A_782, %broadcast_in_dim3A_790, %select_n3A_769 : vector<512x256xi1>, vector<512x256xf32>
    %reduce_min3A_792 = arith.constant dense<0x7F800000> : vector<256xf32>
    %reduce_min3A_793 = vector.multi_reduction <minimumf>, %select_n3A_791, %reduce_min3A_792 [0] : vector<512x256xf32> to vector<256xf32>
    %broadcast_in_dim3A_794 = vector.shape_cast %reduce_min3A_793 : vector<256xf32> to vector<1x256xf32>
    %eq3A_795 = vector.broadcast %broadcast_in_dim3A_794 : vector<1x256xf32> to vector<512x256xf32>
    %eq3A_796 = arith.cmpf oeq, %select_n3A_791, %eq3A_795 : vector<512x256xf32>
    %jit3A_797 = arith.constant 512 : i32
    %broadcast_in_dim3A_798 = vector.broadcast %jit3A_797 : i32 to vector<512x256xi32>
    %select_n3A_799 = arith.select %eq3A_796, %iota3A_527, %broadcast_in_dim3A_798 : vector<512x256xi1>, vector<512x256xi32>
    %reduce_min3A_800 = arith.constant dense<2147483647> : vector<256xi32>
    %reduce_min3A_801 = vector.multi_reduction <minsi>, %select_n3A_799, %reduce_min3A_800 [0] : vector<512x256xi32> to vector<256xi32>
    %broadcast_in_dim3A_802 = vector.shape_cast %reduce_min3A_801 : vector<256xi32> to vector<1x256xi32>
    %eq3A_803 = vector.broadcast %broadcast_in_dim3A_802 : vector<1x256xi32> to vector<512x256xi32>
    %eq3A_804 = arith.cmpi eq, %select_n3A_799, %eq3A_803 : vector<512x256xi32>
    %jit3A_805 = arith.constant 0 : i32
    %broadcast_in_dim3A_806 = vector.broadcast %jit3A_805 : i32 to vector<512x256xi32>
    %select_n3A_807 = arith.select %eq3A_804, %reshape3A_526, %broadcast_in_dim3A_806 : vector<512x256xi1>, vector<512x256xi32>
    %reduce_sum3A_808 = arith.constant dense<0> : vector<256xi32>
    %reduce_sum3A_809 = vector.multi_reduction <add>, %select_n3A_807, %reduce_sum3A_808 [0] : vector<512x256xi32> to vector<256xi32>
    %broadcast_in_dim3A_810 = vector.shape_cast %reduce_sum3A_809 : vector<256xi32> to vector<1x256xi32>
    %jit3A_811 = arith.constant 0x7F800000 : f32
    %broadcast_in_dim3A_812 = vector.broadcast %jit3A_811 : f32 to vector<512x256xf32>
    %select_n3A_813 = arith.select %eq3A_804, %broadcast_in_dim3A_812, %select_n3A_791 : vector<512x256xi1>, vector<512x256xf32>
    %reduce_min3A_814 = arith.constant dense<0x7F800000> : vector<256xf32>
    %reduce_min3A_815 = vector.multi_reduction <minimumf>, %select_n3A_813, %reduce_min3A_814 [0] : vector<512x256xf32> to vector<256xf32>
    %broadcast_in_dim3A_816 = vector.shape_cast %reduce_min3A_815 : vector<256xf32> to vector<1x256xf32>
    %eq3A_817 = vector.broadcast %broadcast_in_dim3A_816 : vector<1x256xf32> to vector<512x256xf32>
    %eq3A_818 = arith.cmpf oeq, %select_n3A_813, %eq3A_817 : vector<512x256xf32>
    %jit3A_819 = arith.constant 512 : i32
    %broadcast_in_dim3A_820 = vector.broadcast %jit3A_819 : i32 to vector<512x256xi32>
    %select_n3A_821 = arith.select %eq3A_818, %iota3A_527, %broadcast_in_dim3A_820 : vector<512x256xi1>, vector<512x256xi32>
    %reduce_min3A_822 = arith.constant dense<2147483647> : vector<256xi32>
    %reduce_min3A_823 = vector.multi_reduction <minsi>, %select_n3A_821, %reduce_min3A_822 [0] : vector<512x256xi32> to vector<256xi32>
    %broadcast_in_dim3A_824 = vector.shape_cast %reduce_min3A_823 : vector<256xi32> to vector<1x256xi32>
    %eq3A_825 = vector.broadcast %broadcast_in_dim3A_824 : vector<1x256xi32> to vector<512x256xi32>
    %eq3A_826 = arith.cmpi eq, %select_n3A_821, %eq3A_825 : vector<512x256xi32>
    %jit3A_827 = arith.constant 0 : i32
    %broadcast_in_dim3A_828 = vector.broadcast %jit3A_827 : i32 to vector<512x256xi32>
    %select_n3A_829 = arith.select %eq3A_826, %reshape3A_526, %broadcast_in_dim3A_828 : vector<512x256xi1>, vector<512x256xi32>
    %reduce_sum3A_830 = arith.constant dense<0> : vector<256xi32>
    %reduce_sum3A_831 = vector.multi_reduction <add>, %select_n3A_829, %reduce_sum3A_830 [0] : vector<512x256xi32> to vector<256xi32>
    %broadcast_in_dim3A_832 = vector.shape_cast %reduce_sum3A_831 : vector<256xi32> to vector<1x256xi32>
    %jit3A_833 = arith.constant 0x7F800000 : f32
    %broadcast_in_dim3A_834 = vector.broadcast %jit3A_833 : f32 to vector<512x256xf32>
    %select_n3A_835 = arith.select %eq3A_826, %broadcast_in_dim3A_834, %select_n3A_813 : vector<512x256xi1>, vector<512x256xf32>
    %reduce_min3A_836 = arith.constant dense<0x7F800000> : vector<256xf32>
    %reduce_min3A_837 = vector.multi_reduction <minimumf>, %select_n3A_835, %reduce_min3A_836 [0] : vector<512x256xf32> to vector<256xf32>
    %broadcast_in_dim3A_838 = vector.shape_cast %reduce_min3A_837 : vector<256xf32> to vector<1x256xf32>
    %eq3A_839 = vector.broadcast %broadcast_in_dim3A_838 : vector<1x256xf32> to vector<512x256xf32>
    %eq3A_840 = arith.cmpf oeq, %select_n3A_835, %eq3A_839 : vector<512x256xf32>
    %jit3A_841 = arith.constant 512 : i32
    %broadcast_in_dim3A_842 = vector.broadcast %jit3A_841 : i32 to vector<512x256xi32>
    %select_n3A_843 = arith.select %eq3A_840, %iota3A_527, %broadcast_in_dim3A_842 : vector<512x256xi1>, vector<512x256xi32>
    %reduce_min3A_844 = arith.constant dense<2147483647> : vector<256xi32>
    %reduce_min3A_845 = vector.multi_reduction <minsi>, %select_n3A_843, %reduce_min3A_844 [0] : vector<512x256xi32> to vector<256xi32>
    %broadcast_in_dim3A_846 = vector.shape_cast %reduce_min3A_845 : vector<256xi32> to vector<1x256xi32>
    %eq3A_847 = vector.broadcast %broadcast_in_dim3A_846 : vector<1x256xi32> to vector<512x256xi32>
    %eq3A_848 = arith.cmpi eq, %select_n3A_843, %eq3A_847 : vector<512x256xi32>
    %jit3A_849 = arith.constant 0 : i32
    %broadcast_in_dim3A_850 = vector.broadcast %jit3A_849 : i32 to vector<512x256xi32>
    %select_n3A_851 = arith.select %eq3A_848, %reshape3A_526, %broadcast_in_dim3A_850 : vector<512x256xi1>, vector<512x256xi32>
    %reduce_sum3A_852 = arith.constant dense<0> : vector<256xi32>
    %reduce_sum3A_853 = vector.multi_reduction <add>, %select_n3A_851, %reduce_sum3A_852 [0] : vector<512x256xi32> to vector<256xi32>
    %broadcast_in_dim3A_854 = vector.shape_cast %reduce_sum3A_853 : vector<256xi32> to vector<1x256xi32>
    %jit3A_855 = arith.constant 0x7F800000 : f32
    %broadcast_in_dim3A_856 = vector.broadcast %jit3A_855 : f32 to vector<512x256xf32>
    %select_n3A_857 = arith.select %eq3A_848, %broadcast_in_dim3A_856, %select_n3A_835 : vector<512x256xi1>, vector<512x256xf32>
    %reduce_min3A_858 = arith.constant dense<0x7F800000> : vector<256xf32>
    %reduce_min3A_859 = vector.multi_reduction <minimumf>, %select_n3A_857, %reduce_min3A_858 [0] : vector<512x256xf32> to vector<256xf32>
    %broadcast_in_dim3A_860 = vector.shape_cast %reduce_min3A_859 : vector<256xf32> to vector<1x256xf32>
    %eq3A_861 = vector.broadcast %broadcast_in_dim3A_860 : vector<1x256xf32> to vector<512x256xf32>
    %eq3A_862 = arith.cmpf oeq, %select_n3A_857, %eq3A_861 : vector<512x256xf32>
    %jit3A_863 = arith.constant 512 : i32
    %broadcast_in_dim3A_864 = vector.broadcast %jit3A_863 : i32 to vector<512x256xi32>
    %select_n3A_865 = arith.select %eq3A_862, %iota3A_527, %broadcast_in_dim3A_864 : vector<512x256xi1>, vector<512x256xi32>
    %reduce_min3A_866 = arith.constant dense<2147483647> : vector<256xi32>
    %reduce_min3A_867 = vector.multi_reduction <minsi>, %select_n3A_865, %reduce_min3A_866 [0] : vector<512x256xi32> to vector<256xi32>
    %broadcast_in_dim3A_868 = vector.shape_cast %reduce_min3A_867 : vector<256xi32> to vector<1x256xi32>
    %eq3A_869 = vector.broadcast %broadcast_in_dim3A_868 : vector<1x256xi32> to vector<512x256xi32>
    %eq3A_870 = arith.cmpi eq, %select_n3A_865, %eq3A_869 : vector<512x256xi32>
    %jit3A_871 = arith.constant 0 : i32
    %broadcast_in_dim3A_872 = vector.broadcast %jit3A_871 : i32 to vector<512x256xi32>
    %select_n3A_873 = arith.select %eq3A_870, %reshape3A_526, %broadcast_in_dim3A_872 : vector<512x256xi1>, vector<512x256xi32>
    %reduce_sum3A_874 = arith.constant dense<0> : vector<256xi32>
    %reduce_sum3A_875 = vector.multi_reduction <add>, %select_n3A_873, %reduce_sum3A_874 [0] : vector<512x256xi32> to vector<256xi32>
    %broadcast_in_dim3A_876 = vector.shape_cast %reduce_sum3A_875 : vector<256xi32> to vector<1x256xi32>
    %concatenate3A_877 = tpu.concatenate %broadcast_in_dim3A_546, %broadcast_in_dim3A_568, %broadcast_in_dim3A_590, %broadcast_in_dim3A_612, %broadcast_in_dim3A_634, %broadcast_in_dim3A_656, %broadcast_in_dim3A_678, %broadcast_in_dim3A_700, %broadcast_in_dim3A_722, %broadcast_in_dim3A_744, %broadcast_in_dim3A_766, %broadcast_in_dim3A_788, %broadcast_in_dim3A_810, %broadcast_in_dim3A_832, %broadcast_in_dim3A_854, %broadcast_in_dim3A_876 in 0 : vector<1x256xi32>, vector<1x256xi32>, vector<1x256xi32>, vector<1x256xi32>, vector<1x256xi32>, vector<1x256xi32>, vector<1x256xi32>, vector<1x256xi32>, vector<1x256xi32>, vector<1x256xi32>, vector<1x256xi32>, vector<1x256xi32>, vector<1x256xi32>, vector<1x256xi32>, vector<1x256xi32>, vector<1x256xi32> -> vector<16x256xi32>
    %concatenate3A_878 = tpu.concatenate %concatenate3A_450, %concatenate3A_877 in 0 : vector<16x256xi32>, vector<16x256xi32> -> vector<32x256xi32>
    %add3A_879 = arith.constant 2 : i32
    %add3A_880 = arith.addi %arg0, %add3A_879 : i32
    %mul3A_881 = arith.constant 4096 : i32
    %mul3A_882 = arith.muli %add3A_880, %mul3A_881 : i32
    %add3A_883 = vector.broadcast %mul3A_882 : i32 to vector<32x256xi32>
    %add3A_884 = arith.addi %concatenate3A_878, %add3A_883 : vector<32x256xi32>
    %swap3A = arith.constant 0 : index
    %swap3A_885 = arith.constant 0 : index
    %swap3A_886 = arith.constant 0 : index
    %swap3A_887 = vector.load %arg6[%swap3A, %swap3A_885, %swap3A_886] : memref<1x32x256xi32, #tpu.memory_space<vmem>>, vector<1x32x256xi32>
    %swap3A_888 = vector.shape_cast %swap3A_887 : vector<1x32x256xi32> to vector<32x256xi32>
    %swap3A_889 = vector.shape_cast %add3A_884 : vector<32x256xi32> to vector<1x32x256xi32>
    tpu.vector_store %arg6[%swap3A, %swap3A_885, %swap3A_886], %swap3A_889 {strides = array<i32>} : memref<1x32x256xi32, #tpu.memory_space<vmem>>, vector<1x32x256xi32>,
    return
  }
  func.func @transform_0(%arg0: i32, %arg1: i32) -> (i32, i32, i32) {
    %c0_i32 = arith.constant 0 : i32
    %c0_i32_0 = arith.constant 0 : i32
    return %arg0, %c0_i32, %arg1 : i32, i32, i32
  }
  func.func @transform_1(%arg0: i32, %arg1: i32) -> (i32, i32, i32) {
    %c0_i32 = arith.constant 0 : i32
    %c0_i32_0 = arith.constant 0 : i32
    %c0_i32_1 = arith.constant 0 : i32
    return %arg0, %c0_i32, %c0_i32_0 : i32, i32, i32
  }
  func.func @transform_2(%arg0: i32, %arg1: i32) -> (i32, i32, i32) {
    %c0_i32 = arith.constant 0 : i32
    %c0_i32_0 = arith.constant 0 : i32
    return %arg0, %c0_i32, %arg1 : i32, i32, i32
  }
  func.func @transform_3(%arg0: i32, %arg1: i32) -> (i32, i32, i32) {
    %c0_i32 = arith.constant 0 : i32
    %c0_i32_0 = arith.constant 0 : i32
    %c0_i32_1 = arith.constant 0 : i32
    return %arg0, %c0_i32, %c0_i32_0 : i32, i32, i32
  }
  func.func @transform_4(%arg0: i32, %arg1: i32) -> (i32, i32, i32) {
    %c0_i32 = arith.constant 0 : i32
    %c0_i32_0 = arith.constant 0 : i32
    return %arg0, %c0_i32, %arg1 : i32, i32, i32
  }
}

module attributes {stable_mosaic.version = 14 : i64} {
  func.func @_knn_body(%arg0: i32, %arg1: i32, %arg2: memref<1x64x256xf32, #tpu.memory_space<vmem>>, %arg3: memref<1x4096x64xf32, #tpu.memory_space<vmem>>, %arg4: memref<1x3x256xf32, #tpu.memory_space<vmem>>, %arg5: memref<1x4096x3xf32, #tpu.memory_space<vmem>>, %arg6: memref<1x32x256xi32, #tpu.memory_space<vmem>>) attributes {dimension_semantics = [#tpu.dimension_semantics<arbitrary>, #tpu.dimension_semantics<arbitrary>], iteration_bounds = array<i64: 2, 16>, scalar_prefetch = 0 : i64, scratch_operands = 0 : i64, tpu.core_type = #tpu.core_type<tc>, window_params = [{transform_indices = @transform_0, window_bounds = array<i64: 1, 64, 256>}, {transform_indices = @transform_1, window_bounds = array<i64: 1, 4096, 64>}, {transform_indices = @transform_2, window_bounds = array<i64: 1, 3, 256>}, {transform_indices = @transform_3, window_bounds = array<i64: 1, 4096, 3>}, {transform_indices = @transform_4, window_bounds = array<i64: 1, 32, 256>}]} {
    %get3A = arith.constant 0 : index
    %get3A_0 = arith.constant 0 : index
    %get3A_1 = arith.constant 0 : index
    %get3A_2 = vector.load %arg3[%get3A, %get3A_0, %get3A_1] : memref<1x4096x64xf32, #tpu.memory_space<vmem>>, vector<1x4096x64xf32>
    %get3A_3 = vector.shape_cast %get3A_2 : vector<1x4096x64xf32> to vector<4096x64xf32>
    %get3A_4 = arith.constant 0 : index
    %get3A_5 = arith.constant 0 : index
    %get3A_6 = arith.constant 0 : index
    %get3A_7 = vector.load %arg2[%get3A_4, %get3A_5, %get3A_6] : memref<1x64x256xf32, #tpu.memory_space<vmem>>, vector<1x64x256xf32>
    %get3A_8 = vector.shape_cast %get3A_7 : vector<1x64x256xf32> to vector<64x256xf32>
    %dot_general3A = arith.constant dense<0.000000e+00> : vector<4096x256xf32>
    %dot_general3A_9 = tpu.matmul %get3A_3, %get3A_8, %dot_general3A {dimension_numbers = #tpu.dot_dimension_numbers<[1], [0], [0], [1], [0, 0, 1, 1], [], []>, transpose_lhs_hint = false} : vector<4096x64xf32>, vector<64x256xf32>, vector<4096x256xf32> -> vector<4096x256xf32>
    %get3A_10 = arith.constant 0 : index
    %get3A_11 = arith.constant 0 : index
    %get3A_12 = arith.constant 0 : index
    %get3A_13 = vector.load %arg4[%get3A_10, %get3A_11, %get3A_12] : memref<1x3x256xf32, #tpu.memory_space<vmem>>, vector<1x3x256xf32>
    %get3A_14 = vector.shape_cast %get3A_13 : vector<1x3x256xf32> to vector<3x256xf32>
    %get3A_15 = arith.constant 0 : index
    %get3A_16 = arith.constant 0 : index
    %get3A_17 = arith.constant 0 : index
    %get3A_18 = vector.load %arg5[%get3A_15, %get3A_16, %get3A_17] : memref<1x4096x3xf32, #tpu.memory_space<vmem>>, vector<1x4096x3xf32>
    %get3A_19 = vector.shape_cast %get3A_18 : vector<1x4096x3xf32> to vector<4096x3xf32>
    %dot_general3A_20 = arith.constant dense<0.000000e+00> : vector<4096x256xf32>
    %dot_general3A_21 = tpu.matmul %get3A_19, %get3A_14, %dot_general3A_20 {dimension_numbers = #tpu.dot_dimension_numbers<[1], [0], [0], [1], [0, 0, 1, 1], [], []>, transpose_lhs_hint = false} : vector<4096x3xf32>, vector<3x256xf32>, vector<4096x256xf32> -> vector<4096x256xf32>
    %mul3A = arith.mulf %get3A_14, %get3A_14 : vector<3x256xf32>
    %reduce_sum3A = arith.constant dense<0.000000e+00> : vector<256xf32>
    %reduce_sum3A_22 = vector.multi_reduction <add>, %mul3A, %reduce_sum3A [0] : vector<3x256xf32> to vector<256xf32>
    %broadcast_in_dim3A = vector.shape_cast %reduce_sum3A_22 : vector<256xf32> to vector<1x256xf32>
    %mul3A_23 = arith.mulf %get3A_19, %get3A_19 : vector<4096x3xf32>
    %reduce_sum3A_24 = arith.constant dense<0.000000e+00> : vector<4096xf32>
    %reduce_sum3A_25 = vector.multi_reduction <add>, %mul3A_23, %reduce_sum3A_24 [1] : vector<4096x3xf32> to vector<4096xf32>
    %broadcast_in_dim3A_26 = vector.shape_cast %reduce_sum3A_25 : vector<4096xf32> to vector<4096x1xf32>
    %add3A = vector.broadcast %broadcast_in_dim3A : vector<1x256xf32> to vector<4096x256xf32>
    %add3A_27 = vector.broadcast %broadcast_in_dim3A_26 : vector<4096x1xf32> to vector<4096x256xf32>
    %add3A_28 = arith.addf %add3A, %add3A_27 : vector<4096x256xf32>
    %mul3A_29 = arith.constant 2.000000e+00 : f32
    %mul3A_30 = vector.broadcast %mul3A_29 : f32 to vector<4096x256xf32>
    %mul3A_31 = arith.mulf %mul3A_30, %dot_general3A_21 : vector<4096x256xf32>
    %sub3A = arith.subf %add3A_28, %mul3A_31 : vector<4096x256xf32>
    %max3A = arith.constant 9.99999996E-13 : f32
    %max3A_32 = vector.broadcast %max3A : f32 to vector<4096x256xf32>
    %max3A_33 = arith.maximumf %sub3A, %max3A_32 : vector<4096x256xf32>
    %sqrt3A = math.sqrt %max3A_33 : vector<4096x256xf32>
    %reshape3A = vector.shape_cast %sqrt3A : vector<4096x256xf32> to vector<128x32x256xf32>
    %iota3A = tpu.iota {dimensions = array<i32: 1>} : vector<128x32x256xi32>
    %iota3A_34 = tpu.iota {dimensions = array<i32: 0>} : vector<128x1x256xi32>
    %mul3A_35 = arith.constant 32 : i32
    %mul3A_36 = vector.broadcast %mul3A_35 : i32 to vector<128x1x256xi32>
    %mul3A_37 = arith.muli %iota3A_34, %mul3A_36 : vector<128x1x256xi32>
    %reduce_min3A = arith.constant dense<0x7F800000> : vector<128x256xf32>
    %reduce_min3A_38 = vector.multi_reduction <minimumf>, %reshape3A, %reduce_min3A [1] : vector<128x32x256xf32> to vector<128x256xf32>
    %broadcast_in_dim3A_39 = vector.shape_cast %reduce_min3A_38 : vector<128x256xf32> to vector<128x1x256xf32>
    %eq3A = vector.broadcast %broadcast_in_dim3A_39 : vector<128x1x256xf32> to vector<128x32x256xf32>
    %eq3A_40 = arith.cmpf oeq, %reshape3A, %eq3A : vector<128x32x256xf32>
    %jit3A = arith.constant 32 : i32
    %broadcast_in_dim3A_41 = vector.broadcast %jit3A : i32 to vector<128x32x256xi32>
    %select_n3A = arith.select %eq3A_40, %iota3A, %broadcast_in_dim3A_41 : vector<128x32x256xi1>, vector<128x32x256xi32>
    %reduce_min3A_42 = arith.constant dense<2147483647> : vector<128x256xi32>
    %reduce_min3A_43 = vector.multi_reduction <minsi>, %select_n3A, %reduce_min3A_42 [1] : vector<128x32x256xi32> to vector<128x256xi32>
    %broadcast_in_dim3A_44 = vector.shape_cast %reduce_min3A_43 : vector<128x256xi32> to vector<128x1x256xi32>
    %add3A_45 = arith.addi %mul3A_37, %broadcast_in_dim3A_44 : vector<128x1x256xi32>
    %eq3A_46 = vector.broadcast %broadcast_in_dim3A_44 : vector<128x1x256xi32> to vector<128x32x256xi32>
    %eq3A_47 = arith.cmpi eq, %select_n3A, %eq3A_46 : vector<128x32x256xi32>
    %jit3A_48 = arith.constant 0x7F800000 : f32
    %broadcast_in_dim3A_49 = vector.broadcast %jit3A_48 : f32 to vector<128x32x256xf32>
    %select_n3A_50 = arith.select %eq3A_47, %broadcast_in_dim3A_49, %reshape3A : vector<128x32x256xi1>, vector<128x32x256xf32>
    %reduce_min3A_51 = arith.constant dense<0x7F800000> : vector<128x256xf32>
    %reduce_min3A_52 = vector.multi_reduction <minimumf>, %select_n3A_50, %reduce_min3A_51 [1] : vector<128x32x256xf32> to vector<128x256xf32>
    %broadcast_in_dim3A_53 = vector.shape_cast %reduce_min3A_52 : vector<128x256xf32> to vector<128x1x256xf32>
    %eq3A_54 = vector.broadcast %broadcast_in_dim3A_53 : vector<128x1x256xf32> to vector<128x32x256xf32>
    %eq3A_55 = arith.cmpf oeq, %select_n3A_50, %eq3A_54 : vector<128x32x256xf32>
    %jit3A_56 = arith.constant 32 : i32
    %broadcast_in_dim3A_57 = vector.broadcast %jit3A_56 : i32 to vector<128x32x256xi32>
    %select_n3A_58 = arith.select %eq3A_55, %iota3A, %broadcast_in_dim3A_57 : vector<128x32x256xi1>, vector<128x32x256xi32>
    %reduce_min3A_59 = arith.constant dense<2147483647> : vector<128x256xi32>
    %reduce_min3A_60 = vector.multi_reduction <minsi>, %select_n3A_58, %reduce_min3A_59 [1] : vector<128x32x256xi32> to vector<128x256xi32>
    %broadcast_in_dim3A_61 = vector.shape_cast %reduce_min3A_60 : vector<128x256xi32> to vector<128x1x256xi32>
    %add3A_62 = arith.addi %mul3A_37, %broadcast_in_dim3A_61 : vector<128x1x256xi32>
    %eq3A_63 = vector.broadcast %broadcast_in_dim3A_61 : vector<128x1x256xi32> to vector<128x32x256xi32>
    %eq3A_64 = arith.cmpi eq, %select_n3A_58, %eq3A_63 : vector<128x32x256xi32>
    %jit3A_65 = arith.constant 0x7F800000 : f32
    %broadcast_in_dim3A_66 = vector.broadcast %jit3A_65 : f32 to vector<128x32x256xf32>
    %select_n3A_67 = arith.select %eq3A_64, %broadcast_in_dim3A_66, %select_n3A_50 : vector<128x32x256xi1>, vector<128x32x256xf32>
    %reduce_min3A_68 = arith.constant dense<0x7F800000> : vector<128x256xf32>
    %reduce_min3A_69 = vector.multi_reduction <minimumf>, %select_n3A_67, %reduce_min3A_68 [1] : vector<128x32x256xf32> to vector<128x256xf32>
    %broadcast_in_dim3A_70 = vector.shape_cast %reduce_min3A_69 : vector<128x256xf32> to vector<128x1x256xf32>
    %eq3A_71 = vector.broadcast %broadcast_in_dim3A_70 : vector<128x1x256xf32> to vector<128x32x256xf32>
    %eq3A_72 = arith.cmpf oeq, %select_n3A_67, %eq3A_71 : vector<128x32x256xf32>
    %jit3A_73 = arith.constant 32 : i32
    %broadcast_in_dim3A_74 = vector.broadcast %jit3A_73 : i32 to vector<128x32x256xi32>
    %select_n3A_75 = arith.select %eq3A_72, %iota3A, %broadcast_in_dim3A_74 : vector<128x32x256xi1>, vector<128x32x256xi32>
    %reduce_min3A_76 = arith.constant dense<2147483647> : vector<128x256xi32>
    %reduce_min3A_77 = vector.multi_reduction <minsi>, %select_n3A_75, %reduce_min3A_76 [1] : vector<128x32x256xi32> to vector<128x256xi32>
    %broadcast_in_dim3A_78 = vector.shape_cast %reduce_min3A_77 : vector<128x256xi32> to vector<128x1x256xi32>
    %add3A_79 = arith.addi %mul3A_37, %broadcast_in_dim3A_78 : vector<128x1x256xi32>
    %eq3A_80 = vector.broadcast %broadcast_in_dim3A_78 : vector<128x1x256xi32> to vector<128x32x256xi32>
    %eq3A_81 = arith.cmpi eq, %select_n3A_75, %eq3A_80 : vector<128x32x256xi32>
    %jit3A_82 = arith.constant 0x7F800000 : f32
    %broadcast_in_dim3A_83 = vector.broadcast %jit3A_82 : f32 to vector<128x32x256xf32>
    %select_n3A_84 = arith.select %eq3A_81, %broadcast_in_dim3A_83, %select_n3A_67 : vector<128x32x256xi1>, vector<128x32x256xf32>
    %reduce_min3A_85 = arith.constant dense<0x7F800000> : vector<128x256xf32>
    %reduce_min3A_86 = vector.multi_reduction <minimumf>, %select_n3A_84, %reduce_min3A_85 [1] : vector<128x32x256xf32> to vector<128x256xf32>
    %broadcast_in_dim3A_87 = vector.shape_cast %reduce_min3A_86 : vector<128x256xf32> to vector<128x1x256xf32>
    %eq3A_88 = vector.broadcast %broadcast_in_dim3A_87 : vector<128x1x256xf32> to vector<128x32x256xf32>
    %eq3A_89 = arith.cmpf oeq, %select_n3A_84, %eq3A_88 : vector<128x32x256xf32>
    %jit3A_90 = arith.constant 32 : i32
    %broadcast_in_dim3A_91 = vector.broadcast %jit3A_90 : i32 to vector<128x32x256xi32>
    %select_n3A_92 = arith.select %eq3A_89, %iota3A, %broadcast_in_dim3A_91 : vector<128x32x256xi1>, vector<128x32x256xi32>
    %reduce_min3A_93 = arith.constant dense<2147483647> : vector<128x256xi32>
    %reduce_min3A_94 = vector.multi_reduction <minsi>, %select_n3A_92, %reduce_min3A_93 [1] : vector<128x32x256xi32> to vector<128x256xi32>
    %broadcast_in_dim3A_95 = vector.shape_cast %reduce_min3A_94 : vector<128x256xi32> to vector<128x1x256xi32>
    %add3A_96 = arith.addi %mul3A_37, %broadcast_in_dim3A_95 : vector<128x1x256xi32>
    %concatenate3A = tpu.concatenate %broadcast_in_dim3A_39, %broadcast_in_dim3A_53, %broadcast_in_dim3A_70, %broadcast_in_dim3A_87 in 1 : vector<128x1x256xf32>, vector<128x1x256xf32>, vector<128x1x256xf32>, vector<128x1x256xf32> -> vector<128x4x256xf32>
    %reshape3A_97 = vector.shape_cast %concatenate3A : vector<128x4x256xf32> to vector<512x256xf32>
    %concatenate3A_98 = tpu.concatenate %add3A_45, %add3A_62, %add3A_79, %add3A_96 in 1 : vector<128x1x256xi32>, vector<128x1x256xi32>, vector<128x1x256xi32>, vector<128x1x256xi32> -> vector<128x4x256xi32>
    %reshape3A_99 = vector.shape_cast %concatenate3A_98 : vector<128x4x256xi32> to vector<512x256xi32>
    %iota3A_100 = tpu.iota {dimensions = array<i32: 0>} : vector<512x256xi32>
    %reduce_min3A_101 = arith.constant dense<0x7F800000> : vector<256xf32>
    %reduce_min3A_102 = vector.multi_reduction <minimumf>, %reshape3A_97, %reduce_min3A_101 [0] : vector<512x256xf32> to vector<256xf32>
    %broadcast_in_dim3A_103 = vector.shape_cast %reduce_min3A_102 : vector<256xf32> to vector<1x256xf32>
    %eq3A_104 = vector.broadcast %broadcast_in_dim3A_103 : vector<1x256xf32> to vector<512x256xf32>
    %eq3A_105 = arith.cmpf oeq, %reshape3A_97, %eq3A_104 : vector<512x256xf32>
    %jit3A_106 = arith.constant 512 : i32
    %broadcast_in_dim3A_107 = vector.broadcast %jit3A_106 : i32 to vector<512x256xi32>
    %select_n3A_108 = arith.select %eq3A_105, %iota3A_100, %broadcast_in_dim3A_107 : vector<512x256xi1>, vector<512x256xi32>
    %reduce_min3A_109 = arith.constant dense<2147483647> : vector<256xi32>
    %reduce_min3A_110 = vector.multi_reduction <minsi>, %select_n3A_108, %reduce_min3A_109 [0] : vector<512x256xi32> to vector<256xi32>
    %broadcast_in_dim3A_111 = vector.shape_cast %reduce_min3A_110 : vector<256xi32> to vector<1x256xi32>
    %eq3A_112 = vector.broadcast %broadcast_in_dim3A_111 : vector<1x256xi32> to vector<512x256xi32>
    %eq3A_113 = arith.cmpi eq, %select_n3A_108, %eq3A_112 : vector<512x256xi32>
    %jit3A_114 = arith.constant 0 : i32
    %broadcast_in_dim3A_115 = vector.broadcast %jit3A_114 : i32 to vector<512x256xi32>
    %select_n3A_116 = arith.select %eq3A_113, %reshape3A_99, %broadcast_in_dim3A_115 : vector<512x256xi1>, vector<512x256xi32>
    %reduce_sum3A_117 = arith.constant dense<0> : vector<256xi32>
    %reduce_sum3A_118 = vector.multi_reduction <add>, %select_n3A_116, %reduce_sum3A_117 [0] : vector<512x256xi32> to vector<256xi32>
    %broadcast_in_dim3A_119 = vector.shape_cast %reduce_sum3A_118 : vector<256xi32> to vector<1x256xi32>
    %jit3A_120 = arith.constant 0x7F800000 : f32
    %broadcast_in_dim3A_121 = vector.broadcast %jit3A_120 : f32 to vector<512x256xf32>
    %select_n3A_122 = arith.select %eq3A_113, %broadcast_in_dim3A_121, %reshape3A_97 : vector<512x256xi1>, vector<512x256xf32>
    %reduce_min3A_123 = arith.constant dense<0x7F800000> : vector<256xf32>
    %reduce_min3A_124 = vector.multi_reduction <minimumf>, %select_n3A_122, %reduce_min3A_123 [0] : vector<512x256xf32> to vector<256xf32>
    %broadcast_in_dim3A_125 = vector.shape_cast %reduce_min3A_124 : vector<256xf32> to vector<1x256xf32>
    %eq3A_126 = vector.broadcast %broadcast_in_dim3A_125 : vector<1x256xf32> to vector<512x256xf32>
    %eq3A_127 = arith.cmpf oeq, %select_n3A_122, %eq3A_126 : vector<512x256xf32>
    %jit3A_128 = arith.constant 512 : i32
    %broadcast_in_dim3A_129 = vector.broadcast %jit3A_128 : i32 to vector<512x256xi32>
    %select_n3A_130 = arith.select %eq3A_127, %iota3A_100, %broadcast_in_dim3A_129 : vector<512x256xi1>, vector<512x256xi32>
    %reduce_min3A_131 = arith.constant dense<2147483647> : vector<256xi32>
    %reduce_min3A_132 = vector.multi_reduction <minsi>, %select_n3A_130, %reduce_min3A_131 [0] : vector<512x256xi32> to vector<256xi32>
    %broadcast_in_dim3A_133 = vector.shape_cast %reduce_min3A_132 : vector<256xi32> to vector<1x256xi32>
    %eq3A_134 = vector.broadcast %broadcast_in_dim3A_133 : vector<1x256xi32> to vector<512x256xi32>
    %eq3A_135 = arith.cmpi eq, %select_n3A_130, %eq3A_134 : vector<512x256xi32>
    %jit3A_136 = arith.constant 0 : i32
    %broadcast_in_dim3A_137 = vector.broadcast %jit3A_136 : i32 to vector<512x256xi32>
    %select_n3A_138 = arith.select %eq3A_135, %reshape3A_99, %broadcast_in_dim3A_137 : vector<512x256xi1>, vector<512x256xi32>
    %reduce_sum3A_139 = arith.constant dense<0> : vector<256xi32>
    %reduce_sum3A_140 = vector.multi_reduction <add>, %select_n3A_138, %reduce_sum3A_139 [0] : vector<512x256xi32> to vector<256xi32>
    %broadcast_in_dim3A_141 = vector.shape_cast %reduce_sum3A_140 : vector<256xi32> to vector<1x256xi32>
    %jit3A_142 = arith.constant 0x7F800000 : f32
    %broadcast_in_dim3A_143 = vector.broadcast %jit3A_142 : f32 to vector<512x256xf32>
    %select_n3A_144 = arith.select %eq3A_135, %broadcast_in_dim3A_143, %select_n3A_122 : vector<512x256xi1>, vector<512x256xf32>
    %reduce_min3A_145 = arith.constant dense<0x7F800000> : vector<256xf32>
    %reduce_min3A_146 = vector.multi_reduction <minimumf>, %select_n3A_144, %reduce_min3A_145 [0] : vector<512x256xf32> to vector<256xf32>
    %broadcast_in_dim3A_147 = vector.shape_cast %reduce_min3A_146 : vector<256xf32> to vector<1x256xf32>
    %eq3A_148 = vector.broadcast %broadcast_in_dim3A_147 : vector<1x256xf32> to vector<512x256xf32>
    %eq3A_149 = arith.cmpf oeq, %select_n3A_144, %eq3A_148 : vector<512x256xf32>
    %jit3A_150 = arith.constant 512 : i32
    %broadcast_in_dim3A_151 = vector.broadcast %jit3A_150 : i32 to vector<512x256xi32>
    %select_n3A_152 = arith.select %eq3A_149, %iota3A_100, %broadcast_in_dim3A_151 : vector<512x256xi1>, vector<512x256xi32>
    %reduce_min3A_153 = arith.constant dense<2147483647> : vector<256xi32>
    %reduce_min3A_154 = vector.multi_reduction <minsi>, %select_n3A_152, %reduce_min3A_153 [0] : vector<512x256xi32> to vector<256xi32>
    %broadcast_in_dim3A_155 = vector.shape_cast %reduce_min3A_154 : vector<256xi32> to vector<1x256xi32>
    %eq3A_156 = vector.broadcast %broadcast_in_dim3A_155 : vector<1x256xi32> to vector<512x256xi32>
    %eq3A_157 = arith.cmpi eq, %select_n3A_152, %eq3A_156 : vector<512x256xi32>
    %jit3A_158 = arith.constant 0 : i32
    %broadcast_in_dim3A_159 = vector.broadcast %jit3A_158 : i32 to vector<512x256xi32>
    %select_n3A_160 = arith.select %eq3A_157, %reshape3A_99, %broadcast_in_dim3A_159 : vector<512x256xi1>, vector<512x256xi32>
    %reduce_sum3A_161 = arith.constant dense<0> : vector<256xi32>
    %reduce_sum3A_162 = vector.multi_reduction <add>, %select_n3A_160, %reduce_sum3A_161 [0] : vector<512x256xi32> to vector<256xi32>
    %broadcast_in_dim3A_163 = vector.shape_cast %reduce_sum3A_162 : vector<256xi32> to vector<1x256xi32>
    %jit3A_164 = arith.constant 0x7F800000 : f32
    %broadcast_in_dim3A_165 = vector.broadcast %jit3A_164 : f32 to vector<512x256xf32>
    %select_n3A_166 = arith.select %eq3A_157, %broadcast_in_dim3A_165, %select_n3A_144 : vector<512x256xi1>, vector<512x256xf32>
    %reduce_min3A_167 = arith.constant dense<0x7F800000> : vector<256xf32>
    %reduce_min3A_168 = vector.multi_reduction <minimumf>, %select_n3A_166, %reduce_min3A_167 [0] : vector<512x256xf32> to vector<256xf32>
    %broadcast_in_dim3A_169 = vector.shape_cast %reduce_min3A_168 : vector<256xf32> to vector<1x256xf32>
    %eq3A_170 = vector.broadcast %broadcast_in_dim3A_169 : vector<1x256xf32> to vector<512x256xf32>
    %eq3A_171 = arith.cmpf oeq, %select_n3A_166, %eq3A_170 : vector<512x256xf32>
    %jit3A_172 = arith.constant 512 : i32
    %broadcast_in_dim3A_173 = vector.broadcast %jit3A_172 : i32 to vector<512x256xi32>
    %select_n3A_174 = arith.select %eq3A_171, %iota3A_100, %broadcast_in_dim3A_173 : vector<512x256xi1>, vector<512x256xi32>
    %reduce_min3A_175 = arith.constant dense<2147483647> : vector<256xi32>
    %reduce_min3A_176 = vector.multi_reduction <minsi>, %select_n3A_174, %reduce_min3A_175 [0] : vector<512x256xi32> to vector<256xi32>
    %broadcast_in_dim3A_177 = vector.shape_cast %reduce_min3A_176 : vector<256xi32> to vector<1x256xi32>
    %eq3A_178 = vector.broadcast %broadcast_in_dim3A_177 : vector<1x256xi32> to vector<512x256xi32>
    %eq3A_179 = arith.cmpi eq, %select_n3A_174, %eq3A_178 : vector<512x256xi32>
    %jit3A_180 = arith.constant 0 : i32
    %broadcast_in_dim3A_181 = vector.broadcast %jit3A_180 : i32 to vector<512x256xi32>
    %select_n3A_182 = arith.select %eq3A_179, %reshape3A_99, %broadcast_in_dim3A_181 : vector<512x256xi1>, vector<512x256xi32>
    %reduce_sum3A_183 = arith.constant dense<0> : vector<256xi32>
    %reduce_sum3A_184 = vector.multi_reduction <add>, %select_n3A_182, %reduce_sum3A_183 [0] : vector<512x256xi32> to vector<256xi32>
    %broadcast_in_dim3A_185 = vector.shape_cast %reduce_sum3A_184 : vector<256xi32> to vector<1x256xi32>
    %jit3A_186 = arith.constant 0x7F800000 : f32
    %broadcast_in_dim3A_187 = vector.broadcast %jit3A_186 : f32 to vector<512x256xf32>
    %select_n3A_188 = arith.select %eq3A_179, %broadcast_in_dim3A_187, %select_n3A_166 : vector<512x256xi1>, vector<512x256xf32>
    %reduce_min3A_189 = arith.constant dense<0x7F800000> : vector<256xf32>
    %reduce_min3A_190 = vector.multi_reduction <minimumf>, %select_n3A_188, %reduce_min3A_189 [0] : vector<512x256xf32> to vector<256xf32>
    %broadcast_in_dim3A_191 = vector.shape_cast %reduce_min3A_190 : vector<256xf32> to vector<1x256xf32>
    %eq3A_192 = vector.broadcast %broadcast_in_dim3A_191 : vector<1x256xf32> to vector<512x256xf32>
    %eq3A_193 = arith.cmpf oeq, %select_n3A_188, %eq3A_192 : vector<512x256xf32>
    %jit3A_194 = arith.constant 512 : i32
    %broadcast_in_dim3A_195 = vector.broadcast %jit3A_194 : i32 to vector<512x256xi32>
    %select_n3A_196 = arith.select %eq3A_193, %iota3A_100, %broadcast_in_dim3A_195 : vector<512x256xi1>, vector<512x256xi32>
    %reduce_min3A_197 = arith.constant dense<2147483647> : vector<256xi32>
    %reduce_min3A_198 = vector.multi_reduction <minsi>, %select_n3A_196, %reduce_min3A_197 [0] : vector<512x256xi32> to vector<256xi32>
    %broadcast_in_dim3A_199 = vector.shape_cast %reduce_min3A_198 : vector<256xi32> to vector<1x256xi32>
    %eq3A_200 = vector.broadcast %broadcast_in_dim3A_199 : vector<1x256xi32> to vector<512x256xi32>
    %eq3A_201 = arith.cmpi eq, %select_n3A_196, %eq3A_200 : vector<512x256xi32>
    %jit3A_202 = arith.constant 0 : i32
    %broadcast_in_dim3A_203 = vector.broadcast %jit3A_202 : i32 to vector<512x256xi32>
    %select_n3A_204 = arith.select %eq3A_201, %reshape3A_99, %broadcast_in_dim3A_203 : vector<512x256xi1>, vector<512x256xi32>
    %reduce_sum3A_205 = arith.constant dense<0> : vector<256xi32>
    %reduce_sum3A_206 = vector.multi_reduction <add>, %select_n3A_204, %reduce_sum3A_205 [0] : vector<512x256xi32> to vector<256xi32>
    %broadcast_in_dim3A_207 = vector.shape_cast %reduce_sum3A_206 : vector<256xi32> to vector<1x256xi32>
    %jit3A_208 = arith.constant 0x7F800000 : f32
    %broadcast_in_dim3A_209 = vector.broadcast %jit3A_208 : f32 to vector<512x256xf32>
    %select_n3A_210 = arith.select %eq3A_201, %broadcast_in_dim3A_209, %select_n3A_188 : vector<512x256xi1>, vector<512x256xf32>
    %reduce_min3A_211 = arith.constant dense<0x7F800000> : vector<256xf32>
    %reduce_min3A_212 = vector.multi_reduction <minimumf>, %select_n3A_210, %reduce_min3A_211 [0] : vector<512x256xf32> to vector<256xf32>
    %broadcast_in_dim3A_213 = vector.shape_cast %reduce_min3A_212 : vector<256xf32> to vector<1x256xf32>
    %eq3A_214 = vector.broadcast %broadcast_in_dim3A_213 : vector<1x256xf32> to vector<512x256xf32>
    %eq3A_215 = arith.cmpf oeq, %select_n3A_210, %eq3A_214 : vector<512x256xf32>
    %jit3A_216 = arith.constant 512 : i32
    %broadcast_in_dim3A_217 = vector.broadcast %jit3A_216 : i32 to vector<512x256xi32>
    %select_n3A_218 = arith.select %eq3A_215, %iota3A_100, %broadcast_in_dim3A_217 : vector<512x256xi1>, vector<512x256xi32>
    %reduce_min3A_219 = arith.constant dense<2147483647> : vector<256xi32>
    %reduce_min3A_220 = vector.multi_reduction <minsi>, %select_n3A_218, %reduce_min3A_219 [0] : vector<512x256xi32> to vector<256xi32>
    %broadcast_in_dim3A_221 = vector.shape_cast %reduce_min3A_220 : vector<256xi32> to vector<1x256xi32>
    %eq3A_222 = vector.broadcast %broadcast_in_dim3A_221 : vector<1x256xi32> to vector<512x256xi32>
    %eq3A_223 = arith.cmpi eq, %select_n3A_218, %eq3A_222 : vector<512x256xi32>
    %jit3A_224 = arith.constant 0 : i32
    %broadcast_in_dim3A_225 = vector.broadcast %jit3A_224 : i32 to vector<512x256xi32>
    %select_n3A_226 = arith.select %eq3A_223, %reshape3A_99, %broadcast_in_dim3A_225 : vector<512x256xi1>, vector<512x256xi32>
    %reduce_sum3A_227 = arith.constant dense<0> : vector<256xi32>
    %reduce_sum3A_228 = vector.multi_reduction <add>, %select_n3A_226, %reduce_sum3A_227 [0] : vector<512x256xi32> to vector<256xi32>
    %broadcast_in_dim3A_229 = vector.shape_cast %reduce_sum3A_228 : vector<256xi32> to vector<1x256xi32>
    %jit3A_230 = arith.constant 0x7F800000 : f32
    %broadcast_in_dim3A_231 = vector.broadcast %jit3A_230 : f32 to vector<512x256xf32>
    %select_n3A_232 = arith.select %eq3A_223, %broadcast_in_dim3A_231, %select_n3A_210 : vector<512x256xi1>, vector<512x256xf32>
    %reduce_min3A_233 = arith.constant dense<0x7F800000> : vector<256xf32>
    %reduce_min3A_234 = vector.multi_reduction <minimumf>, %select_n3A_232, %reduce_min3A_233 [0] : vector<512x256xf32> to vector<256xf32>
    %broadcast_in_dim3A_235 = vector.shape_cast %reduce_min3A_234 : vector<256xf32> to vector<1x256xf32>
    %eq3A_236 = vector.broadcast %broadcast_in_dim3A_235 : vector<1x256xf32> to vector<512x256xf32>
    %eq3A_237 = arith.cmpf oeq, %select_n3A_232, %eq3A_236 : vector<512x256xf32>
    %jit3A_238 = arith.constant 512 : i32
    %broadcast_in_dim3A_239 = vector.broadcast %jit3A_238 : i32 to vector<512x256xi32>
    %select_n3A_240 = arith.select %eq3A_237, %iota3A_100, %broadcast_in_dim3A_239 : vector<512x256xi1>, vector<512x256xi32>
    %reduce_min3A_241 = arith.constant dense<2147483647> : vector<256xi32>
    %reduce_min3A_242 = vector.multi_reduction <minsi>, %select_n3A_240, %reduce_min3A_241 [0] : vector<512x256xi32> to vector<256xi32>
    %broadcast_in_dim3A_243 = vector.shape_cast %reduce_min3A_242 : vector<256xi32> to vector<1x256xi32>
    %eq3A_244 = vector.broadcast %broadcast_in_dim3A_243 : vector<1x256xi32> to vector<512x256xi32>
    %eq3A_245 = arith.cmpi eq, %select_n3A_240, %eq3A_244 : vector<512x256xi32>
    %jit3A_246 = arith.constant 0 : i32
    %broadcast_in_dim3A_247 = vector.broadcast %jit3A_246 : i32 to vector<512x256xi32>
    %select_n3A_248 = arith.select %eq3A_245, %reshape3A_99, %broadcast_in_dim3A_247 : vector<512x256xi1>, vector<512x256xi32>
    %reduce_sum3A_249 = arith.constant dense<0> : vector<256xi32>
    %reduce_sum3A_250 = vector.multi_reduction <add>, %select_n3A_248, %reduce_sum3A_249 [0] : vector<512x256xi32> to vector<256xi32>
    %broadcast_in_dim3A_251 = vector.shape_cast %reduce_sum3A_250 : vector<256xi32> to vector<1x256xi32>
    %jit3A_252 = arith.constant 0x7F800000 : f32
    %broadcast_in_dim3A_253 = vector.broadcast %jit3A_252 : f32 to vector<512x256xf32>
    %select_n3A_254 = arith.select %eq3A_245, %broadcast_in_dim3A_253, %select_n3A_232 : vector<512x256xi1>, vector<512x256xf32>
    %reduce_min3A_255 = arith.constant dense<0x7F800000> : vector<256xf32>
    %reduce_min3A_256 = vector.multi_reduction <minimumf>, %select_n3A_254, %reduce_min3A_255 [0] : vector<512x256xf32> to vector<256xf32>
    %broadcast_in_dim3A_257 = vector.shape_cast %reduce_min3A_256 : vector<256xf32> to vector<1x256xf32>
    %eq3A_258 = vector.broadcast %broadcast_in_dim3A_257 : vector<1x256xf32> to vector<512x256xf32>
    %eq3A_259 = arith.cmpf oeq, %select_n3A_254, %eq3A_258 : vector<512x256xf32>
    %jit3A_260 = arith.constant 512 : i32
    %broadcast_in_dim3A_261 = vector.broadcast %jit3A_260 : i32 to vector<512x256xi32>
    %select_n3A_262 = arith.select %eq3A_259, %iota3A_100, %broadcast_in_dim3A_261 : vector<512x256xi1>, vector<512x256xi32>
    %reduce_min3A_263 = arith.constant dense<2147483647> : vector<256xi32>
    %reduce_min3A_264 = vector.multi_reduction <minsi>, %select_n3A_262, %reduce_min3A_263 [0] : vector<512x256xi32> to vector<256xi32>
    %broadcast_in_dim3A_265 = vector.shape_cast %reduce_min3A_264 : vector<256xi32> to vector<1x256xi32>
    %eq3A_266 = vector.broadcast %broadcast_in_dim3A_265 : vector<1x256xi32> to vector<512x256xi32>
    %eq3A_267 = arith.cmpi eq, %select_n3A_262, %eq3A_266 : vector<512x256xi32>
    %jit3A_268 = arith.constant 0 : i32
    %broadcast_in_dim3A_269 = vector.broadcast %jit3A_268 : i32 to vector<512x256xi32>
    %select_n3A_270 = arith.select %eq3A_267, %reshape3A_99, %broadcast_in_dim3A_269 : vector<512x256xi1>, vector<512x256xi32>
    %reduce_sum3A_271 = arith.constant dense<0> : vector<256xi32>
    %reduce_sum3A_272 = vector.multi_reduction <add>, %select_n3A_270, %reduce_sum3A_271 [0] : vector<512x256xi32> to vector<256xi32>
    %broadcast_in_dim3A_273 = vector.shape_cast %reduce_sum3A_272 : vector<256xi32> to vector<1x256xi32>
    %jit3A_274 = arith.constant 0x7F800000 : f32
    %broadcast_in_dim3A_275 = vector.broadcast %jit3A_274 : f32 to vector<512x256xf32>
    %select_n3A_276 = arith.select %eq3A_267, %broadcast_in_dim3A_275, %select_n3A_254 : vector<512x256xi1>, vector<512x256xf32>
    %reduce_min3A_277 = arith.constant dense<0x7F800000> : vector<256xf32>
    %reduce_min3A_278 = vector.multi_reduction <minimumf>, %select_n3A_276, %reduce_min3A_277 [0] : vector<512x256xf32> to vector<256xf32>
    %broadcast_in_dim3A_279 = vector.shape_cast %reduce_min3A_278 : vector<256xf32> to vector<1x256xf32>
    %eq3A_280 = vector.broadcast %broadcast_in_dim3A_279 : vector<1x256xf32> to vector<512x256xf32>
    %eq3A_281 = arith.cmpf oeq, %select_n3A_276, %eq3A_280 : vector<512x256xf32>
    %jit3A_282 = arith.constant 512 : i32
    %broadcast_in_dim3A_283 = vector.broadcast %jit3A_282 : i32 to vector<512x256xi32>
    %select_n3A_284 = arith.select %eq3A_281, %iota3A_100, %broadcast_in_dim3A_283 : vector<512x256xi1>, vector<512x256xi32>
    %reduce_min3A_285 = arith.constant dense<2147483647> : vector<256xi32>
    %reduce_min3A_286 = vector.multi_reduction <minsi>, %select_n3A_284, %reduce_min3A_285 [0] : vector<512x256xi32> to vector<256xi32>
    %broadcast_in_dim3A_287 = vector.shape_cast %reduce_min3A_286 : vector<256xi32> to vector<1x256xi32>
    %eq3A_288 = vector.broadcast %broadcast_in_dim3A_287 : vector<1x256xi32> to vector<512x256xi32>
    %eq3A_289 = arith.cmpi eq, %select_n3A_284, %eq3A_288 : vector<512x256xi32>
    %jit3A_290 = arith.constant 0 : i32
    %broadcast_in_dim3A_291 = vector.broadcast %jit3A_290 : i32 to vector<512x256xi32>
    %select_n3A_292 = arith.select %eq3A_289, %reshape3A_99, %broadcast_in_dim3A_291 : vector<512x256xi1>, vector<512x256xi32>
    %reduce_sum3A_293 = arith.constant dense<0> : vector<256xi32>
    %reduce_sum3A_294 = vector.multi_reduction <add>, %select_n3A_292, %reduce_sum3A_293 [0] : vector<512x256xi32> to vector<256xi32>
    %broadcast_in_dim3A_295 = vector.shape_cast %reduce_sum3A_294 : vector<256xi32> to vector<1x256xi32>
    %jit3A_296 = arith.constant 0x7F800000 : f32
    %broadcast_in_dim3A_297 = vector.broadcast %jit3A_296 : f32 to vector<512x256xf32>
    %select_n3A_298 = arith.select %eq3A_289, %broadcast_in_dim3A_297, %select_n3A_276 : vector<512x256xi1>, vector<512x256xf32>
    %reduce_min3A_299 = arith.constant dense<0x7F800000> : vector<256xf32>
    %reduce_min3A_300 = vector.multi_reduction <minimumf>, %select_n3A_298, %reduce_min3A_299 [0] : vector<512x256xf32> to vector<256xf32>
    %broadcast_in_dim3A_301 = vector.shape_cast %reduce_min3A_300 : vector<256xf32> to vector<1x256xf32>
    %eq3A_302 = vector.broadcast %broadcast_in_dim3A_301 : vector<1x256xf32> to vector<512x256xf32>
    %eq3A_303 = arith.cmpf oeq, %select_n3A_298, %eq3A_302 : vector<512x256xf32>
    %jit3A_304 = arith.constant 512 : i32
    %broadcast_in_dim3A_305 = vector.broadcast %jit3A_304 : i32 to vector<512x256xi32>
    %select_n3A_306 = arith.select %eq3A_303, %iota3A_100, %broadcast_in_dim3A_305 : vector<512x256xi1>, vector<512x256xi32>
    %reduce_min3A_307 = arith.constant dense<2147483647> : vector<256xi32>
    %reduce_min3A_308 = vector.multi_reduction <minsi>, %select_n3A_306, %reduce_min3A_307 [0] : vector<512x256xi32> to vector<256xi32>
    %broadcast_in_dim3A_309 = vector.shape_cast %reduce_min3A_308 : vector<256xi32> to vector<1x256xi32>
    %eq3A_310 = vector.broadcast %broadcast_in_dim3A_309 : vector<1x256xi32> to vector<512x256xi32>
    %eq3A_311 = arith.cmpi eq, %select_n3A_306, %eq3A_310 : vector<512x256xi32>
    %jit3A_312 = arith.constant 0 : i32
    %broadcast_in_dim3A_313 = vector.broadcast %jit3A_312 : i32 to vector<512x256xi32>
    %select_n3A_314 = arith.select %eq3A_311, %reshape3A_99, %broadcast_in_dim3A_313 : vector<512x256xi1>, vector<512x256xi32>
    %reduce_sum3A_315 = arith.constant dense<0> : vector<256xi32>
    %reduce_sum3A_316 = vector.multi_reduction <add>, %select_n3A_314, %reduce_sum3A_315 [0] : vector<512x256xi32> to vector<256xi32>
    %broadcast_in_dim3A_317 = vector.shape_cast %reduce_sum3A_316 : vector<256xi32> to vector<1x256xi32>
    %jit3A_318 = arith.constant 0x7F800000 : f32
    %broadcast_in_dim3A_319 = vector.broadcast %jit3A_318 : f32 to vector<512x256xf32>
    %select_n3A_320 = arith.select %eq3A_311, %broadcast_in_dim3A_319, %select_n3A_298 : vector<512x256xi1>, vector<512x256xf32>
    %reduce_min3A_321 = arith.constant dense<0x7F800000> : vector<256xf32>
    %reduce_min3A_322 = vector.multi_reduction <minimumf>, %select_n3A_320, %reduce_min3A_321 [0] : vector<512x256xf32> to vector<256xf32>
    %broadcast_in_dim3A_323 = vector.shape_cast %reduce_min3A_322 : vector<256xf32> to vector<1x256xf32>
    %eq3A_324 = vector.broadcast %broadcast_in_dim3A_323 : vector<1x256xf32> to vector<512x256xf32>
    %eq3A_325 = arith.cmpf oeq, %select_n3A_320, %eq3A_324 : vector<512x256xf32>
    %jit3A_326 = arith.constant 512 : i32
    %broadcast_in_dim3A_327 = vector.broadcast %jit3A_326 : i32 to vector<512x256xi32>
    %select_n3A_328 = arith.select %eq3A_325, %iota3A_100, %broadcast_in_dim3A_327 : vector<512x256xi1>, vector<512x256xi32>
    %reduce_min3A_329 = arith.constant dense<2147483647> : vector<256xi32>
    %reduce_min3A_330 = vector.multi_reduction <minsi>, %select_n3A_328, %reduce_min3A_329 [0] : vector<512x256xi32> to vector<256xi32>
    %broadcast_in_dim3A_331 = vector.shape_cast %reduce_min3A_330 : vector<256xi32> to vector<1x256xi32>
    %eq3A_332 = vector.broadcast %broadcast_in_dim3A_331 : vector<1x256xi32> to vector<512x256xi32>
    %eq3A_333 = arith.cmpi eq, %select_n3A_328, %eq3A_332 : vector<512x256xi32>
    %jit3A_334 = arith.constant 0 : i32
    %broadcast_in_dim3A_335 = vector.broadcast %jit3A_334 : i32 to vector<512x256xi32>
    %select_n3A_336 = arith.select %eq3A_333, %reshape3A_99, %broadcast_in_dim3A_335 : vector<512x256xi1>, vector<512x256xi32>
    %reduce_sum3A_337 = arith.constant dense<0> : vector<256xi32>
    %reduce_sum3A_338 = vector.multi_reduction <add>, %select_n3A_336, %reduce_sum3A_337 [0] : vector<512x256xi32> to vector<256xi32>
    %broadcast_in_dim3A_339 = vector.shape_cast %reduce_sum3A_338 : vector<256xi32> to vector<1x256xi32>
    %jit3A_340 = arith.constant 0x7F800000 : f32
    %broadcast_in_dim3A_341 = vector.broadcast %jit3A_340 : f32 to vector<512x256xf32>
    %select_n3A_342 = arith.select %eq3A_333, %broadcast_in_dim3A_341, %select_n3A_320 : vector<512x256xi1>, vector<512x256xf32>
    %reduce_min3A_343 = arith.constant dense<0x7F800000> : vector<256xf32>
    %reduce_min3A_344 = vector.multi_reduction <minimumf>, %select_n3A_342, %reduce_min3A_343 [0] : vector<512x256xf32> to vector<256xf32>
    %broadcast_in_dim3A_345 = vector.shape_cast %reduce_min3A_344 : vector<256xf32> to vector<1x256xf32>
    %eq3A_346 = vector.broadcast %broadcast_in_dim3A_345 : vector<1x256xf32> to vector<512x256xf32>
    %eq3A_347 = arith.cmpf oeq, %select_n3A_342, %eq3A_346 : vector<512x256xf32>
    %jit3A_348 = arith.constant 512 : i32
    %broadcast_in_dim3A_349 = vector.broadcast %jit3A_348 : i32 to vector<512x256xi32>
    %select_n3A_350 = arith.select %eq3A_347, %iota3A_100, %broadcast_in_dim3A_349 : vector<512x256xi1>, vector<512x256xi32>
    %reduce_min3A_351 = arith.constant dense<2147483647> : vector<256xi32>
    %reduce_min3A_352 = vector.multi_reduction <minsi>, %select_n3A_350, %reduce_min3A_351 [0] : vector<512x256xi32> to vector<256xi32>
    %broadcast_in_dim3A_353 = vector.shape_cast %reduce_min3A_352 : vector<256xi32> to vector<1x256xi32>
    %eq3A_354 = vector.broadcast %broadcast_in_dim3A_353 : vector<1x256xi32> to vector<512x256xi32>
    %eq3A_355 = arith.cmpi eq, %select_n3A_350, %eq3A_354 : vector<512x256xi32>
    %jit3A_356 = arith.constant 0 : i32
    %broadcast_in_dim3A_357 = vector.broadcast %jit3A_356 : i32 to vector<512x256xi32>
    %select_n3A_358 = arith.select %eq3A_355, %reshape3A_99, %broadcast_in_dim3A_357 : vector<512x256xi1>, vector<512x256xi32>
    %reduce_sum3A_359 = arith.constant dense<0> : vector<256xi32>
    %reduce_sum3A_360 = vector.multi_reduction <add>, %select_n3A_358, %reduce_sum3A_359 [0] : vector<512x256xi32> to vector<256xi32>
    %broadcast_in_dim3A_361 = vector.shape_cast %reduce_sum3A_360 : vector<256xi32> to vector<1x256xi32>
    %jit3A_362 = arith.constant 0x7F800000 : f32
    %broadcast_in_dim3A_363 = vector.broadcast %jit3A_362 : f32 to vector<512x256xf32>
    %select_n3A_364 = arith.select %eq3A_355, %broadcast_in_dim3A_363, %select_n3A_342 : vector<512x256xi1>, vector<512x256xf32>
    %reduce_min3A_365 = arith.constant dense<0x7F800000> : vector<256xf32>
    %reduce_min3A_366 = vector.multi_reduction <minimumf>, %select_n3A_364, %reduce_min3A_365 [0] : vector<512x256xf32> to vector<256xf32>
    %broadcast_in_dim3A_367 = vector.shape_cast %reduce_min3A_366 : vector<256xf32> to vector<1x256xf32>
    %eq3A_368 = vector.broadcast %broadcast_in_dim3A_367 : vector<1x256xf32> to vector<512x256xf32>
    %eq3A_369 = arith.cmpf oeq, %select_n3A_364, %eq3A_368 : vector<512x256xf32>
    %jit3A_370 = arith.constant 512 : i32
    %broadcast_in_dim3A_371 = vector.broadcast %jit3A_370 : i32 to vector<512x256xi32>
    %select_n3A_372 = arith.select %eq3A_369, %iota3A_100, %broadcast_in_dim3A_371 : vector<512x256xi1>, vector<512x256xi32>
    %reduce_min3A_373 = arith.constant dense<2147483647> : vector<256xi32>
    %reduce_min3A_374 = vector.multi_reduction <minsi>, %select_n3A_372, %reduce_min3A_373 [0] : vector<512x256xi32> to vector<256xi32>
    %broadcast_in_dim3A_375 = vector.shape_cast %reduce_min3A_374 : vector<256xi32> to vector<1x256xi32>
    %eq3A_376 = vector.broadcast %broadcast_in_dim3A_375 : vector<1x256xi32> to vector<512x256xi32>
    %eq3A_377 = arith.cmpi eq, %select_n3A_372, %eq3A_376 : vector<512x256xi32>
    %jit3A_378 = arith.constant 0 : i32
    %broadcast_in_dim3A_379 = vector.broadcast %jit3A_378 : i32 to vector<512x256xi32>
    %select_n3A_380 = arith.select %eq3A_377, %reshape3A_99, %broadcast_in_dim3A_379 : vector<512x256xi1>, vector<512x256xi32>
    %reduce_sum3A_381 = arith.constant dense<0> : vector<256xi32>
    %reduce_sum3A_382 = vector.multi_reduction <add>, %select_n3A_380, %reduce_sum3A_381 [0] : vector<512x256xi32> to vector<256xi32>
    %broadcast_in_dim3A_383 = vector.shape_cast %reduce_sum3A_382 : vector<256xi32> to vector<1x256xi32>
    %jit3A_384 = arith.constant 0x7F800000 : f32
    %broadcast_in_dim3A_385 = vector.broadcast %jit3A_384 : f32 to vector<512x256xf32>
    %select_n3A_386 = arith.select %eq3A_377, %broadcast_in_dim3A_385, %select_n3A_364 : vector<512x256xi1>, vector<512x256xf32>
    %reduce_min3A_387 = arith.constant dense<0x7F800000> : vector<256xf32>
    %reduce_min3A_388 = vector.multi_reduction <minimumf>, %select_n3A_386, %reduce_min3A_387 [0] : vector<512x256xf32> to vector<256xf32>
    %broadcast_in_dim3A_389 = vector.shape_cast %reduce_min3A_388 : vector<256xf32> to vector<1x256xf32>
    %eq3A_390 = vector.broadcast %broadcast_in_dim3A_389 : vector<1x256xf32> to vector<512x256xf32>
    %eq3A_391 = arith.cmpf oeq, %select_n3A_386, %eq3A_390 : vector<512x256xf32>
    %jit3A_392 = arith.constant 512 : i32
    %broadcast_in_dim3A_393 = vector.broadcast %jit3A_392 : i32 to vector<512x256xi32>
    %select_n3A_394 = arith.select %eq3A_391, %iota3A_100, %broadcast_in_dim3A_393 : vector<512x256xi1>, vector<512x256xi32>
    %reduce_min3A_395 = arith.constant dense<2147483647> : vector<256xi32>
    %reduce_min3A_396 = vector.multi_reduction <minsi>, %select_n3A_394, %reduce_min3A_395 [0] : vector<512x256xi32> to vector<256xi32>
    %broadcast_in_dim3A_397 = vector.shape_cast %reduce_min3A_396 : vector<256xi32> to vector<1x256xi32>
    %eq3A_398 = vector.broadcast %broadcast_in_dim3A_397 : vector<1x256xi32> to vector<512x256xi32>
    %eq3A_399 = arith.cmpi eq, %select_n3A_394, %eq3A_398 : vector<512x256xi32>
    %jit3A_400 = arith.constant 0 : i32
    %broadcast_in_dim3A_401 = vector.broadcast %jit3A_400 : i32 to vector<512x256xi32>
    %select_n3A_402 = arith.select %eq3A_399, %reshape3A_99, %broadcast_in_dim3A_401 : vector<512x256xi1>, vector<512x256xi32>
    %reduce_sum3A_403 = arith.constant dense<0> : vector<256xi32>
    %reduce_sum3A_404 = vector.multi_reduction <add>, %select_n3A_402, %reduce_sum3A_403 [0] : vector<512x256xi32> to vector<256xi32>
    %broadcast_in_dim3A_405 = vector.shape_cast %reduce_sum3A_404 : vector<256xi32> to vector<1x256xi32>
    %jit3A_406 = arith.constant 0x7F800000 : f32
    %broadcast_in_dim3A_407 = vector.broadcast %jit3A_406 : f32 to vector<512x256xf32>
    %select_n3A_408 = arith.select %eq3A_399, %broadcast_in_dim3A_407, %select_n3A_386 : vector<512x256xi1>, vector<512x256xf32>
    %reduce_min3A_409 = arith.constant dense<0x7F800000> : vector<256xf32>
    %reduce_min3A_410 = vector.multi_reduction <minimumf>, %select_n3A_408, %reduce_min3A_409 [0] : vector<512x256xf32> to vector<256xf32>
    %broadcast_in_dim3A_411 = vector.shape_cast %reduce_min3A_410 : vector<256xf32> to vector<1x256xf32>
    %eq3A_412 = vector.broadcast %broadcast_in_dim3A_411 : vector<1x256xf32> to vector<512x256xf32>
    %eq3A_413 = arith.cmpf oeq, %select_n3A_408, %eq3A_412 : vector<512x256xf32>
    %jit3A_414 = arith.constant 512 : i32
    %broadcast_in_dim3A_415 = vector.broadcast %jit3A_414 : i32 to vector<512x256xi32>
    %select_n3A_416 = arith.select %eq3A_413, %iota3A_100, %broadcast_in_dim3A_415 : vector<512x256xi1>, vector<512x256xi32>
    %reduce_min3A_417 = arith.constant dense<2147483647> : vector<256xi32>
    %reduce_min3A_418 = vector.multi_reduction <minsi>, %select_n3A_416, %reduce_min3A_417 [0] : vector<512x256xi32> to vector<256xi32>
    %broadcast_in_dim3A_419 = vector.shape_cast %reduce_min3A_418 : vector<256xi32> to vector<1x256xi32>
    %eq3A_420 = vector.broadcast %broadcast_in_dim3A_419 : vector<1x256xi32> to vector<512x256xi32>
    %eq3A_421 = arith.cmpi eq, %select_n3A_416, %eq3A_420 : vector<512x256xi32>
    %jit3A_422 = arith.constant 0 : i32
    %broadcast_in_dim3A_423 = vector.broadcast %jit3A_422 : i32 to vector<512x256xi32>
    %select_n3A_424 = arith.select %eq3A_421, %reshape3A_99, %broadcast_in_dim3A_423 : vector<512x256xi1>, vector<512x256xi32>
    %reduce_sum3A_425 = arith.constant dense<0> : vector<256xi32>
    %reduce_sum3A_426 = vector.multi_reduction <add>, %select_n3A_424, %reduce_sum3A_425 [0] : vector<512x256xi32> to vector<256xi32>
    %broadcast_in_dim3A_427 = vector.shape_cast %reduce_sum3A_426 : vector<256xi32> to vector<1x256xi32>
    %jit3A_428 = arith.constant 0x7F800000 : f32
    %broadcast_in_dim3A_429 = vector.broadcast %jit3A_428 : f32 to vector<512x256xf32>
    %select_n3A_430 = arith.select %eq3A_421, %broadcast_in_dim3A_429, %select_n3A_408 : vector<512x256xi1>, vector<512x256xf32>
    %reduce_min3A_431 = arith.constant dense<0x7F800000> : vector<256xf32>
    %reduce_min3A_432 = vector.multi_reduction <minimumf>, %select_n3A_430, %reduce_min3A_431 [0] : vector<512x256xf32> to vector<256xf32>
    %broadcast_in_dim3A_433 = vector.shape_cast %reduce_min3A_432 : vector<256xf32> to vector<1x256xf32>
    %eq3A_434 = vector.broadcast %broadcast_in_dim3A_433 : vector<1x256xf32> to vector<512x256xf32>
    %eq3A_435 = arith.cmpf oeq, %select_n3A_430, %eq3A_434 : vector<512x256xf32>
    %jit3A_436 = arith.constant 512 : i32
    %broadcast_in_dim3A_437 = vector.broadcast %jit3A_436 : i32 to vector<512x256xi32>
    %select_n3A_438 = arith.select %eq3A_435, %iota3A_100, %broadcast_in_dim3A_437 : vector<512x256xi1>, vector<512x256xi32>
    %reduce_min3A_439 = arith.constant dense<2147483647> : vector<256xi32>
    %reduce_min3A_440 = vector.multi_reduction <minsi>, %select_n3A_438, %reduce_min3A_439 [0] : vector<512x256xi32> to vector<256xi32>
    %broadcast_in_dim3A_441 = vector.shape_cast %reduce_min3A_440 : vector<256xi32> to vector<1x256xi32>
    %eq3A_442 = vector.broadcast %broadcast_in_dim3A_441 : vector<1x256xi32> to vector<512x256xi32>
    %eq3A_443 = arith.cmpi eq, %select_n3A_438, %eq3A_442 : vector<512x256xi32>
    %jit3A_444 = arith.constant 0 : i32
    %broadcast_in_dim3A_445 = vector.broadcast %jit3A_444 : i32 to vector<512x256xi32>
    %select_n3A_446 = arith.select %eq3A_443, %reshape3A_99, %broadcast_in_dim3A_445 : vector<512x256xi1>, vector<512x256xi32>
    %reduce_sum3A_447 = arith.constant dense<0> : vector<256xi32>
    %reduce_sum3A_448 = vector.multi_reduction <add>, %select_n3A_446, %reduce_sum3A_447 [0] : vector<512x256xi32> to vector<256xi32>
    %broadcast_in_dim3A_449 = vector.shape_cast %reduce_sum3A_448 : vector<256xi32> to vector<1x256xi32>
    %concatenate3A_450 = tpu.concatenate %broadcast_in_dim3A_119, %broadcast_in_dim3A_141, %broadcast_in_dim3A_163, %broadcast_in_dim3A_185, %broadcast_in_dim3A_207, %broadcast_in_dim3A_229, %broadcast_in_dim3A_251, %broadcast_in_dim3A_273, %broadcast_in_dim3A_295, %broadcast_in_dim3A_317, %broadcast_in_dim3A_339, %broadcast_in_dim3A_361, %broadcast_in_dim3A_383, %broadcast_in_dim3A_405, %broadcast_in_dim3A_427, %broadcast_in_dim3A_449 in 0 : vector<1x256xi32>, vector<1x256xi32>, vector<1x256xi32>, vector<1x256xi32>, vector<1x256xi32>, vector<1x256xi32>, vector<1x256xi32>, vector<1x256xi32>, vector<1x256xi32>, vector<1x256xi32>, vector<1x256xi32>, vector<1x256xi32>, vector<1x256xi32>, vector<1x256xi32>, vector<1x256xi32>, vector<1x256xi32> -> vector<16x256xi32>
    %sub3A_451 = arith.constant 1.000000e+00 : f32
    %sub3A_452 = vector.broadcast %sub3A_451 : f32 to vector<4096x256xf32>
    %sub3A_453 = arith.subf %sub3A_452, %dot_general3A_9 : vector<4096x256xf32>
    %reshape3A_454 = vector.shape_cast %sub3A_453 : vector<4096x256xf32> to vector<128x32x256xf32>
    %iota3A_455 = tpu.iota {dimensions = array<i32: 1>} : vector<128x32x256xi32>
    %iota3A_456 = tpu.iota {dimensions = array<i32: 0>} : vector<128x1x256xi32>
    %mul3A_457 = arith.constant 32 : i32
    %mul3A_458 = vector.broadcast %mul3A_457 : i32 to vector<128x1x256xi32>
    %mul3A_459 = arith.muli %iota3A_456, %mul3A_458 : vector<128x1x256xi32>
    %reduce_min3A_460 = arith.constant dense<0x7F800000> : vector<128x256xf32>
    %reduce_min3A_461 = vector.multi_reduction <minimumf>, %reshape3A_454, %reduce_min3A_460 [1] : vector<128x32x256xf32> to vector<128x256xf32>
    %broadcast_in_dim3A_462 = vector.shape_cast %reduce_min3A_461 : vector<128x256xf32> to vector<128x1x256xf32>
    %eq3A_463 = vector.broadcast %broadcast_in_dim3A_462 : vector<128x1x256xf32> to vector<128x32x256xf32>
    %eq3A_464 = arith.cmpf oeq, %reshape3A_454, %eq3A_463 : vector<128x32x256xf32>
    %jit3A_465 = arith.constant 32 : i32
    %broadcast_in_dim3A_466 = vector.broadcast %jit3A_465 : i32 to vector<128x32x256xi32>
    %select_n3A_467 = arith.select %eq3A_464, %iota3A_455, %broadcast_in_dim3A_466 : vector<128x32x256xi1>, vector<128x32x256xi32>
    %reduce_min3A_468 = arith.constant dense<2147483647> : vector<128x256xi32>
    %reduce_min3A_469 = vector.multi_reduction <minsi>, %select_n3A_467, %reduce_min3A_468 [1] : vector<128x32x256xi32> to vector<128x256xi32>
    %broadcast_in_dim3A_470 = vector.shape_cast %reduce_min3A_469 : vector<128x256xi32> to vector<128x1x256xi32>
    %add3A_471 = arith.addi %mul3A_459, %broadcast_in_dim3A_470 : vector<128x1x256xi32>
    %eq3A_472 = vector.broadcast %broadcast_in_dim3A_470 : vector<128x1x256xi32> to vector<128x32x256xi32>
    %eq3A_473 = arith.cmpi eq, %select_n3A_467, %eq3A_472 : vector<128x32x256xi32>
    %jit3A_474 = arith.constant 0x7F800000 : f32
    %broadcast_in_dim3A_475 = vector.broadcast %jit3A_474 : f32 to vector<128x32x256xf32>
    %select_n3A_476 = arith.select %eq3A_473, %broadcast_in_dim3A_475, %reshape3A_454 : vector<128x32x256xi1>, vector<128x32x256xf32>
    %reduce_min3A_477 = arith.constant dense<0x7F800000> : vector<128x256xf32>
    %reduce_min3A_478 = vector.multi_reduction <minimumf>, %select_n3A_476, %reduce_min3A_477 [1] : vector<128x32x256xf32> to vector<128x256xf32>
    %broadcast_in_dim3A_479 = vector.shape_cast %reduce_min3A_478 : vector<128x256xf32> to vector<128x1x256xf32>
    %eq3A_480 = vector.broadcast %broadcast_in_dim3A_479 : vector<128x1x256xf32> to vector<128x32x256xf32>
    %eq3A_481 = arith.cmpf oeq, %select_n3A_476, %eq3A_480 : vector<128x32x256xf32>
    %jit3A_482 = arith.constant 32 : i32
    %broadcast_in_dim3A_483 = vector.broadcast %jit3A_482 : i32 to vector<128x32x256xi32>
    %select_n3A_484 = arith.select %eq3A_481, %iota3A_455, %broadcast_in_dim3A_483 : vector<128x32x256xi1>, vector<128x32x256xi32>
    %reduce_min3A_485 = arith.constant dense<2147483647> : vector<128x256xi32>
    %reduce_min3A_486 = vector.multi_reduction <minsi>, %select_n3A_484, %reduce_min3A_485 [1] : vector<128x32x256xi32> to vector<128x256xi32>
    %broadcast_in_dim3A_487 = vector.shape_cast %reduce_min3A_486 : vector<128x256xi32> to vector<128x1x256xi32>
    %add3A_488 = arith.addi %mul3A_459, %broadcast_in_dim3A_487 : vector<128x1x256xi32>
    %eq3A_489 = vector.broadcast %broadcast_in_dim3A_487 : vector<128x1x256xi32> to vector<128x32x256xi32>
    %eq3A_490 = arith.cmpi eq, %select_n3A_484, %eq3A_489 : vector<128x32x256xi32>
    %jit3A_491 = arith.constant 0x7F800000 : f32
    %broadcast_in_dim3A_492 = vector.broadcast %jit3A_491 : f32 to vector<128x32x256xf32>
    %select_n3A_493 = arith.select %eq3A_490, %broadcast_in_dim3A_492, %select_n3A_476 : vector<128x32x256xi1>, vector<128x32x256xf32>
    %reduce_min3A_494 = arith.constant dense<0x7F800000> : vector<128x256xf32>
    %reduce_min3A_495 = vector.multi_reduction <minimumf>, %select_n3A_493, %reduce_min3A_494 [1] : vector<128x32x256xf32> to vector<128x256xf32>
    %broadcast_in_dim3A_496 = vector.shape_cast %reduce_min3A_495 : vector<128x256xf32> to vector<128x1x256xf32>
    %eq3A_497 = vector.broadcast %broadcast_in_dim3A_496 : vector<128x1x256xf32> to vector<128x32x256xf32>
    %eq3A_498 = arith.cmpf oeq, %select_n3A_493, %eq3A_497 : vector<128x32x256xf32>
    %jit3A_499 = arith.constant 32 : i32
    %broadcast_in_dim3A_500 = vector.broadcast %jit3A_499 : i32 to vector<128x32x256xi32>
    %select_n3A_501 = arith.select %eq3A_498, %iota3A_455, %broadcast_in_dim3A_500 : vector<128x32x256xi1>, vector<128x32x256xi32>
    %reduce_min3A_502 = arith.constant dense<2147483647> : vector<128x256xi32>
    %reduce_min3A_503 = vector.multi_reduction <minsi>, %select_n3A_501, %reduce_min3A_502 [1] : vector<128x32x256xi32> to vector<128x256xi32>
    %broadcast_in_dim3A_504 = vector.shape_cast %reduce_min3A_503 : vector<128x256xi32> to vector<128x1x256xi32>
    %add3A_505 = arith.addi %mul3A_459, %broadcast_in_dim3A_504 : vector<128x1x256xi32>
    %eq3A_506 = vector.broadcast %broadcast_in_dim3A_504 : vector<128x1x256xi32> to vector<128x32x256xi32>
    %eq3A_507 = arith.cmpi eq, %select_n3A_501, %eq3A_506 : vector<128x32x256xi32>
    %jit3A_508 = arith.constant 0x7F800000 : f32
    %broadcast_in_dim3A_509 = vector.broadcast %jit3A_508 : f32 to vector<128x32x256xf32>
    %select_n3A_510 = arith.select %eq3A_507, %broadcast_in_dim3A_509, %select_n3A_493 : vector<128x32x256xi1>, vector<128x32x256xf32>
    %reduce_min3A_511 = arith.constant dense<0x7F800000> : vector<128x256xf32>
    %reduce_min3A_512 = vector.multi_reduction <minimumf>, %select_n3A_510, %reduce_min3A_511 [1] : vector<128x32x256xf32> to vector<128x256xf32>
    %broadcast_in_dim3A_513 = vector.shape_cast %reduce_min3A_512 : vector<128x256xf32> to vector<128x1x256xf32>
    %eq3A_514 = vector.broadcast %broadcast_in_dim3A_513 : vector<128x1x256xf32> to vector<128x32x256xf32>
    %eq3A_515 = arith.cmpf oeq, %select_n3A_510, %eq3A_514 : vector<128x32x256xf32>
    %jit3A_516 = arith.constant 32 : i32
    %broadcast_in_dim3A_517 = vector.broadcast %jit3A_516 : i32 to vector<128x32x256xi32>
    %select_n3A_518 = arith.select %eq3A_515, %iota3A_455, %broadcast_in_dim3A_517 : vector<128x32x256xi1>, vector<128x32x256xi32>
    %reduce_min3A_519 = arith.constant dense<2147483647> : vector<128x256xi32>
    %reduce_min3A_520 = vector.multi_reduction <minsi>, %select_n3A_518, %reduce_min3A_519 [1] : vector<128x32x256xi32> to vector<128x256xi32>
    %broadcast_in_dim3A_521 = vector.shape_cast %reduce_min3A_520 : vector<128x256xi32> to vector<128x1x256xi32>
    %add3A_522 = arith.addi %mul3A_459, %broadcast_in_dim3A_521 : vector<128x1x256xi32>
    %concatenate3A_523 = tpu.concatenate %broadcast_in_dim3A_462, %broadcast_in_dim3A_479, %broadcast_in_dim3A_496, %broadcast_in_dim3A_513 in 1 : vector<128x1x256xf32>, vector<128x1x256xf32>, vector<128x1x256xf32>, vector<128x1x256xf32> -> vector<128x4x256xf32>
    %reshape3A_524 = vector.shape_cast %concatenate3A_523 : vector<128x4x256xf32> to vector<512x256xf32>
    %concatenate3A_525 = tpu.concatenate %add3A_471, %add3A_488, %add3A_505, %add3A_522 in 1 : vector<128x1x256xi32>, vector<128x1x256xi32>, vector<128x1x256xi32>, vector<128x1x256xi32> -> vector<128x4x256xi32>
    %reshape3A_526 = vector.shape_cast %concatenate3A_525 : vector<128x4x256xi32> to vector<512x256xi32>
    %iota3A_527 = tpu.iota {dimensions = array<i32: 0>} : vector<512x256xi32>
    %reduce_min3A_528 = arith.constant dense<0x7F800000> : vector<256xf32>
    %reduce_min3A_529 = vector.multi_reduction <minimumf>, %reshape3A_524, %reduce_min3A_528 [0] : vector<512x256xf32> to vector<256xf32>
    %broadcast_in_dim3A_530 = vector.shape_cast %reduce_min3A_529 : vector<256xf32> to vector<1x256xf32>
    %eq3A_531 = vector.broadcast %broadcast_in_dim3A_530 : vector<1x256xf32> to vector<512x256xf32>
    %eq3A_532 = arith.cmpf oeq, %reshape3A_524, %eq3A_531 : vector<512x256xf32>
    %jit3A_533 = arith.constant 512 : i32
    %broadcast_in_dim3A_534 = vector.broadcast %jit3A_533 : i32 to vector<512x256xi32>
    %select_n3A_535 = arith.select %eq3A_532, %iota3A_527, %broadcast_in_dim3A_534 : vector<512x256xi1>, vector<512x256xi32>
    %reduce_min3A_536 = arith.constant dense<2147483647> : vector<256xi32>
    %reduce_min3A_537 = vector.multi_reduction <minsi>, %select_n3A_535, %reduce_min3A_536 [0] : vector<512x256xi32> to vector<256xi32>
    %broadcast_in_dim3A_538 = vector.shape_cast %reduce_min3A_537 : vector<256xi32> to vector<1x256xi32>
    %eq3A_539 = vector.broadcast %broadcast_in_dim3A_538 : vector<1x256xi32> to vector<512x256xi32>
    %eq3A_540 = arith.cmpi eq, %select_n3A_535, %eq3A_539 : vector<512x256xi32>
    %jit3A_541 = arith.constant 0 : i32
    %broadcast_in_dim3A_542 = vector.broadcast %jit3A_541 : i32 to vector<512x256xi32>
    %select_n3A_543 = arith.select %eq3A_540, %reshape3A_526, %broadcast_in_dim3A_542 : vector<512x256xi1>, vector<512x256xi32>
    %reduce_sum3A_544 = arith.constant dense<0> : vector<256xi32>
    %reduce_sum3A_545 = vector.multi_reduction <add>, %select_n3A_543, %reduce_sum3A_544 [0] : vector<512x256xi32> to vector<256xi32>
    %broadcast_in_dim3A_546 = vector.shape_cast %reduce_sum3A_545 : vector<256xi32> to vector<1x256xi32>
    %jit3A_547 = arith.constant 0x7F800000 : f32
    %broadcast_in_dim3A_548 = vector.broadcast %jit3A_547 : f32 to vector<512x256xf32>
    %select_n3A_549 = arith.select %eq3A_540, %broadcast_in_dim3A_548, %reshape3A_524 : vector<512x256xi1>, vector<512x256xf32>
    %reduce_min3A_550 = arith.constant dense<0x7F800000> : vector<256xf32>
    %reduce_min3A_551 = vector.multi_reduction <minimumf>, %select_n3A_549, %reduce_min3A_550 [0] : vector<512x256xf32> to vector<256xf32>
    %broadcast_in_dim3A_552 = vector.shape_cast %reduce_min3A_551 : vector<256xf32> to vector<1x256xf32>
    %eq3A_553 = vector.broadcast %broadcast_in_dim3A_552 : vector<1x256xf32> to vector<512x256xf32>
    %eq3A_554 = arith.cmpf oeq, %select_n3A_549, %eq3A_553 : vector<512x256xf32>
    %jit3A_555 = arith.constant 512 : i32
    %broadcast_in_dim3A_556 = vector.broadcast %jit3A_555 : i32 to vector<512x256xi32>
    %select_n3A_557 = arith.select %eq3A_554, %iota3A_527, %broadcast_in_dim3A_556 : vector<512x256xi1>, vector<512x256xi32>
    %reduce_min3A_558 = arith.constant dense<2147483647> : vector<256xi32>
    %reduce_min3A_559 = vector.multi_reduction <minsi>, %select_n3A_557, %reduce_min3A_558 [0] : vector<512x256xi32> to vector<256xi32>
    %broadcast_in_dim3A_560 = vector.shape_cast %reduce_min3A_559 : vector<256xi32> to vector<1x256xi32>
    %eq3A_561 = vector.broadcast %broadcast_in_dim3A_560 : vector<1x256xi32> to vector<512x256xi32>
    %eq3A_562 = arith.cmpi eq, %select_n3A_557, %eq3A_561 : vector<512x256xi32>
    %jit3A_563 = arith.constant 0 : i32
    %broadcast_in_dim3A_564 = vector.broadcast %jit3A_563 : i32 to vector<512x256xi32>
    %select_n3A_565 = arith.select %eq3A_562, %reshape3A_526, %broadcast_in_dim3A_564 : vector<512x256xi1>, vector<512x256xi32>
    %reduce_sum3A_566 = arith.constant dense<0> : vector<256xi32>
    %reduce_sum3A_567 = vector.multi_reduction <add>, %select_n3A_565, %reduce_sum3A_566 [0] : vector<512x256xi32> to vector<256xi32>
    %broadcast_in_dim3A_568 = vector.shape_cast %reduce_sum3A_567 : vector<256xi32> to vector<1x256xi32>
    %jit3A_569 = arith.constant 0x7F800000 : f32
    %broadcast_in_dim3A_570 = vector.broadcast %jit3A_569 : f32 to vector<512x256xf32>
    %select_n3A_571 = arith.select %eq3A_562, %broadcast_in_dim3A_570, %select_n3A_549 : vector<512x256xi1>, vector<512x256xf32>
    %reduce_min3A_572 = arith.constant dense<0x7F800000> : vector<256xf32>
    %reduce_min3A_573 = vector.multi_reduction <minimumf>, %select_n3A_571, %reduce_min3A_572 [0] : vector<512x256xf32> to vector<256xf32>
    %broadcast_in_dim3A_574 = vector.shape_cast %reduce_min3A_573 : vector<256xf32> to vector<1x256xf32>
    %eq3A_575 = vector.broadcast %broadcast_in_dim3A_574 : vector<1x256xf32> to vector<512x256xf32>
    %eq3A_576 = arith.cmpf oeq, %select_n3A_571, %eq3A_575 : vector<512x256xf32>
    %jit3A_577 = arith.constant 512 : i32
    %broadcast_in_dim3A_578 = vector.broadcast %jit3A_577 : i32 to vector<512x256xi32>
    %select_n3A_579 = arith.select %eq3A_576, %iota3A_527, %broadcast_in_dim3A_578 : vector<512x256xi1>, vector<512x256xi32>
    %reduce_min3A_580 = arith.constant dense<2147483647> : vector<256xi32>
    %reduce_min3A_581 = vector.multi_reduction <minsi>, %select_n3A_579, %reduce_min3A_580 [0] : vector<512x256xi32> to vector<256xi32>
    %broadcast_in_dim3A_582 = vector.shape_cast %reduce_min3A_581 : vector<256xi32> to vector<1x256xi32>
    %eq3A_583 = vector.broadcast %broadcast_in_dim3A_582 : vector<1x256xi32> to vector<512x256xi32>
    %eq3A_584 = arith.cmpi eq, %select_n3A_579, %eq3A_583 : vector<512x256xi32>
    %jit3A_585 = arith.constant 0 : i32
    %broadcast_in_dim3A_586 = vector.broadcast %jit3A_585 : i32 to vector<512x256xi32>
    %select_n3A_587 = arith.select %eq3A_584, %reshape3A_526, %broadcast_in_dim3A_586 : vector<512x256xi1>, vector<512x256xi32>
    %reduce_sum3A_588 = arith.constant dense<0> : vector<256xi32>
    %reduce_sum3A_589 = vector.multi_reduction <add>, %select_n3A_587, %reduce_sum3A_588 [0] : vector<512x256xi32> to vector<256xi32>
    %broadcast_in_dim3A_590 = vector.shape_cast %reduce_sum3A_589 : vector<256xi32> to vector<1x256xi32>
    %jit3A_591 = arith.constant 0x7F800000 : f32
    %broadcast_in_dim3A_592 = vector.broadcast %jit3A_591 : f32 to vector<512x256xf32>
    %select_n3A_593 = arith.select %eq3A_584, %broadcast_in_dim3A_592, %select_n3A_571 : vector<512x256xi1>, vector<512x256xf32>
    %reduce_min3A_594 = arith.constant dense<0x7F800000> : vector<256xf32>
    %reduce_min3A_595 = vector.multi_reduction <minimumf>, %select_n3A_593, %reduce_min3A_594 [0] : vector<512x256xf32> to vector<256xf32>
    %broadcast_in_dim3A_596 = vector.shape_cast %reduce_min3A_595 : vector<256xf32> to vector<1x256xf32>
    %eq3A_597 = vector.broadcast %broadcast_in_dim3A_596 : vector<1x256xf32> to vector<512x256xf32>
    %eq3A_598 = arith.cmpf oeq, %select_n3A_593, %eq3A_597 : vector<512x256xf32>
    %jit3A_599 = arith.constant 512 : i32
    %broadcast_in_dim3A_600 = vector.broadcast %jit3A_599 : i32 to vector<512x256xi32>
    %select_n3A_601 = arith.select %eq3A_598, %iota3A_527, %broadcast_in_dim3A_600 : vector<512x256xi1>, vector<512x256xi32>
    %reduce_min3A_602 = arith.constant dense<2147483647> : vector<256xi32>
    %reduce_min3A_603 = vector.multi_reduction <minsi>, %select_n3A_601, %reduce_min3A_602 [0] : vector<512x256xi32> to vector<256xi32>
    %broadcast_in_dim3A_604 = vector.shape_cast %reduce_min3A_603 : vector<256xi32> to vector<1x256xi32>
    %eq3A_605 = vector.broadcast %broadcast_in_dim3A_604 : vector<1x256xi32> to vector<512x256xi32>
    %eq3A_606 = arith.cmpi eq, %select_n3A_601, %eq3A_605 : vector<512x256xi32>
    %jit3A_607 = arith.constant 0 : i32
    %broadcast_in_dim3A_608 = vector.broadcast %jit3A_607 : i32 to vector<512x256xi32>
    %select_n3A_609 = arith.select %eq3A_606, %reshape3A_526, %broadcast_in_dim3A_608 : vector<512x256xi1>, vector<512x256xi32>
    %reduce_sum3A_610 = arith.constant dense<0> : vector<256xi32>
    %reduce_sum3A_611 = vector.multi_reduction <add>, %select_n3A_609, %reduce_sum3A_610 [0] : vector<512x256xi32> to vector<256xi32>
    %broadcast_in_dim3A_612 = vector.shape_cast %reduce_sum3A_611 : vector<256xi32> to vector<1x256xi32>
    %jit3A_613 = arith.constant 0x7F800000 : f32
    %broadcast_in_dim3A_614 = vector.broadcast %jit3A_613 : f32 to vector<512x256xf32>
    %select_n3A_615 = arith.select %eq3A_606, %broadcast_in_dim3A_614, %select_n3A_593 : vector<512x256xi1>, vector<512x256xf32>
    %reduce_min3A_616 = arith.constant dense<0x7F800000> : vector<256xf32>
    %reduce_min3A_617 = vector.multi_reduction <minimumf>, %select_n3A_615, %reduce_min3A_616 [0] : vector<512x256xf32> to vector<256xf32>
    %broadcast_in_dim3A_618 = vector.shape_cast %reduce_min3A_617 : vector<256xf32> to vector<1x256xf32>
    %eq3A_619 = vector.broadcast %broadcast_in_dim3A_618 : vector<1x256xf32> to vector<512x256xf32>
    %eq3A_620 = arith.cmpf oeq, %select_n3A_615, %eq3A_619 : vector<512x256xf32>
    %jit3A_621 = arith.constant 512 : i32
    %broadcast_in_dim3A_622 = vector.broadcast %jit3A_621 : i32 to vector<512x256xi32>
    %select_n3A_623 = arith.select %eq3A_620, %iota3A_527, %broadcast_in_dim3A_622 : vector<512x256xi1>, vector<512x256xi32>
    %reduce_min3A_624 = arith.constant dense<2147483647> : vector<256xi32>
    %reduce_min3A_625 = vector.multi_reduction <minsi>, %select_n3A_623, %reduce_min3A_624 [0] : vector<512x256xi32> to vector<256xi32>
    %broadcast_in_dim3A_626 = vector.shape_cast %reduce_min3A_625 : vector<256xi32> to vector<1x256xi32>
    %eq3A_627 = vector.broadcast %broadcast_in_dim3A_626 : vector<1x256xi32> to vector<512x256xi32>
    %eq3A_628 = arith.cmpi eq, %select_n3A_623, %eq3A_627 : vector<512x256xi32>
    %jit3A_629 = arith.constant 0 : i32
    %broadcast_in_dim3A_630 = vector.broadcast %jit3A_629 : i32 to vector<512x256xi32>
    %select_n3A_631 = arith.select %eq3A_628, %reshape3A_526, %broadcast_in_dim3A_630 : vector<512x256xi1>, vector<512x256xi32>
    %reduce_sum3A_632 = arith.constant dense<0> : vector<256xi32>
    %reduce_sum3A_633 = vector.multi_reduction <add>, %select_n3A_631, %reduce_sum3A_632 [0] : vector<512x256xi32> to vector<256xi32>
    %broadcast_in_dim3A_634 = vector.shape_cast %reduce_sum3A_633 : vector<256xi32> to vector<1x256xi32>
    %jit3A_635 = arith.constant 0x7F800000 : f32
    %broadcast_in_dim3A_636 = vector.broadcast %jit3A_635 : f32 to vector<512x256xf32>
    %select_n3A_637 = arith.select %eq3A_628, %broadcast_in_dim3A_636, %select_n3A_615 : vector<512x256xi1>, vector<512x256xf32>
    %reduce_min3A_638 = arith.constant dense<0x7F800000> : vector<256xf32>
    %reduce_min3A_639 = vector.multi_reduction <minimumf>, %select_n3A_637, %reduce_min3A_638 [0] : vector<512x256xf32> to vector<256xf32>
    %broadcast_in_dim3A_640 = vector.shape_cast %reduce_min3A_639 : vector<256xf32> to vector<1x256xf32>
    %eq3A_641 = vector.broadcast %broadcast_in_dim3A_640 : vector<1x256xf32> to vector<512x256xf32>
    %eq3A_642 = arith.cmpf oeq, %select_n3A_637, %eq3A_641 : vector<512x256xf32>
    %jit3A_643 = arith.constant 512 : i32
    %broadcast_in_dim3A_644 = vector.broadcast %jit3A_643 : i32 to vector<512x256xi32>
    %select_n3A_645 = arith.select %eq3A_642, %iota3A_527, %broadcast_in_dim3A_644 : vector<512x256xi1>, vector<512x256xi32>
    %reduce_min3A_646 = arith.constant dense<2147483647> : vector<256xi32>
    %reduce_min3A_647 = vector.multi_reduction <minsi>, %select_n3A_645, %reduce_min3A_646 [0] : vector<512x256xi32> to vector<256xi32>
    %broadcast_in_dim3A_648 = vector.shape_cast %reduce_min3A_647 : vector<256xi32> to vector<1x256xi32>
    %eq3A_649 = vector.broadcast %broadcast_in_dim3A_648 : vector<1x256xi32> to vector<512x256xi32>
    %eq3A_650 = arith.cmpi eq, %select_n3A_645, %eq3A_649 : vector<512x256xi32>
    %jit3A_651 = arith.constant 0 : i32
    %broadcast_in_dim3A_652 = vector.broadcast %jit3A_651 : i32 to vector<512x256xi32>
    %select_n3A_653 = arith.select %eq3A_650, %reshape3A_526, %broadcast_in_dim3A_652 : vector<512x256xi1>, vector<512x256xi32>
    %reduce_sum3A_654 = arith.constant dense<0> : vector<256xi32>
    %reduce_sum3A_655 = vector.multi_reduction <add>, %select_n3A_653, %reduce_sum3A_654 [0] : vector<512x256xi32> to vector<256xi32>
    %broadcast_in_dim3A_656 = vector.shape_cast %reduce_sum3A_655 : vector<256xi32> to vector<1x256xi32>
    %jit3A_657 = arith.constant 0x7F800000 : f32
    %broadcast_in_dim3A_658 = vector.broadcast %jit3A_657 : f32 to vector<512x256xf32>
    %select_n3A_659 = arith.select %eq3A_650, %broadcast_in_dim3A_658, %select_n3A_637 : vector<512x256xi1>, vector<512x256xf32>
    %reduce_min3A_660 = arith.constant dense<0x7F800000> : vector<256xf32>
    %reduce_min3A_661 = vector.multi_reduction <minimumf>, %select_n3A_659, %reduce_min3A_660 [0] : vector<512x256xf32> to vector<256xf32>
    %broadcast_in_dim3A_662 = vector.shape_cast %reduce_min3A_661 : vector<256xf32> to vector<1x256xf32>
    %eq3A_663 = vector.broadcast %broadcast_in_dim3A_662 : vector<1x256xf32> to vector<512x256xf32>
    %eq3A_664 = arith.cmpf oeq, %select_n3A_659, %eq3A_663 : vector<512x256xf32>
    %jit3A_665 = arith.constant 512 : i32
    %broadcast_in_dim3A_666 = vector.broadcast %jit3A_665 : i32 to vector<512x256xi32>
    %select_n3A_667 = arith.select %eq3A_664, %iota3A_527, %broadcast_in_dim3A_666 : vector<512x256xi1>, vector<512x256xi32>
    %reduce_min3A_668 = arith.constant dense<2147483647> : vector<256xi32>
    %reduce_min3A_669 = vector.multi_reduction <minsi>, %select_n3A_667, %reduce_min3A_668 [0] : vector<512x256xi32> to vector<256xi32>
    %broadcast_in_dim3A_670 = vector.shape_cast %reduce_min3A_669 : vector<256xi32> to vector<1x256xi32>
    %eq3A_671 = vector.broadcast %broadcast_in_dim3A_670 : vector<1x256xi32> to vector<512x256xi32>
    %eq3A_672 = arith.cmpi eq, %select_n3A_667, %eq3A_671 : vector<512x256xi32>
    %jit3A_673 = arith.constant 0 : i32
    %broadcast_in_dim3A_674 = vector.broadcast %jit3A_673 : i32 to vector<512x256xi32>
    %select_n3A_675 = arith.select %eq3A_672, %reshape3A_526, %broadcast_in_dim3A_674 : vector<512x256xi1>, vector<512x256xi32>
    %reduce_sum3A_676 = arith.constant dense<0> : vector<256xi32>
    %reduce_sum3A_677 = vector.multi_reduction <add>, %select_n3A_675, %reduce_sum3A_676 [0] : vector<512x256xi32> to vector<256xi32>
    %broadcast_in_dim3A_678 = vector.shape_cast %reduce_sum3A_677 : vector<256xi32> to vector<1x256xi32>
    %jit3A_679 = arith.constant 0x7F800000 : f32
    %broadcast_in_dim3A_680 = vector.broadcast %jit3A_679 : f32 to vector<512x256xf32>
    %select_n3A_681 = arith.select %eq3A_672, %broadcast_in_dim3A_680, %select_n3A_659 : vector<512x256xi1>, vector<512x256xf32>
    %reduce_min3A_682 = arith.constant dense<0x7F800000> : vector<256xf32>
    %reduce_min3A_683 = vector.multi_reduction <minimumf>, %select_n3A_681, %reduce_min3A_682 [0] : vector<512x256xf32> to vector<256xf32>
    %broadcast_in_dim3A_684 = vector.shape_cast %reduce_min3A_683 : vector<256xf32> to vector<1x256xf32>
    %eq3A_685 = vector.broadcast %broadcast_in_dim3A_684 : vector<1x256xf32> to vector<512x256xf32>
    %eq3A_686 = arith.cmpf oeq, %select_n3A_681, %eq3A_685 : vector<512x256xf32>
    %jit3A_687 = arith.constant 512 : i32
    %broadcast_in_dim3A_688 = vector.broadcast %jit3A_687 : i32 to vector<512x256xi32>
    %select_n3A_689 = arith.select %eq3A_686, %iota3A_527, %broadcast_in_dim3A_688 : vector<512x256xi1>, vector<512x256xi32>
    %reduce_min3A_690 = arith.constant dense<2147483647> : vector<256xi32>
    %reduce_min3A_691 = vector.multi_reduction <minsi>, %select_n3A_689, %reduce_min3A_690 [0] : vector<512x256xi32> to vector<256xi32>
    %broadcast_in_dim3A_692 = vector.shape_cast %reduce_min3A_691 : vector<256xi32> to vector<1x256xi32>
    %eq3A_693 = vector.broadcast %broadcast_in_dim3A_692 : vector<1x256xi32> to vector<512x256xi32>
    %eq3A_694 = arith.cmpi eq, %select_n3A_689, %eq3A_693 : vector<512x256xi32>
    %jit3A_695 = arith.constant 0 : i32
    %broadcast_in_dim3A_696 = vector.broadcast %jit3A_695 : i32 to vector<512x256xi32>
    %select_n3A_697 = arith.select %eq3A_694, %reshape3A_526, %broadcast_in_dim3A_696 : vector<512x256xi1>, vector<512x256xi32>
    %reduce_sum3A_698 = arith.constant dense<0> : vector<256xi32>
    %reduce_sum3A_699 = vector.multi_reduction <add>, %select_n3A_697, %reduce_sum3A_698 [0] : vector<512x256xi32> to vector<256xi32>
    %broadcast_in_dim3A_700 = vector.shape_cast %reduce_sum3A_699 : vector<256xi32> to vector<1x256xi32>
    %jit3A_701 = arith.constant 0x7F800000 : f32
    %broadcast_in_dim3A_702 = vector.broadcast %jit3A_701 : f32 to vector<512x256xf32>
    %select_n3A_703 = arith.select %eq3A_694, %broadcast_in_dim3A_702, %select_n3A_681 : vector<512x256xi1>, vector<512x256xf32>
    %reduce_min3A_704 = arith.constant dense<0x7F800000> : vector<256xf32>
    %reduce_min3A_705 = vector.multi_reduction <minimumf>, %select_n3A_703, %reduce_min3A_704 [0] : vector<512x256xf32> to vector<256xf32>
    %broadcast_in_dim3A_706 = vector.shape_cast %reduce_min3A_705 : vector<256xf32> to vector<1x256xf32>
    %eq3A_707 = vector.broadcast %broadcast_in_dim3A_706 : vector<1x256xf32> to vector<512x256xf32>
    %eq3A_708 = arith.cmpf oeq, %select_n3A_703, %eq3A_707 : vector<512x256xf32>
    %jit3A_709 = arith.constant 512 : i32
    %broadcast_in_dim3A_710 = vector.broadcast %jit3A_709 : i32 to vector<512x256xi32>
    %select_n3A_711 = arith.select %eq3A_708, %iota3A_527, %broadcast_in_dim3A_710 : vector<512x256xi1>, vector<512x256xi32>
    %reduce_min3A_712 = arith.constant dense<2147483647> : vector<256xi32>
    %reduce_min3A_713 = vector.multi_reduction <minsi>, %select_n3A_711, %reduce_min3A_712 [0] : vector<512x256xi32> to vector<256xi32>
    %broadcast_in_dim3A_714 = vector.shape_cast %reduce_min3A_713 : vector<256xi32> to vector<1x256xi32>
    %eq3A_715 = vector.broadcast %broadcast_in_dim3A_714 : vector<1x256xi32> to vector<512x256xi32>
    %eq3A_716 = arith.cmpi eq, %select_n3A_711, %eq3A_715 : vector<512x256xi32>
    %jit3A_717 = arith.constant 0 : i32
    %broadcast_in_dim3A_718 = vector.broadcast %jit3A_717 : i32 to vector<512x256xi32>
    %select_n3A_719 = arith.select %eq3A_716, %reshape3A_526, %broadcast_in_dim3A_718 : vector<512x256xi1>, vector<512x256xi32>
    %reduce_sum3A_720 = arith.constant dense<0> : vector<256xi32>
    %reduce_sum3A_721 = vector.multi_reduction <add>, %select_n3A_719, %reduce_sum3A_720 [0] : vector<512x256xi32> to vector<256xi32>
    %broadcast_in_dim3A_722 = vector.shape_cast %reduce_sum3A_721 : vector<256xi32> to vector<1x256xi32>
    %jit3A_723 = arith.constant 0x7F800000 : f32
    %broadcast_in_dim3A_724 = vector.broadcast %jit3A_723 : f32 to vector<512x256xf32>
    %select_n3A_725 = arith.select %eq3A_716, %broadcast_in_dim3A_724, %select_n3A_703 : vector<512x256xi1>, vector<512x256xf32>
    %reduce_min3A_726 = arith.constant dense<0x7F800000> : vector<256xf32>
    %reduce_min3A_727 = vector.multi_reduction <minimumf>, %select_n3A_725, %reduce_min3A_726 [0] : vector<512x256xf32> to vector<256xf32>
    %broadcast_in_dim3A_728 = vector.shape_cast %reduce_min3A_727 : vector<256xf32> to vector<1x256xf32>
    %eq3A_729 = vector.broadcast %broadcast_in_dim3A_728 : vector<1x256xf32> to vector<512x256xf32>
    %eq3A_730 = arith.cmpf oeq, %select_n3A_725, %eq3A_729 : vector<512x256xf32>
    %jit3A_731 = arith.constant 512 : i32
    %broadcast_in_dim3A_732 = vector.broadcast %jit3A_731 : i32 to vector<512x256xi32>
    %select_n3A_733 = arith.select %eq3A_730, %iota3A_527, %broadcast_in_dim3A_732 : vector<512x256xi1>, vector<512x256xi32>
    %reduce_min3A_734 = arith.constant dense<2147483647> : vector<256xi32>
    %reduce_min3A_735 = vector.multi_reduction <minsi>, %select_n3A_733, %reduce_min3A_734 [0] : vector<512x256xi32> to vector<256xi32>
    %broadcast_in_dim3A_736 = vector.shape_cast %reduce_min3A_735 : vector<256xi32> to vector<1x256xi32>
    %eq3A_737 = vector.broadcast %broadcast_in_dim3A_736 : vector<1x256xi32> to vector<512x256xi32>
    %eq3A_738 = arith.cmpi eq, %select_n3A_733, %eq3A_737 : vector<512x256xi32>
    %jit3A_739 = arith.constant 0 : i32
    %broadcast_in_dim3A_740 = vector.broadcast %jit3A_739 : i32 to vector<512x256xi32>
    %select_n3A_741 = arith.select %eq3A_738, %reshape3A_526, %broadcast_in_dim3A_740 : vector<512x256xi1>, vector<512x256xi32>
    %reduce_sum3A_742 = arith.constant dense<0> : vector<256xi32>
    %reduce_sum3A_743 = vector.multi_reduction <add>, %select_n3A_741, %reduce_sum3A_742 [0] : vector<512x256xi32> to vector<256xi32>
    %broadcast_in_dim3A_744 = vector.shape_cast %reduce_sum3A_743 : vector<256xi32> to vector<1x256xi32>
    %jit3A_745 = arith.constant 0x7F800000 : f32
    %broadcast_in_dim3A_746 = vector.broadcast %jit3A_745 : f32 to vector<512x256xf32>
    %select_n3A_747 = arith.select %eq3A_738, %broadcast_in_dim3A_746, %select_n3A_725 : vector<512x256xi1>, vector<512x256xf32>
    %reduce_min3A_748 = arith.constant dense<0x7F800000> : vector<256xf32>
    %reduce_min3A_749 = vector.multi_reduction <minimumf>, %select_n3A_747, %reduce_min3A_748 [0] : vector<512x256xf32> to vector<256xf32>
    %broadcast_in_dim3A_750 = vector.shape_cast %reduce_min3A_749 : vector<256xf32> to vector<1x256xf32>
    %eq3A_751 = vector.broadcast %broadcast_in_dim3A_750 : vector<1x256xf32> to vector<512x256xf32>
    %eq3A_752 = arith.cmpf oeq, %select_n3A_747, %eq3A_751 : vector<512x256xf32>
    %jit3A_753 = arith.constant 512 : i32
    %broadcast_in_dim3A_754 = vector.broadcast %jit3A_753 : i32 to vector<512x256xi32>
    %select_n3A_755 = arith.select %eq3A_752, %iota3A_527, %broadcast_in_dim3A_754 : vector<512x256xi1>, vector<512x256xi32>
    %reduce_min3A_756 = arith.constant dense<2147483647> : vector<256xi32>
    %reduce_min3A_757 = vector.multi_reduction <minsi>, %select_n3A_755, %reduce_min3A_756 [0] : vector<512x256xi32> to vector<256xi32>
    %broadcast_in_dim3A_758 = vector.shape_cast %reduce_min3A_757 : vector<256xi32> to vector<1x256xi32>
    %eq3A_759 = vector.broadcast %broadcast_in_dim3A_758 : vector<1x256xi32> to vector<512x256xi32>
    %eq3A_760 = arith.cmpi eq, %select_n3A_755, %eq3A_759 : vector<512x256xi32>
    %jit3A_761 = arith.constant 0 : i32
    %broadcast_in_dim3A_762 = vector.broadcast %jit3A_761 : i32 to vector<512x256xi32>
    %select_n3A_763 = arith.select %eq3A_760, %reshape3A_526, %broadcast_in_dim3A_762 : vector<512x256xi1>, vector<512x256xi32>
    %reduce_sum3A_764 = arith.constant dense<0> : vector<256xi32>
    %reduce_sum3A_765 = vector.multi_reduction <add>, %select_n3A_763, %reduce_sum3A_764 [0] : vector<512x256xi32> to vector<256xi32>
    %broadcast_in_dim3A_766 = vector.shape_cast %reduce_sum3A_765 : vector<256xi32> to vector<1x256xi32>
    %jit3A_767 = arith.constant 0x7F800000 : f32
    %broadcast_in_dim3A_768 = vector.broadcast %jit3A_767 : f32 to vector<512x256xf32>
    %select_n3A_769 = arith.select %eq3A_760, %broadcast_in_dim3A_768, %select_n3A_747 : vector<512x256xi1>, vector<512x256xf32>
    %reduce_min3A_770 = arith.constant dense<0x7F800000> : vector<256xf32>
    %reduce_min3A_771 = vector.multi_reduction <minimumf>, %select_n3A_769, %reduce_min3A_770 [0] : vector<512x256xf32> to vector<256xf32>
    %broadcast_in_dim3A_772 = vector.shape_cast %reduce_min3A_771 : vector<256xf32> to vector<1x256xf32>
    %eq3A_773 = vector.broadcast %broadcast_in_dim3A_772 : vector<1x256xf32> to vector<512x256xf32>
    %eq3A_774 = arith.cmpf oeq, %select_n3A_769, %eq3A_773 : vector<512x256xf32>
    %jit3A_775 = arith.constant 512 : i32
    %broadcast_in_dim3A_776 = vector.broadcast %jit3A_775 : i32 to vector<512x256xi32>
    %select_n3A_777 = arith.select %eq3A_774, %iota3A_527, %broadcast_in_dim3A_776 : vector<512x256xi1>, vector<512x256xi32>
    %reduce_min3A_778 = arith.constant dense<2147483647> : vector<256xi32>
    %reduce_min3A_779 = vector.multi_reduction <minsi>, %select_n3A_777, %reduce_min3A_778 [0] : vector<512x256xi32> to vector<256xi32>
    %broadcast_in_dim3A_780 = vector.shape_cast %reduce_min3A_779 : vector<256xi32> to vector<1x256xi32>
    %eq3A_781 = vector.broadcast %broadcast_in_dim3A_780 : vector<1x256xi32> to vector<512x256xi32>
    %eq3A_782 = arith.cmpi eq, %select_n3A_777, %eq3A_781 : vector<512x256xi32>
    %jit3A_783 = arith.constant 0 : i32
    %broadcast_in_dim3A_784 = vector.broadcast %jit3A_783 : i32 to vector<512x256xi32>
    %select_n3A_785 = arith.select %eq3A_782, %reshape3A_526, %broadcast_in_dim3A_784 : vector<512x256xi1>, vector<512x256xi32>
    %reduce_sum3A_786 = arith.constant dense<0> : vector<256xi32>
    %reduce_sum3A_787 = vector.multi_reduction <add>, %select_n3A_785, %reduce_sum3A_786 [0] : vector<512x256xi32> to vector<256xi32>
    %broadcast_in_dim3A_788 = vector.shape_cast %reduce_sum3A_787 : vector<256xi32> to vector<1x256xi32>
    %jit3A_789 = arith.constant 0x7F800000 : f32
    %broadcast_in_dim3A_790 = vector.broadcast %jit3A_789 : f32 to vector<512x256xf32>
    %select_n3A_791 = arith.select %eq3A_782, %broadcast_in_dim3A_790, %select_n3A_769 : vector<512x256xi1>, vector<512x256xf32>
    %reduce_min3A_792 = arith.constant dense<0x7F800000> : vector<256xf32>
    %reduce_min3A_793 = vector.multi_reduction <minimumf>, %select_n3A_791, %reduce_min3A_792 [0] : vector<512x256xf32> to vector<256xf32>
    %broadcast_in_dim3A_794 = vector.shape_cast %reduce_min3A_793 : vector<256xf32> to vector<1x256xf32>
    %eq3A_795 = vector.broadcast %broadcast_in_dim3A_794 : vector<1x256xf32> to vector<512x256xf32>
    %eq3A_796 = arith.cmpf oeq, %select_n3A_791, %eq3A_795 : vector<512x256xf32>
    %jit3A_797 = arith.constant 512 : i32
    %broadcast_in_dim3A_798 = vector.broadcast %jit3A_797 : i32 to vector<512x256xi32>
    %select_n3A_799 = arith.select %eq3A_796, %iota3A_527, %broadcast_in_dim3A_798 : vector<512x256xi1>, vector<512x256xi32>
    %reduce_min3A_800 = arith.constant dense<2147483647> : vector<256xi32>
    %reduce_min3A_801 = vector.multi_reduction <minsi>, %select_n3A_799, %reduce_min3A_800 [0] : vector<512x256xi32> to vector<256xi32>
    %broadcast_in_dim3A_802 = vector.shape_cast %reduce_min3A_801 : vector<256xi32> to vector<1x256xi32>
    %eq3A_803 = vector.broadcast %broadcast_in_dim3A_802 : vector<1x256xi32> to vector<512x256xi32>
    %eq3A_804 = arith.cmpi eq, %select_n3A_799, %eq3A_803 : vector<512x256xi32>
    %jit3A_805 = arith.constant 0 : i32
    %broadcast_in_dim3A_806 = vector.broadcast %jit3A_805 : i32 to vector<512x256xi32>
    %select_n3A_807 = arith.select %eq3A_804, %reshape3A_526, %broadcast_in_dim3A_806 : vector<512x256xi1>, vector<512x256xi32>
    %reduce_sum3A_808 = arith.constant dense<0> : vector<256xi32>
    %reduce_sum3A_809 = vector.multi_reduction <add>, %select_n3A_807, %reduce_sum3A_808 [0] : vector<512x256xi32> to vector<256xi32>
    %broadcast_in_dim3A_810 = vector.shape_cast %reduce_sum3A_809 : vector<256xi32> to vector<1x256xi32>
    %jit3A_811 = arith.constant 0x7F800000 : f32
    %broadcast_in_dim3A_812 = vector.broadcast %jit3A_811 : f32 to vector<512x256xf32>
    %select_n3A_813 = arith.select %eq3A_804, %broadcast_in_dim3A_812, %select_n3A_791 : vector<512x256xi1>, vector<512x256xf32>
    %reduce_min3A_814 = arith.constant dense<0x7F800000> : vector<256xf32>
    %reduce_min3A_815 = vector.multi_reduction <minimumf>, %select_n3A_813, %reduce_min3A_814 [0] : vector<512x256xf32> to vector<256xf32>
    %broadcast_in_dim3A_816 = vector.shape_cast %reduce_min3A_815 : vector<256xf32> to vector<1x256xf32>
    %eq3A_817 = vector.broadcast %broadcast_in_dim3A_816 : vector<1x256xf32> to vector<512x256xf32>
    %eq3A_818 = arith.cmpf oeq, %select_n3A_813, %eq3A_817 : vector<512x256xf32>
    %jit3A_819 = arith.constant 512 : i32
    %broadcast_in_dim3A_820 = vector.broadcast %jit3A_819 : i32 to vector<512x256xi32>
    %select_n3A_821 = arith.select %eq3A_818, %iota3A_527, %broadcast_in_dim3A_820 : vector<512x256xi1>, vector<512x256xi32>
    %reduce_min3A_822 = arith.constant dense<2147483647> : vector<256xi32>
    %reduce_min3A_823 = vector.multi_reduction <minsi>, %select_n3A_821, %reduce_min3A_822 [0] : vector<512x256xi32> to vector<256xi32>
    %broadcast_in_dim3A_824 = vector.shape_cast %reduce_min3A_823 : vector<256xi32> to vector<1x256xi32>
    %eq3A_825 = vector.broadcast %broadcast_in_dim3A_824 : vector<1x256xi32> to vector<512x256xi32>
    %eq3A_826 = arith.cmpi eq, %select_n3A_821, %eq3A_825 : vector<512x256xi32>
    %jit3A_827 = arith.constant 0 : i32
    %broadcast_in_dim3A_828 = vector.broadcast %jit3A_827 : i32 to vector<512x256xi32>
    %select_n3A_829 = arith.select %eq3A_826, %reshape3A_526, %broadcast_in_dim3A_828 : vector<512x256xi1>, vector<512x256xi32>
    %reduce_sum3A_830 = arith.constant dense<0> : vector<256xi32>
    %reduce_sum3A_831 = vector.multi_reduction <add>, %select_n3A_829, %reduce_sum3A_830 [0] : vector<512x256xi32> to vector<256xi32>
    %broadcast_in_dim3A_832 = vector.shape_cast %reduce_sum3A_831 : vector<256xi32> to vector<1x256xi32>
    %jit3A_833 = arith.constant 0x7F800000 : f32
    %broadcast_in_dim3A_834 = vector.broadcast %jit3A_833 : f32 to vector<512x256xf32>
    %select_n3A_835 = arith.select %eq3A_826, %broadcast_in_dim3A_834, %select_n3A_813 : vector<512x256xi1>, vector<512x256xf32>
    %reduce_min3A_836 = arith.constant dense<0x7F800000> : vector<256xf32>
    %reduce_min3A_837 = vector.multi_reduction <minimumf>, %select_n3A_835, %reduce_min3A_836 [0] : vector<512x256xf32> to vector<256xf32>
    %broadcast_in_dim3A_838 = vector.shape_cast %reduce_min3A_837 : vector<256xf32> to vector<1x256xf32>
    %eq3A_839 = vector.broadcast %broadcast_in_dim3A_838 : vector<1x256xf32> to vector<512x256xf32>
    %eq3A_840 = arith.cmpf oeq, %select_n3A_835, %eq3A_839 : vector<512x256xf32>
    %jit3A_841 = arith.constant 512 : i32
    %broadcast_in_dim3A_842 = vector.broadcast %jit3A_841 : i32 to vector<512x256xi32>
    %select_n3A_843 = arith.select %eq3A_840, %iota3A_527, %broadcast_in_dim3A_842 : vector<512x256xi1>, vector<512x256xi32>
    %reduce_min3A_844 = arith.constant dense<2147483647> : vector<256xi32>
    %reduce_min3A_845 = vector.multi_reduction <minsi>, %select_n3A_843, %reduce_min3A_844 [0] : vector<512x256xi32> to vector<256xi32>
    %broadcast_in_dim3A_846 = vector.shape_cast %reduce_min3A_845 : vector<256xi32> to vector<1x256xi32>
    %eq3A_847 = vector.broadcast %broadcast_in_dim3A_846 : vector<1x256xi32> to vector<512x256xi32>
    %eq3A_848 = arith.cmpi eq, %select_n3A_843, %eq3A_847 : vector<512x256xi32>
    %jit3A_849 = arith.constant 0 : i32
    %broadcast_in_dim3A_850 = vector.broadcast %jit3A_849 : i32 to vector<512x256xi32>
    %select_n3A_851 = arith.select %eq3A_848, %reshape3A_526, %broadcast_in_dim3A_850 : vector<512x256xi1>, vector<512x256xi32>
    %reduce_sum3A_852 = arith.constant dense<0> : vector<256xi32>
    %reduce_sum3A_853 = vector.multi_reduction <add>, %select_n3A_851, %reduce_sum3A_852 [0] : vector<512x256xi32> to vector<256xi32>
    %broadcast_in_dim3A_854 = vector.shape_cast %reduce_sum3A_853 : vector<256xi32> to vector<1x256xi32>
    %jit3A_855 = arith.constant 0x7F800000 : f32
    %broadcast_in_dim3A_856 = vector.broadcast %jit3A_855 : f32 to vector<512x256xf32>
    %select_n3A_857 = arith.select %eq3A_848, %broadcast_in_dim3A_856, %select_n3A_835 : vector<512x256xi1>, vector<512x256xf32>
    %reduce_min3A_858 = arith.constant dense<0x7F800000> : vector<256xf32>
    %reduce_min3A_859 = vector.multi_reduction <minimumf>, %select_n3A_857, %reduce_min3A_858 [0] : vector<512x256xf32> to vector<256xf32>
    %broadcast_in_dim3A_860 = vector.shape_cast %reduce_min3A_859 : vector<256xf32> to vector<1x256xf32>
    %eq3A_861 = vector.broadcast %broadcast_in_dim3A_860 : vector<1x256xf32> to vector<512x256xf32>
    %eq3A_862 = arith.cmpf oeq, %select_n3A_857, %eq3A_861 : vector<512x256xf32>
    %jit3A_863 = arith.constant 512 : i32
    %broadcast_in_dim3A_864 = vector.broadcast %jit3A_863 : i32 to vector<512x256xi32>
    %select_n3A_865 = arith.select %eq3A_862, %iota3A_527, %broadcast_in_dim3A_864 : vector<512x256xi1>, vector<512x256xi32>
    %reduce_min3A_866 = arith.constant dense<2147483647> : vector<256xi32>
    %reduce_min3A_867 = vector.multi_reduction <minsi>, %select_n3A_865, %reduce_min3A_866 [0] : vector<512x256xi32> to vector<256xi32>
    %broadcast_in_dim3A_868 = vector.shape_cast %reduce_min3A_867 : vector<256xi32> to vector<1x256xi32>
    %eq3A_869 = vector.broadcast %broadcast_in_dim3A_868 : vector<1x256xi32> to vector<512x256xi32>
    %eq3A_870 = arith.cmpi eq, %select_n3A_865, %eq3A_869 : vector<512x256xi32>
    %jit3A_871 = arith.constant 0 : i32
    %broadcast_in_dim3A_872 = vector.broadcast %jit3A_871 : i32 to vector<512x256xi32>
    %select_n3A_873 = arith.select %eq3A_870, %reshape3A_526, %broadcast_in_dim3A_872 : vector<512x256xi1>, vector<512x256xi32>
    %reduce_sum3A_874 = arith.constant dense<0> : vector<256xi32>
    %reduce_sum3A_875 = vector.multi_reduction <add>, %select_n3A_873, %reduce_sum3A_874 [0] : vector<512x256xi32> to vector<256xi32>
    %broadcast_in_dim3A_876 = vector.shape_cast %reduce_sum3A_875 : vector<256xi32> to vector<1x256xi32>
    %concatenate3A_877 = tpu.concatenate %broadcast_in_dim3A_546, %broadcast_in_dim3A_568, %broadcast_in_dim3A_590, %broadcast_in_dim3A_612, %broadcast_in_dim3A_634, %broadcast_in_dim3A_656, %broadcast_in_dim3A_678, %broadcast_in_dim3A_700, %broadcast_in_dim3A_722, %broadcast_in_dim3A_744, %broadcast_in_dim3A_766, %broadcast_in_dim3A_788, %broadcast_in_dim3A_810, %broadcast_in_dim3A_832, %broadcast_in_dim3A_854, %broadcast_in_dim3A_876 in 0 : vector<1x256xi32>, vector<1x256xi32>, vector<1x256xi32>, vector<1x256xi32>, vector<1x256xi32>, vector<1x256xi32>, vector<1x256xi32>, vector<1x256xi32>, vector<1x256xi32>, vector<1x256xi32>, vector<1x256xi32>, vector<1x256xi32>, vector<1x256xi32>, vector<1x256xi32>, vector<1x256xi32>, vector<1x256xi32> -> vector<16x256xi32>
    %concatenate3A_878 = tpu.concatenate %concatenate3A_450, %concatenate3A_877 in 0 : vector<16x256xi32>, vector<16x256xi32> -> vector<32x256xi32>
    %add3A_879 = arith.constant 0 : i32
    %add3A_880 = arith.addi %arg0, %add3A_879 : i32
    %mul3A_881 = arith.constant 4096 : i32
    %mul3A_882 = arith.muli %add3A_880, %mul3A_881 : i32
    %add3A_883 = vector.broadcast %mul3A_882 : i32 to vector<32x256xi32>
    %add3A_884 = arith.addi %concatenate3A_878, %add3A_883 : vector<32x256xi32>
    %swap3A = arith.constant 0 : index
    %swap3A_885 = arith.constant 0 : index
    %swap3A_886 = arith.constant 0 : index
    %swap3A_887 = vector.load %arg6[%swap3A, %swap3A_885, %swap3A_886] : memref<1x32x256xi32, #tpu.memory_space<vmem>>, vector<1x32x256xi32>
    %swap3A_888 = vector.shape_cast %swap3A_887 : vector<1x32x256xi32> to vector<32x256xi32>
    %swap3A_889 = vector.shape_cast %add3A_884 : vector<32x256xi32> to vector<1x32x256xi32>
    tpu.vector_store %arg6[%swap3A, %swap3A_885, %swap3A_886], %swap3A_889 {strides = array<i32>} : memref<1x32x256xi32, #tpu.memory_space<vmem>>, vector<1x32x256xi32>,
    return
  }
  func.func @transform_0(%arg0: i32, %arg1: i32) -> (i32, i32, i32) {
    %c0_i32 = arith.constant 0 : i32
    %c0_i32_0 = arith.constant 0 : i32
    return %arg0, %c0_i32, %arg1 : i32, i32, i32
  }
  func.func @transform_1(%arg0: i32, %arg1: i32) -> (i32, i32, i32) {
    %c0_i32 = arith.constant 0 : i32
    %c0_i32_0 = arith.constant 0 : i32
    %c0_i32_1 = arith.constant 0 : i32
    return %arg0, %c0_i32, %c0_i32_0 : i32, i32, i32
  }
  func.func @transform_2(%arg0: i32, %arg1: i32) -> (i32, i32, i32) {
    %c0_i32 = arith.constant 0 : i32
    %c0_i32_0 = arith.constant 0 : i32
    return %arg0, %c0_i32, %arg1 : i32, i32, i32
  }
  func.func @transform_3(%arg0: i32, %arg1: i32) -> (i32, i32, i32) {
    %c0_i32 = arith.constant 0 : i32
    %c0_i32_0 = arith.constant 0 : i32
    %c0_i32_1 = arith.constant 0 : i32
    return %arg0, %c0_i32, %c0_i32_0 : i32, i32, i32
  }
  func.func @transform_4(%arg0: i32, %arg1: i32) -> (i32, i32, i32) {
    %c0_i32 = arith.constant 0 : i32
    %c0_i32_0 = arith.constant 0 : i32
    return %arg0, %c0_i32, %arg1 : i32, i32, i32
  }
}

module attributes {stable_mosaic.version = 14 : i64} {
  func.func @_stats0_body(%arg0: i32, %arg1: i32, %arg2: memref<1x8192x128xf32, #tpu.memory_space<vmem>>, %arg3: memref<1x256x64xf32, #tpu.memory_space<vmem>>, %arg4: memref<1x256x3xf32, #tpu.memory_space<vmem>>, %arg5: memref<3x64xf32, #tpu.memory_space<vmem>>, %arg6: memref<1x64xf32, #tpu.memory_space<vmem>>, %arg7: memref<1x8x128xf32, #tpu.memory_space<vmem>>) attributes {dimension_semantics = [#tpu.dimension_semantics<arbitrary>, #tpu.dimension_semantics<arbitrary>], iteration_bounds = array<i64: 2, 16>, scalar_prefetch = 0 : i64, scratch_operands = 0 : i64, tpu.core_type = #tpu.core_type<tc>, window_params = [{transform_indices = @transform_0, window_bounds = array<i64: 1, 8192, 128>}, {transform_indices = @transform_1, window_bounds = array<i64: 1, 256, 64>}, {transform_indices = @transform_2, window_bounds = array<i64: 1, 256, 3>}, {pipeline_mode = #tpu.pipeline_mode<synchronous>, transform_indices = @transform_3, window_bounds = array<i64: 3, 64>}, {pipeline_mode = #tpu.pipeline_mode<synchronous>, transform_indices = @transform_4, window_bounds = array<i64: 1, 64>}, {transform_indices = @transform_5, window_bounds = array<i64: 1, 8, 128>}]} {
    %get3A = arith.constant 0 : index
    %get3A_0 = arith.constant 0 : index
    %get3A_1 = arith.constant 0 : index
    %get3A_2 = vector.load %arg2[%get3A, %get3A_0, %get3A_1] : memref<1x8192x128xf32, #tpu.memory_space<vmem>>, vector<1x8192x128xf32>
    %get3A_3 = vector.shape_cast %get3A_2 : vector<1x8192x128xf32> to vector<8192x128xf32>
    %get3A_4 = arith.constant 0 : index
    %get3A_5 = arith.constant 0 : index
    %get3A_6 = arith.constant 0 : index
    %get3A_7 = vector.load %arg3[%get3A_4, %get3A_5, %get3A_6] : memref<1x256x64xf32, #tpu.memory_space<vmem>>, vector<1x256x64xf32>
    %get3A_8 = vector.shape_cast %get3A_7 : vector<1x256x64xf32> to vector<256x64xf32>
    %get3A_9 = arith.constant 0 : index
    %get3A_10 = arith.constant 0 : index
    %get3A_11 = arith.constant 0 : index
    %get3A_12 = vector.load %arg4[%get3A_9, %get3A_10, %get3A_11] : memref<1x256x3xf32, #tpu.memory_space<vmem>>, vector<1x256x3xf32>
    %get3A_13 = vector.shape_cast %get3A_12 : vector<1x256x3xf32> to vector<256x3xf32>
    %get3A_14 = arith.constant 0 : index
    %get3A_15 = arith.constant 0 : index
    %get3A_16 = vector.load %arg5[%get3A_14, %get3A_15] : memref<3x64xf32, #tpu.memory_space<vmem>>, vector<3x64xf32>
    %get3A_17 = arith.constant 0 : index
    %get3A_18 = arith.constant 0 : index
    %get3A_19 = vector.load %arg6[%get3A_17, %get3A_18] : memref<1x64xf32, #tpu.memory_space<vmem>>, vector<1x64xf32>
    %slice3A = vector.extract_strided_slice %get3A_3 {offsets = [0, 0], sizes = [8192, 64], strides = [1, 1]} : vector<8192x128xf32> to vector<8192x64xf32>
    %slice3A_20 = vector.extract_strided_slice %get3A_3 {offsets = [0, 64], sizes = [8192, 3], strides = [1, 1]} : vector<8192x128xf32> to vector<8192x3xf32>
    %broadcast_in_dim3A = vector.shape_cast %get3A_13 : vector<256x3xf32> to vector<256x1x3xf32>
    %broadcast_in_dim3A_21 = vector.shape_cast %broadcast_in_dim3A : vector<256x1x3xf32> to vector<256x1x3xf32>
    %broadcast_in_dim3A_22 = vector.broadcast %broadcast_in_dim3A_21 : vector<256x1x3xf32> to vector<256x32x3xf32>
    %reshape3A = vector.shape_cast %broadcast_in_dim3A_22 : vector<256x32x3xf32> to vector<8192x3xf32>
    %sub3A = arith.subf %slice3A_20, %reshape3A : vector<8192x3xf32>
    %dot_general3A = arith.constant dense<0.000000e+00> : vector<8192x64xf32>
    %dot_general3A_23 = tpu.matmul %sub3A, %get3A_16, %dot_general3A {dimension_numbers = #tpu.dot_dimension_numbers<[1], [0], [0], [1], [0, 0, 1, 1], [], []>, transpose_lhs_hint = false} : vector<8192x3xf32>, vector<3x64xf32>, vector<8192x64xf32> -> vector<8192x64xf32>
    %add3A = vector.broadcast %get3A_19 : vector<1x64xf32> to vector<8192x64xf32>
    %add3A_24 = arith.addf %dot_general3A_23, %add3A : vector<8192x64xf32>
    %broadcast_in_dim3A_25 = vector.shape_cast %get3A_8 : vector<256x64xf32> to vector<256x1x64xf32>
    %broadcast_in_dim3A_26 = vector.shape_cast %broadcast_in_dim3A_25 : vector<256x1x64xf32> to vector<256x1x64xf32>
    %broadcast_in_dim3A_27 = vector.broadcast %broadcast_in_dim3A_26 : vector<256x1x64xf32> to vector<256x32x64xf32>
    %reshape3A_28 = vector.shape_cast %broadcast_in_dim3A_27 : vector<256x32x64xf32> to vector<8192x64xf32>
    %add3A_29 = arith.addf %slice3A, %reshape3A_28 : vector<8192x64xf32>
    %add3A_30 = arith.addf %add3A_29, %add3A_24 : vector<8192x64xf32>
    %reduce_sum3A = arith.constant dense<0.000000e+00> : vector<64xf32>
    %reduce_sum3A_31 = vector.multi_reduction <add>, %add3A_30, %reduce_sum3A [0] : vector<8192x64xf32> to vector<64xf32>
    %broadcast_in_dim3A_32 = vector.shape_cast %reduce_sum3A_31 : vector<64xf32> to vector<1x64xf32>
    %mul3A = arith.mulf %add3A_30, %add3A_30 : vector<8192x64xf32>
    %reduce_sum3A_33 = arith.constant dense<0.000000e+00> : vector<64xf32>
    %reduce_sum3A_34 = vector.multi_reduction <add>, %mul3A, %reduce_sum3A_33 [0] : vector<8192x64xf32> to vector<64xf32>
    %broadcast_in_dim3A_35 = vector.shape_cast %reduce_sum3A_34 : vector<64xf32> to vector<1x64xf32>
    %iota3A = tpu.iota {dimensions = array<i32: 0>} : vector<64x4xi32>
    %jit3A = arith.constant 16 : i32
    %div3A = vector.broadcast %jit3A : i32 to vector<64x4xi32>
    %div3A_36 = arith.divsi %iota3A, %div3A : vector<64x4xi32>
    %sign3A = arith.constant 0 : i32
    %sign3A_37 = vector.broadcast %sign3A : i32 to vector<64x4xi32>
    %sign3A_38 = arith.cmpi sgt, %iota3A, %sign3A_37 : vector<64x4xi32>
    %sign3A_39 = arith.extui %sign3A_38 : vector<64x4xi1> to vector<64x4xi32>
    %sign3A_40 = arith.constant 0 : i32
    %sign3A_41 = vector.broadcast %sign3A_40 : i32 to vector<64x4xi32>
    %sign3A_42 = arith.cmpi slt, %iota3A, %sign3A_41 : vector<64x4xi32>
    %sign3A_43 = arith.extui %sign3A_42 : vector<64x4xi1> to vector<64x4xi32>
    %sign3A_44 = arith.subi %sign3A_39, %sign3A_43 : vector<64x4xi32>
    %sign3A_45 = arith.constant 0 : i32
    %sign3A_46 = arith.cmpi sgt, %jit3A, %sign3A_45 : i32
    %sign3A_47 = arith.extui %sign3A_46 : i1 to i32
    %sign3A_48 = arith.constant 0 : i32
    %sign3A_49 = arith.cmpi slt, %jit3A, %sign3A_48 : i32
    %sign3A_50 = arith.extui %sign3A_49 : i1 to i32
    %sign3A_51 = arith.subi %sign3A_47, %sign3A_50 : i32
    %ne3A = vector.broadcast %sign3A_51 : i32 to vector<64x4xi32>
    %ne3A_52 = arith.cmpi ne, %sign3A_44, %ne3A : vector<64x4xi32>
    %rem3A = vector.broadcast %jit3A : i32 to vector<64x4xi32>
    %rem3A_53 = arith.remsi %iota3A, %rem3A : vector<64x4xi32>
    %ne3A_54 = arith.constant 0 : i32
    %ne3A_55 = vector.broadcast %ne3A_54 : i32 to vector<64x4xi32>
    %ne3A_56 = arith.cmpi ne, %rem3A_53, %ne3A_55 : vector<64x4xi32>
    %and3A = arith.andi %ne3A_52, %ne3A_56 : vector<64x4xi1>
    %sub3A_57 = arith.constant 1 : i32
    %sub3A_58 = vector.broadcast %sub3A_57 : i32 to vector<64x4xi32>
    %sub3A_59 = arith.subi %div3A_36, %sub3A_58 : vector<64x4xi32>
    %select_n3A = arith.select %and3A, %sub3A_59, %div3A_36 : vector<64x4xi1>, vector<64x4xi32>
    %iota3A_60 = tpu.iota {dimensions = array<i32: 1>} : vector<64x4xi32>
    %eq3A = arith.cmpi eq, %select_n3A, %iota3A_60 : vector<64x4xi32>
    %convert_element_type3A = arith.extui %eq3A : vector<64x4xi1> to vector<64x4xi32>
    %convert_element_type3A_61 = arith.sitofp %convert_element_type3A : vector<64x4xi32> to vector<64x4xf32>
    %dot_general3A_62 = arith.constant dense<0.000000e+00> : vector<1x4xf32>
    %dot_general3A_63 = tpu.matmul %broadcast_in_dim3A_32, %convert_element_type3A_61, %dot_general3A_62 {dimension_numbers = #tpu.dot_dimension_numbers<[1], [0], [0], [1], [0, 0, 1, 1], [], []>, precision = #tpu.contract_precision<fp32>, transpose_lhs_hint = false} : vector<1x64xf32>, vector<64x4xf32>, vector<1x4xf32> -> vector<1x4xf32>
    %dot_general3A_64 = arith.constant dense<0.000000e+00> : vector<1x4xf32>
    %dot_general3A_65 = tpu.matmul %broadcast_in_dim3A_35, %convert_element_type3A_61, %dot_general3A_64 {dimension_numbers = #tpu.dot_dimension_numbers<[1], [0], [0], [1], [0, 0, 1, 1], [], []>, precision = #tpu.contract_precision<fp32>, transpose_lhs_hint = false} : vector<1x64xf32>, vector<64x4xf32>, vector<1x4xf32> -> vector<1x4xf32>
    %concatenate3A = tpu.concatenate %dot_general3A_63, %dot_general3A_65 in 1 : vector<1x4xf32>, vector<1x4xf32> -> vector<1x8xf32>
    %broadcast_in_dim3A_66 = arith.constant 0.000000e+00 : f32
    %broadcast_in_dim3A_67 = vector.broadcast %broadcast_in_dim3A_66 : f32 to vector<1x120xf32>
    %concatenate3A_68 = tpu.concatenate %concatenate3A, %broadcast_in_dim3A_67 in 1 : vector<1x8xf32>, vector<1x120xf32> -> vector<1x128xf32>
    %broadcast_in_dim3A_69 = vector.shape_cast %concatenate3A_68 : vector<1x128xf32> to vector<1x128xf32>
    %broadcast_in_dim3A_70 = vector.broadcast %broadcast_in_dim3A_69 : vector<1x128xf32> to vector<8x128xf32>
    %eq3A_71 = arith.constant 0 : i32
    %eq3A_72 = arith.cmpi eq, %arg1, %eq3A_71 : i32
    %convert_element_type3A_73 = arith.extui %eq3A_72 : i1 to i32
    %cond3A = arith.constant 0 : i32
    %cond3A_74 = arith.cmpi ne, %convert_element_type3A_73, %cond3A : i32
    scf.if %cond3A_74 {
      %broadcast_in_dim3A_86 = arith.constant 0.000000e+00 : f32
      %broadcast_in_dim3A_87 = vector.broadcast %broadcast_in_dim3A_86 : f32 to vector<8x128xf32>
      %swap3A_88 = arith.constant 0 : index
      %swap3A_89 = arith.constant 0 : index
      %swap3A_90 = arith.constant 0 : index
      %swap3A_91 = vector.load %arg7[%swap3A_88, %swap3A_89, %swap3A_90] : memref<1x8x128xf32, #tpu.memory_space<vmem>>, vector<1x8x128xf32>
      %swap3A_92 = vector.shape_cast %swap3A_91 : vector<1x8x128xf32> to vector<8x128xf32>
      %swap3A_93 = vector.shape_cast %broadcast_in_dim3A_87 : vector<8x128xf32> to vector<1x8x128xf32>
      tpu.vector_store %arg7[%swap3A_88, %swap3A_89, %swap3A_90], %swap3A_93 {strides = array<i32>} : memref<1x8x128xf32, #tpu.memory_space<vmem>>, vector<1x8x128xf32>,
    } else {
    }
    %get3A_75 = arith.constant 0 : index
    %get3A_76 = arith.constant 0 : index
    %get3A_77 = arith.constant 0 : index
    %get3A_78 = vector.load %arg7[%get3A_75, %get3A_76, %get3A_77] : memref<1x8x128xf32, #tpu.memory_space<vmem>>, vector<1x8x128xf32>
    %get3A_79 = vector.shape_cast %get3A_78 : vector<1x8x128xf32> to vector<8x128xf32>
    %add3A_80 = arith.addf %get3A_79, %broadcast_in_dim3A_70 : vector<8x128xf32>
    %swap3A = arith.constant 0 : index
    %swap3A_81 = arith.constant 0 : index
    %swap3A_82 = arith.constant 0 : index
    %swap3A_83 = vector.load %arg7[%swap3A, %swap3A_81, %swap3A_82] : memref<1x8x128xf32, #tpu.memory_space<vmem>>, vector<1x8x128xf32>
    %swap3A_84 = vector.shape_cast %swap3A_83 : vector<1x8x128xf32> to vector<8x128xf32>
    %swap3A_85 = vector.shape_cast %add3A_80 : vector<8x128xf32> to vector<1x8x128xf32>
    tpu.vector_store %arg7[%swap3A, %swap3A_81, %swap3A_82], %swap3A_85 {strides = array<i32>} : memref<1x8x128xf32, #tpu.memory_space<vmem>>, vector<1x8x128xf32>,
    return
  }
  func.func @transform_0(%arg0: i32, %arg1: i32) -> (i32, i32, i32) {
    %c0_i32 = arith.constant 0 : i32
    %c0_i32_0 = arith.constant 0 : i32
    return %arg0, %arg1, %c0_i32 : i32, i32, i32
  }
  func.func @transform_1(%arg0: i32, %arg1: i32) -> (i32, i32, i32) {
    %c0_i32 = arith.constant 0 : i32
    %c0_i32_0 = arith.constant 0 : i32
    return %arg0, %arg1, %c0_i32 : i32, i32, i32
  }
  func.func @transform_2(%arg0: i32, %arg1: i32) -> (i32, i32, i32) {
    %c0_i32 = arith.constant 0 : i32
    %c0_i32_0 = arith.constant 0 : i32
    return %arg0, %arg1, %c0_i32 : i32, i32, i32
  }
  func.func @transform_3(%arg0: i32, %arg1: i32) -> (i32, i32) {
    %c0_i32 = arith.constant 0 : i32
    %c0_i32_0 = arith.constant 0 : i32
    %c0_i32_1 = arith.constant 0 : i32
    return %c0_i32, %c0_i32_0 : i32, i32
  }
  func.func @transform_4(%arg0: i32, %arg1: i32) -> (i32, i32) {
    %c0_i32 = arith.constant 0 : i32
    %c0_i32_0 = arith.constant 0 : i32
    %c0_i32_1 = arith.constant 0 : i32
    return %c0_i32, %c0_i32_0 : i32, i32
  }
  func.func @transform_5(%arg0: i32, %arg1: i32) -> (i32, i32, i32) {
    %c0_i32 = arith.constant 0 : i32
    %c0_i32_0 = arith.constant 0 : i32
    %c0_i32_1 = arith.constant 0 : i32
    return %arg0, %c0_i32, %c0_i32_0 : i32, i32, i32
  }
}

module attributes {stable_mosaic.version = 14 : i64} {
  func.func @_stats1_body(%arg0: i32, %arg1: i32, %arg2: memref<1x8192x128xf32, #tpu.memory_space<vmem>>, %arg3: memref<1x256x64xf32, #tpu.memory_space<vmem>>, %arg4: memref<1x256x3xf32, #tpu.memory_space<vmem>>, %arg5: memref<3x64xf32, #tpu.memory_space<vmem>>, %arg6: memref<1x64xf32, #tpu.memory_space<vmem>>, %arg7: memref<1x8x128xf32, #tpu.memory_space<vmem>>, %arg8: memref<1x64xf32, #tpu.memory_space<vmem>>, %arg9: memref<1x64xf32, #tpu.memory_space<vmem>>, %arg10: memref<64x64xf32, #tpu.memory_space<vmem>>, %arg11: memref<1x64xf32, #tpu.memory_space<vmem>>, %arg12: memref<1x8x128xf32, #tpu.memory_space<vmem>>, %arg13: memref<1x8192x64xbf16, #tpu.memory_space<vmem>>) attributes {dimension_semantics = [#tpu.dimension_semantics<arbitrary>, #tpu.dimension_semantics<arbitrary>], iteration_bounds = array<i64: 2, 16>, scalar_prefetch = 0 : i64, scratch_operands = 0 : i64, tpu.core_type = #tpu.core_type<tc>, window_params = [{transform_indices = @transform_0, window_bounds = array<i64: 1, 8192, 128>}, {transform_indices = @transform_1, window_bounds = array<i64: 1, 256, 64>}, {transform_indices = @transform_2, window_bounds = array<i64: 1, 256, 3>}, {pipeline_mode = #tpu.pipeline_mode<synchronous>, transform_indices = @transform_3, window_bounds = array<i64: 3, 64>}, {pipeline_mode = #tpu.pipeline_mode<synchronous>, transform_indices = @transform_4, window_bounds = array<i64: 1, 64>}, {transform_indices = @transform_5, window_bounds = array<i64: 1, 8, 128>}, {pipeline_mode = #tpu.pipeline_mode<synchronous>, transform_indices = @transform_6, window_bounds = array<i64: 1, 64>}, {pipeline_mode = #tpu.pipeline_mode<synchronous>, transform_indices = @transform_7, window_bounds = array<i64: 1, 64>}, {pipeline_mode = #tpu.pipeline_mode<synchronous>, transform_indices = @transform_8, window_bounds = array<i64: 64, 64>}, {pipeline_mode = #tpu.pipeline_mode<synchronous>, transform_indices = @transform_9, window_bounds = array<i64: 1, 64>}, {transform_indices = @transform_10, window_bounds = array<i64: 1, 8, 128>}, {transform_indices = @transform_11, window_bounds = array<i64: 1, 8192, 64>}]} {
    %get3A = arith.constant 0 : index
    %get3A_0 = arith.constant 0 : index
    %get3A_1 = arith.constant 0 : index
    %get3A_2 = vector.load %arg2[%get3A, %get3A_0, %get3A_1] : memref<1x8192x128xf32, #tpu.memory_space<vmem>>, vector<1x8192x128xf32>
    %get3A_3 = vector.shape_cast %get3A_2 : vector<1x8192x128xf32> to vector<8192x128xf32>
    %get3A_4 = arith.constant 0 : index
    %get3A_5 = arith.constant 0 : index
    %get3A_6 = arith.constant 0 : index
    %get3A_7 = vector.load %arg3[%get3A_4, %get3A_5, %get3A_6] : memref<1x256x64xf32, #tpu.memory_space<vmem>>, vector<1x256x64xf32>
    %get3A_8 = vector.shape_cast %get3A_7 : vector<1x256x64xf32> to vector<256x64xf32>
    %get3A_9 = arith.constant 0 : index
    %get3A_10 = arith.constant 0 : index
    %get3A_11 = arith.constant 0 : index
    %get3A_12 = vector.load %arg4[%get3A_9, %get3A_10, %get3A_11] : memref<1x256x3xf32, #tpu.memory_space<vmem>>, vector<1x256x3xf32>
    %get3A_13 = vector.shape_cast %get3A_12 : vector<1x256x3xf32> to vector<256x3xf32>
    %get3A_14 = arith.constant 0 : index
    %get3A_15 = arith.constant 0 : index
    %get3A_16 = vector.load %arg5[%get3A_14, %get3A_15] : memref<3x64xf32, #tpu.memory_space<vmem>>, vector<3x64xf32>
    %get3A_17 = arith.constant 0 : index
    %get3A_18 = arith.constant 0 : index
    %get3A_19 = vector.load %arg6[%get3A_17, %get3A_18] : memref<1x64xf32, #tpu.memory_space<vmem>>, vector<1x64xf32>
    %slice3A = vector.extract_strided_slice %get3A_3 {offsets = [0, 0], sizes = [8192, 64], strides = [1, 1]} : vector<8192x128xf32> to vector<8192x64xf32>
    %slice3A_20 = vector.extract_strided_slice %get3A_3 {offsets = [0, 64], sizes = [8192, 3], strides = [1, 1]} : vector<8192x128xf32> to vector<8192x3xf32>
    %broadcast_in_dim3A = vector.shape_cast %get3A_13 : vector<256x3xf32> to vector<256x1x3xf32>
    %broadcast_in_dim3A_21 = vector.shape_cast %broadcast_in_dim3A : vector<256x1x3xf32> to vector<256x1x3xf32>
    %broadcast_in_dim3A_22 = vector.broadcast %broadcast_in_dim3A_21 : vector<256x1x3xf32> to vector<256x32x3xf32>
    %reshape3A = vector.shape_cast %broadcast_in_dim3A_22 : vector<256x32x3xf32> to vector<8192x3xf32>
    %sub3A = arith.subf %slice3A_20, %reshape3A : vector<8192x3xf32>
    %dot_general3A = arith.constant dense<0.000000e+00> : vector<8192x64xf32>
    %dot_general3A_23 = tpu.matmul %sub3A, %get3A_16, %dot_general3A {dimension_numbers = #tpu.dot_dimension_numbers<[1], [0], [0], [1], [0, 0, 1, 1], [], []>, transpose_lhs_hint = false} : vector<8192x3xf32>, vector<3x64xf32>, vector<8192x64xf32> -> vector<8192x64xf32>
    %add3A = vector.broadcast %get3A_19 : vector<1x64xf32> to vector<8192x64xf32>
    %add3A_24 = arith.addf %dot_general3A_23, %add3A : vector<8192x64xf32>
    %broadcast_in_dim3A_25 = vector.shape_cast %get3A_8 : vector<256x64xf32> to vector<256x1x64xf32>
    %broadcast_in_dim3A_26 = vector.shape_cast %broadcast_in_dim3A_25 : vector<256x1x64xf32> to vector<256x1x64xf32>
    %broadcast_in_dim3A_27 = vector.broadcast %broadcast_in_dim3A_26 : vector<256x1x64xf32> to vector<256x32x64xf32>
    %reshape3A_28 = vector.shape_cast %broadcast_in_dim3A_27 : vector<256x32x64xf32> to vector<8192x64xf32>
    %add3A_29 = arith.addf %slice3A, %reshape3A_28 : vector<8192x64xf32>
    %add3A_30 = arith.addf %add3A_29, %add3A_24 : vector<8192x64xf32>
    %get3A_31 = arith.constant 0 : index
    %get3A_32 = arith.constant 0 : index
    %get3A_33 = arith.constant 0 : index
    %get3A_34 = vector.load %arg7[%get3A_31, %get3A_32, %get3A_33] : memref<1x8x128xf32, #tpu.memory_space<vmem>>, vector<1x1x128xf32>
    %get3A_35 = vector.shape_cast %get3A_34 : vector<1x1x128xf32> to vector<1x128xf32>
    %get3A_36 = arith.constant 0 : index
    %get3A_37 = arith.constant 0 : index
    %get3A_38 = vector.load %arg8[%get3A_36, %get3A_37] : memref<1x64xf32, #tpu.memory_space<vmem>>, vector<1x64xf32>
    %get3A_39 = arith.constant 0 : index
    %get3A_40 = arith.constant 0 : index
    %get3A_41 = vector.load %arg9[%get3A_39, %get3A_40] : memref<1x64xf32, #tpu.memory_space<vmem>>, vector<1x64xf32>
    %slice3A_42 = vector.extract_strided_slice %get3A_35 {offsets = [0, 0], sizes = [1, 4], strides = [1, 1]} : vector<1x128xf32> to vector<1x4xf32>
    %slice3A_43 = vector.extract_strided_slice %get3A_35 {offsets = [0, 4], sizes = [1, 4], strides = [1, 1]} : vector<1x128xf32> to vector<1x4xf32>
    %div3A = arith.constant 0x4A000000 : f32
    %div3A_44 = vector.broadcast %div3A : f32 to vector<1x4xf32>
    %div3A_45 = arith.divf %slice3A_42, %div3A_44 : vector<1x4xf32>
    %div3A_46 = arith.constant 0x4A000000 : f32
    %div3A_47 = vector.broadcast %div3A_46 : f32 to vector<1x4xf32>
    %div3A_48 = arith.divf %slice3A_43, %div3A_47 : vector<1x4xf32>
    %mul3A = arith.mulf %div3A_45, %div3A_45 : vector<1x4xf32>
    %sub3A_49 = arith.subf %div3A_48, %mul3A : vector<1x4xf32>
    %add3A_50 = arith.constant 9.99999974E-6 : f32
    %add3A_51 = vector.broadcast %add3A_50 : f32 to vector<1x4xf32>
    %add3A_52 = arith.addf %sub3A_49, %add3A_51 : vector<1x4xf32>
    %rsqrt3A = math.rsqrt %add3A_52 : vector<1x4xf32>
    %iota3A = tpu.iota {dimensions = array<i32: 0>} : vector<4x64xi32>
    %iota3A_53 = tpu.iota {dimensions = array<i32: 1>} : vector<4x64xi32>
    %jit3A = arith.constant 16 : i32
    %div3A_54 = vector.broadcast %jit3A : i32 to vector<4x64xi32>
    %div3A_55 = arith.divsi %iota3A_53, %div3A_54 : vector<4x64xi32>
    %sign3A = arith.constant 0 : i32
    %sign3A_56 = vector.broadcast %sign3A : i32 to vector<4x64xi32>
    %sign3A_57 = arith.cmpi sgt, %iota3A_53, %sign3A_56 : vector<4x64xi32>
    %sign3A_58 = arith.extui %sign3A_57 : vector<4x64xi1> to vector<4x64xi32>
    %sign3A_59 = arith.constant 0 : i32
    %sign3A_60 = vector.broadcast %sign3A_59 : i32 to vector<4x64xi32>
    %sign3A_61 = arith.cmpi slt, %iota3A_53, %sign3A_60 : vector<4x64xi32>
    %sign3A_62 = arith.extui %sign3A_61 : vector<4x64xi1> to vector<4x64xi32>
    %sign3A_63 = arith.subi %sign3A_58, %sign3A_62 : vector<4x64xi32>
    %sign3A_64 = arith.constant 0 : i32
    %sign3A_65 = arith.cmpi sgt, %jit3A, %sign3A_64 : i32
    %sign3A_66 = arith.extui %sign3A_65 : i1 to i32
    %sign3A_67 = arith.constant 0 : i32
    %sign3A_68 = arith.cmpi slt, %jit3A, %sign3A_67 : i32
    %sign3A_69 = arith.extui %sign3A_68 : i1 to i32
    %sign3A_70 = arith.subi %sign3A_66, %sign3A_69 : i32
    %ne3A = vector.broadcast %sign3A_70 : i32 to vector<4x64xi32>
    %ne3A_71 = arith.cmpi ne, %sign3A_63, %ne3A : vector<4x64xi32>
    %rem3A = vector.broadcast %jit3A : i32 to vector<4x64xi32>
    %rem3A_72 = arith.remsi %iota3A_53, %rem3A : vector<4x64xi32>
    %ne3A_73 = arith.constant 0 : i32
    %ne3A_74 = vector.broadcast %ne3A_73 : i32 to vector<4x64xi32>
    %ne3A_75 = arith.cmpi ne, %rem3A_72, %ne3A_74 : vector<4x64xi32>
    %and3A = arith.andi %ne3A_71, %ne3A_75 : vector<4x64xi1>
    %sub3A_76 = arith.constant 1 : i32
    %sub3A_77 = vector.broadcast %sub3A_76 : i32 to vector<4x64xi32>
    %sub3A_78 = arith.subi %div3A_55, %sub3A_77 : vector<4x64xi32>
    %select_n3A = arith.select %and3A, %sub3A_78, %div3A_55 : vector<4x64xi1>, vector<4x64xi32>
    %eq3A = arith.cmpi eq, %iota3A, %select_n3A : vector<4x64xi32>
    %convert_element_type3A = arith.extui %eq3A : vector<4x64xi1> to vector<4x64xi32>
    %convert_element_type3A_79 = arith.sitofp %convert_element_type3A : vector<4x64xi32> to vector<4x64xf32>
    %dot_general3A_80 = arith.constant dense<0.000000e+00> : vector<1x64xf32>
    %dot_general3A_81 = tpu.matmul %div3A_45, %convert_element_type3A_79, %dot_general3A_80 {dimension_numbers = #tpu.dot_dimension_numbers<[1], [0], [0], [1], [0, 0, 1, 1], [], []>, precision = #tpu.contract_precision<fp32>, transpose_lhs_hint = false} : vector<1x4xf32>, vector<4x64xf32>, vector<1x64xf32> -> vector<1x64xf32>
    %dot_general3A_82 = arith.constant dense<0.000000e+00> : vector<1x64xf32>
    %dot_general3A_83 = tpu.matmul %rsqrt3A, %convert_element_type3A_79, %dot_general3A_82 {dimension_numbers = #tpu.dot_dimension_numbers<[1], [0], [0], [1], [0, 0, 1, 1], [], []>, precision = #tpu.contract_precision<fp32>, transpose_lhs_hint = false} : vector<1x4xf32>, vector<4x64xf32>, vector<1x64xf32> -> vector<1x64xf32>
    %mul3A_84 = arith.mulf %dot_general3A_83, %get3A_38 : vector<1x64xf32>
    %mul3A_85 = arith.mulf %dot_general3A_81, %mul3A_84 : vector<1x64xf32>
    %sub3A_86 = arith.subf %get3A_41, %mul3A_85 : vector<1x64xf32>
    %mul3A_87 = vector.broadcast %mul3A_84 : vector<1x64xf32> to vector<8192x64xf32>
    %mul3A_88 = arith.mulf %add3A_30, %mul3A_87 : vector<8192x64xf32>
    %add3A_89 = vector.broadcast %sub3A_86 : vector<1x64xf32> to vector<8192x64xf32>
    %add3A_90 = arith.addf %mul3A_88, %add3A_89 : vector<8192x64xf32>
    %ge3A = arith.constant 0.000000e+00 : f32
    %ge3A_91 = vector.broadcast %ge3A : f32 to vector<8192x64xf32>
    %ge3A_92 = arith.cmpf oge, %add3A_90, %ge3A_91 : vector<8192x64xf32>
    %mul3A_93 = arith.constant 1.000000e-01 : f32
    %mul3A_94 = vector.broadcast %mul3A_93 : f32 to vector<8192x64xf32>
    %mul3A_95 = arith.mulf %mul3A_94, %add3A_90 : vector<8192x64xf32>
    %select_n3A_96 = arith.select %ge3A_92, %add3A_90, %mul3A_95 : vector<8192x64xi1>, vector<8192x64xf32>
    %convert_element_type3A_97 = arith.truncf %select_n3A_96 : vector<8192x64xf32> to vector<8192x64xbf16>
    %swap3A = arith.constant 0 : index
    %swap3A_98 = arith.constant 0 : index
    %swap3A_99 = arith.constant 0 : index
    %swap3A_100 = vector.load %arg13[%swap3A, %swap3A_98, %swap3A_99] : memref<1x8192x64xbf16, #tpu.memory_space<vmem>>, vector<1x8192x64xbf16>
    %swap3A_101 = vector.shape_cast %swap3A_100 : vector<1x8192x64xbf16> to vector<8192x64xbf16>
    %swap3A_102 = vector.shape_cast %convert_element_type3A_97 : vector<8192x64xbf16> to vector<1x8192x64xbf16>
    tpu.vector_store %arg13[%swap3A, %swap3A_98, %swap3A_99], %swap3A_102 {strides = array<i32>} : memref<1x8192x64xbf16, #tpu.memory_space<vmem>>, vector<1x8192x64xbf16>,
    %get3A_103 = arith.constant 0 : index
    %get3A_104 = arith.constant 0 : index
    %get3A_105 = vector.load %arg10[%get3A_103, %get3A_104] : memref<64x64xf32, #tpu.memory_space<vmem>>, vector<64x64xf32>
    %dot_general3A_106 = arith.constant dense<0.000000e+00> : vector<8192x64xf32>
    %dot_general3A_107 = tpu.matmul %select_n3A_96, %get3A_105, %dot_general3A_106 {dimension_numbers = #tpu.dot_dimension_numbers<[1], [0], [0], [1], [0, 0, 1, 1], [], []>, transpose_lhs_hint = false} : vector<8192x64xf32>, vector<64x64xf32>, vector<8192x64xf32> -> vector<8192x64xf32>
    %get3A_108 = arith.constant 0 : index
    %get3A_109 = arith.constant 0 : index
    %get3A_110 = vector.load %arg11[%get3A_108, %get3A_109] : memref<1x64xf32, #tpu.memory_space<vmem>>, vector<1x64xf32>
    %add3A_111 = vector.broadcast %get3A_110 : vector<1x64xf32> to vector<8192x64xf32>
    %add3A_112 = arith.addf %dot_general3A_107, %add3A_111 : vector<8192x64xf32>
    %reduce_sum3A = arith.constant dense<0.000000e+00> : vector<64xf32>
    %reduce_sum3A_113 = vector.multi_reduction <add>, %add3A_112, %reduce_sum3A [0] : vector<8192x64xf32> to vector<64xf32>
    %broadcast_in_dim3A_114 = vector.shape_cast %reduce_sum3A_113 : vector<64xf32> to vector<1x64xf32>
    %mul3A_115 = arith.mulf %add3A_112, %add3A_112 : vector<8192x64xf32>
    %reduce_sum3A_116 = arith.constant dense<0.000000e+00> : vector<64xf32>
    %reduce_sum3A_117 = vector.multi_reduction <add>, %mul3A_115, %reduce_sum3A_116 [0] : vector<8192x64xf32> to vector<64xf32>
    %broadcast_in_dim3A_118 = vector.shape_cast %reduce_sum3A_117 : vector<64xf32> to vector<1x64xf32>
    %iota3A_119 = tpu.iota {dimensions = array<i32: 0>} : vector<64x4xi32>
    %jit3A_120 = arith.constant 16 : i32
    %div3A_121 = vector.broadcast %jit3A_120 : i32 to vector<64x4xi32>
    %div3A_122 = arith.divsi %iota3A_119, %div3A_121 : vector<64x4xi32>
    %sign3A_123 = arith.constant 0 : i32
    %sign3A_124 = vector.broadcast %sign3A_123 : i32 to vector<64x4xi32>
    %sign3A_125 = arith.cmpi sgt, %iota3A_119, %sign3A_124 : vector<64x4xi32>
    %sign3A_126 = arith.extui %sign3A_125 : vector<64x4xi1> to vector<64x4xi32>
    %sign3A_127 = arith.constant 0 : i32
    %sign3A_128 = vector.broadcast %sign3A_127 : i32 to vector<64x4xi32>
    %sign3A_129 = arith.cmpi slt, %iota3A_119, %sign3A_128 : vector<64x4xi32>
    %sign3A_130 = arith.extui %sign3A_129 : vector<64x4xi1> to vector<64x4xi32>
    %sign3A_131 = arith.subi %sign3A_126, %sign3A_130 : vector<64x4xi32>
    %sign3A_132 = arith.constant 0 : i32
    %sign3A_133 = arith.cmpi sgt, %jit3A_120, %sign3A_132 : i32
    %sign3A_134 = arith.extui %sign3A_133 : i1 to i32
    %sign3A_135 = arith.constant 0 : i32
    %sign3A_136 = arith.cmpi slt, %jit3A_120, %sign3A_135 : i32
    %sign3A_137 = arith.extui %sign3A_136 : i1 to i32
    %sign3A_138 = arith.subi %sign3A_134, %sign3A_137 : i32
    %ne3A_139 = vector.broadcast %sign3A_138 : i32 to vector<64x4xi32>
    %ne3A_140 = arith.cmpi ne, %sign3A_131, %ne3A_139 : vector<64x4xi32>
    %rem3A_141 = vector.broadcast %jit3A_120 : i32 to vector<64x4xi32>
    %rem3A_142 = arith.remsi %iota3A_119, %rem3A_141 : vector<64x4xi32>
    %ne3A_143 = arith.constant 0 : i32
    %ne3A_144 = vector.broadcast %ne3A_143 : i32 to vector<64x4xi32>
    %ne3A_145 = arith.cmpi ne, %rem3A_142, %ne3A_144 : vector<64x4xi32>
    %and3A_146 = arith.andi %ne3A_140, %ne3A_145 : vector<64x4xi1>
    %sub3A_147 = arith.constant 1 : i32
    %sub3A_148 = vector.broadcast %sub3A_147 : i32 to vector<64x4xi32>
    %sub3A_149 = arith.subi %div3A_122, %sub3A_148 : vector<64x4xi32>
    %select_n3A_150 = arith.select %and3A_146, %sub3A_149, %div3A_122 : vector<64x4xi1>, vector<64x4xi32>
    %iota3A_151 = tpu.iota {dimensions = array<i32: 1>} : vector<64x4xi32>
    %eq3A_152 = arith.cmpi eq, %select_n3A_150, %iota3A_151 : vector<64x4xi32>
    %convert_element_type3A_153 = arith.extui %eq3A_152 : vector<64x4xi1> to vector<64x4xi32>
    %convert_element_type3A_154 = arith.sitofp %convert_element_type3A_153 : vector<64x4xi32> to vector<64x4xf32>
    %dot_general3A_155 = arith.constant dense<0.000000e+00> : vector<1x4xf32>
    %dot_general3A_156 = tpu.matmul %broadcast_in_dim3A_114, %convert_element_type3A_154, %dot_general3A_155 {dimension_numbers = #tpu.dot_dimension_numbers<[1], [0], [0], [1], [0, 0, 1, 1], [], []>, precision = #tpu.contract_precision<fp32>, transpose_lhs_hint = false} : vector<1x64xf32>, vector<64x4xf32>, vector<1x4xf32> -> vector<1x4xf32>
    %dot_general3A_157 = arith.constant dense<0.000000e+00> : vector<1x4xf32>
    %dot_general3A_158 = tpu.matmul %broadcast_in_dim3A_118, %convert_element_type3A_154, %dot_general3A_157 {dimension_numbers = #tpu.dot_dimension_numbers<[1], [0], [0], [1], [0, 0, 1, 1], [], []>, precision = #tpu.contract_precision<fp32>, transpose_lhs_hint = false} : vector<1x64xf32>, vector<64x4xf32>, vector<1x4xf32> -> vector<1x4xf32>
    %concatenate3A = tpu.concatenate %dot_general3A_156, %dot_general3A_158 in 1 : vector<1x4xf32>, vector<1x4xf32> -> vector<1x8xf32>
    %broadcast_in_dim3A_159 = arith.constant 0.000000e+00 : f32
    %broadcast_in_dim3A_160 = vector.broadcast %broadcast_in_dim3A_159 : f32 to vector<1x120xf32>
    %concatenate3A_161 = tpu.concatenate %concatenate3A, %broadcast_in_dim3A_160 in 1 : vector<1x8xf32>, vector<1x120xf32> -> vector<1x128xf32>
    %broadcast_in_dim3A_162 = vector.shape_cast %concatenate3A_161 : vector<1x128xf32> to vector<1x128xf32>
    %broadcast_in_dim3A_163 = vector.broadcast %broadcast_in_dim3A_162 : vector<1x128xf32> to vector<8x128xf32>
    %eq3A_164 = arith.constant 0 : i32
    %eq3A_165 = arith.cmpi eq, %arg1, %eq3A_164 : i32
    %convert_element_type3A_166 = arith.extui %eq3A_165 : i1 to i32
    %cond3A = arith.constant 0 : i32
    %cond3A_167 = arith.cmpi ne, %convert_element_type3A_166, %cond3A : i32
    scf.if %cond3A_167 {
      %broadcast_in_dim3A_180 = arith.constant 0.000000e+00 : f32
      %broadcast_in_dim3A_181 = vector.broadcast %broadcast_in_dim3A_180 : f32 to vector<8x128xf32>
      %swap3A_182 = arith.constant 0 : index
      %swap3A_183 = arith.constant 0 : index
      %swap3A_184 = arith.constant 0 : index
      %swap3A_185 = vector.load %arg12[%swap3A_182, %swap3A_183, %swap3A_184] : memref<1x8x128xf32, #tpu.memory_space<vmem>>, vector<1x8x128xf32>
      %swap3A_186 = vector.shape_cast %swap3A_185 : vector<1x8x128xf32> to vector<8x128xf32>
      %swap3A_187 = vector.shape_cast %broadcast_in_dim3A_181 : vector<8x128xf32> to vector<1x8x128xf32>
      tpu.vector_store %arg12[%swap3A_182, %swap3A_183, %swap3A_184], %swap3A_187 {strides = array<i32>} : memref<1x8x128xf32, #tpu.memory_space<vmem>>, vector<1x8x128xf32>,
    } else {
    }
    %get3A_168 = arith.constant 0 : index
    %get3A_169 = arith.constant 0 : index
    %get3A_170 = arith.constant 0 : index
    %get3A_171 = vector.load %arg12[%get3A_168, %get3A_169, %get3A_170] : memref<1x8x128xf32, #tpu.memory_space<vmem>>, vector<1x8x128xf32>
    %get3A_172 = vector.shape_cast %get3A_171 : vector<1x8x128xf32> to vector<8x128xf32>
    %add3A_173 = arith.addf %get3A_172, %broadcast_in_dim3A_163 : vector<8x128xf32>
    %swap3A_174 = arith.constant 0 : index
    %swap3A_175 = arith.constant 0 : index
    %swap3A_176 = arith.constant 0 : index
    %swap3A_177 = vector.load %arg12[%swap3A_174, %swap3A_175, %swap3A_176] : memref<1x8x128xf32, #tpu.memory_space<vmem>>, vector<1x8x128xf32>
    %swap3A_178 = vector.shape_cast %swap3A_177 : vector<1x8x128xf32> to vector<8x128xf32>
    %swap3A_179 = vector.shape_cast %add3A_173 : vector<8x128xf32> to vector<1x8x128xf32>
    tpu.vector_store %arg12[%swap3A_174, %swap3A_175, %swap3A_176], %swap3A_179 {strides = array<i32>} : memref<1x8x128xf32, #tpu.memory_space<vmem>>, vector<1x8x128xf32>,
    return
  }
  func.func @transform_0(%arg0: i32, %arg1: i32) -> (i32, i32, i32) {
    %c0_i32 = arith.constant 0 : i32
    %c0_i32_0 = arith.constant 0 : i32
    return %arg0, %arg1, %c0_i32 : i32, i32, i32
  }
  func.func @transform_1(%arg0: i32, %arg1: i32) -> (i32, i32, i32) {
    %c0_i32 = arith.constant 0 : i32
    %c0_i32_0 = arith.constant 0 : i32
    return %arg0, %arg1, %c0_i32 : i32, i32, i32
  }
  func.func @transform_2(%arg0: i32, %arg1: i32) -> (i32, i32, i32) {
    %c0_i32 = arith.constant 0 : i32
    %c0_i32_0 = arith.constant 0 : i32
    return %arg0, %arg1, %c0_i32 : i32, i32, i32
  }
  func.func @transform_3(%arg0: i32, %arg1: i32) -> (i32, i32) {
    %c0_i32 = arith.constant 0 : i32
    %c0_i32_0 = arith.constant 0 : i32
    %c0_i32_1 = arith.constant 0 : i32
    return %c0_i32, %c0_i32_0 : i32, i32
  }
  func.func @transform_4(%arg0: i32, %arg1: i32) -> (i32, i32) {
    %c0_i32 = arith.constant 0 : i32
    %c0_i32_0 = arith.constant 0 : i32
    %c0_i32_1 = arith.constant 0 : i32
    return %c0_i32, %c0_i32_0 : i32, i32
  }
  func.func @transform_5(%arg0: i32, %arg1: i32) -> (i32, i32, i32) {
    %c0_i32 = arith.constant 0 : i32
    %c0_i32_0 = arith.constant 0 : i32
    %c0_i32_1 = arith.constant 0 : i32
    return %arg0, %c0_i32, %c0_i32_0 : i32, i32, i32
  }
  func.func @transform_6(%arg0: i32, %arg1: i32) -> (i32, i32) {
    %c0_i32 = arith.constant 0 : i32
    %c0_i32_0 = arith.constant 0 : i32
    %c0_i32_1 = arith.constant 0 : i32
    return %c0_i32, %c0_i32_0 : i32, i32
  }
  func.func @transform_7(%arg0: i32, %arg1: i32) -> (i32, i32) {
    %c0_i32 = arith.constant 0 : i32
    %c0_i32_0 = arith.constant 0 : i32
    %c0_i32_1 = arith.constant 0 : i32
    return %c0_i32, %c0_i32_0 : i32, i32
  }
  func.func @transform_8(%arg0: i32, %arg1: i32) -> (i32, i32) {
    %c0_i32 = arith.constant 0 : i32
    %c0_i32_0 = arith.constant 0 : i32
    %c0_i32_1 = arith.constant 0 : i32
    return %c0_i32, %c0_i32_0 : i32, i32
  }
  func.func @transform_9(%arg0: i32, %arg1: i32) -> (i32, i32) {
    %c0_i32 = arith.constant 0 : i32
    %c0_i32_0 = arith.constant 0 : i32
    %c0_i32_1 = arith.constant 0 : i32
    return %c0_i32, %c0_i32_0 : i32, i32
  }
  func.func @transform_10(%arg0: i32, %arg1: i32) -> (i32, i32, i32) {
    %c0_i32 = arith.constant 0 : i32
    %c0_i32_0 = arith.constant 0 : i32
    %c0_i32_1 = arith.constant 0 : i32
    return %arg0, %c0_i32, %c0_i32_0 : i32, i32, i32
  }
  func.func @transform_11(%arg0: i32, %arg1: i32) -> (i32, i32, i32) {
    %c0_i32 = arith.constant 0 : i32
    %c0_i32_0 = arith.constant 0 : i32
    return %arg0, %arg1, %c0_i32 : i32, i32, i32
  }
}

module attributes {stable_mosaic.version = 14 : i64} {
  func.func @_final_body(%arg0: i32, %arg1: i32, %arg2: memref<1x8192x64xbf16, #tpu.memory_space<vmem>>, %arg3: memref<64x64xf32, #tpu.memory_space<vmem>>, %arg4: memref<1x64xf32, #tpu.memory_space<vmem>>, %arg5: memref<1x8x128xf32, #tpu.memory_space<vmem>>, %arg6: memref<1x64xf32, #tpu.memory_space<vmem>>, %arg7: memref<1x64xf32, #tpu.memory_space<vmem>>, %arg8: memref<1x256x64xf32, #tpu.memory_space<vmem>>) attributes {dimension_semantics = [#tpu.dimension_semantics<arbitrary>, #tpu.dimension_semantics<arbitrary>], iteration_bounds = array<i64: 2, 16>, scalar_prefetch = 0 : i64, scratch_operands = 0 : i64, tpu.core_type = #tpu.core_type<tc>, window_params = [{transform_indices = @transform_0, window_bounds = array<i64: 1, 8192, 64>}, {pipeline_mode = #tpu.pipeline_mode<synchronous>, transform_indices = @transform_1, window_bounds = array<i64: 64, 64>}, {pipeline_mode = #tpu.pipeline_mode<synchronous>, transform_indices = @transform_2, window_bounds = array<i64: 1, 64>}, {transform_indices = @transform_3, window_bounds = array<i64: 1, 8, 128>}, {pipeline_mode = #tpu.pipeline_mode<synchronous>, transform_indices = @transform_4, window_bounds = array<i64: 1, 64>}, {pipeline_mode = #tpu.pipeline_mode<synchronous>, transform_indices = @transform_5, window_bounds = array<i64: 1, 64>}, {transform_indices = @transform_6, window_bounds = array<i64: 1, 256, 64>}]} {
    %get3A = arith.constant 0 : index
    %get3A_0 = arith.constant 0 : index
    %get3A_1 = arith.constant 0 : index
    %get3A_2 = vector.load %arg2[%get3A, %get3A_0, %get3A_1] : memref<1x8192x64xbf16, #tpu.memory_space<vmem>>, vector<1x8192x64xbf16>
    %get3A_3 = vector.shape_cast %get3A_2 : vector<1x8192x64xbf16> to vector<8192x64xbf16>
    %convert_element_type3A = arith.extf %get3A_3 : vector<8192x64xbf16> to vector<8192x64xf32>
    %get3A_4 = arith.constant 0 : index
    %get3A_5 = arith.constant 0 : index
    %get3A_6 = vector.load %arg3[%get3A_4, %get3A_5] : memref<64x64xf32, #tpu.memory_space<vmem>>, vector<64x64xf32>
    %dot_general3A = arith.constant dense<0.000000e+00> : vector<8192x64xf32>
    %dot_general3A_7 = tpu.matmul %convert_element_type3A, %get3A_6, %dot_general3A {dimension_numbers = #tpu.dot_dimension_numbers<[1], [0], [0], [1], [0, 0, 1, 1], [], []>, transpose_lhs_hint = false} : vector<8192x64xf32>, vector<64x64xf32>, vector<8192x64xf32> -> vector<8192x64xf32>
    %get3A_8 = arith.constant 0 : index
    %get3A_9 = arith.constant 0 : index
    %get3A_10 = vector.load %arg4[%get3A_8, %get3A_9] : memref<1x64xf32, #tpu.memory_space<vmem>>, vector<1x64xf32>
    %add3A = vector.broadcast %get3A_10 : vector<1x64xf32> to vector<8192x64xf32>
    %add3A_11 = arith.addf %dot_general3A_7, %add3A : vector<8192x64xf32>
    %get3A_12 = arith.constant 0 : index
    %get3A_13 = arith.constant 0 : index
    %get3A_14 = arith.constant 0 : index
    %get3A_15 = vector.load %arg5[%get3A_12, %get3A_13, %get3A_14] : memref<1x8x128xf32, #tpu.memory_space<vmem>>, vector<1x1x128xf32>
    %get3A_16 = vector.shape_cast %get3A_15 : vector<1x1x128xf32> to vector<1x128xf32>
    %get3A_17 = arith.constant 0 : index
    %get3A_18 = arith.constant 0 : index
    %get3A_19 = vector.load %arg6[%get3A_17, %get3A_18] : memref<1x64xf32, #tpu.memory_space<vmem>>, vector<1x64xf32>
    %get3A_20 = arith.constant 0 : index
    %get3A_21 = arith.constant 0 : index
    %get3A_22 = vector.load %arg7[%get3A_20, %get3A_21] : memref<1x64xf32, #tpu.memory_space<vmem>>, vector<1x64xf32>
    %slice3A = vector.extract_strided_slice %get3A_16 {offsets = [0, 0], sizes = [1, 4], strides = [1, 1]} : vector<1x128xf32> to vector<1x4xf32>
    %slice3A_23 = vector.extract_strided_slice %get3A_16 {offsets = [0, 4], sizes = [1, 4], strides = [1, 1]} : vector<1x128xf32> to vector<1x4xf32>
    %div3A = arith.constant 0x4A000000 : f32
    %div3A_24 = vector.broadcast %div3A : f32 to vector<1x4xf32>
    %div3A_25 = arith.divf %slice3A, %div3A_24 : vector<1x4xf32>
    %div3A_26 = arith.constant 0x4A000000 : f32
    %div3A_27 = vector.broadcast %div3A_26 : f32 to vector<1x4xf32>
    %div3A_28 = arith.divf %slice3A_23, %div3A_27 : vector<1x4xf32>
    %mul3A = arith.mulf %div3A_25, %div3A_25 : vector<1x4xf32>
    %sub3A = arith.subf %div3A_28, %mul3A : vector<1x4xf32>
    %add3A_29 = arith.constant 9.99999974E-6 : f32
    %add3A_30 = vector.broadcast %add3A_29 : f32 to vector<1x4xf32>
    %add3A_31 = arith.addf %sub3A, %add3A_30 : vector<1x4xf32>
    %rsqrt3A = math.rsqrt %add3A_31 : vector<1x4xf32>
    %iota3A = tpu.iota {dimensions = array<i32: 0>} : vector<4x64xi32>
    %iota3A_32 = tpu.iota {dimensions = array<i32: 1>} : vector<4x64xi32>
    %jit3A = arith.constant 16 : i32
    %div3A_33 = vector.broadcast %jit3A : i32 to vector<4x64xi32>
    %div3A_34 = arith.divsi %iota3A_32, %div3A_33 : vector<4x64xi32>
    %sign3A = arith.constant 0 : i32
    %sign3A_35 = vector.broadcast %sign3A : i32 to vector<4x64xi32>
    %sign3A_36 = arith.cmpi sgt, %iota3A_32, %sign3A_35 : vector<4x64xi32>
    %sign3A_37 = arith.extui %sign3A_36 : vector<4x64xi1> to vector<4x64xi32>
    %sign3A_38 = arith.constant 0 : i32
    %sign3A_39 = vector.broadcast %sign3A_38 : i32 to vector<4x64xi32>
    %sign3A_40 = arith.cmpi slt, %iota3A_32, %sign3A_39 : vector<4x64xi32>
    %sign3A_41 = arith.extui %sign3A_40 : vector<4x64xi1> to vector<4x64xi32>
    %sign3A_42 = arith.subi %sign3A_37, %sign3A_41 : vector<4x64xi32>
    %sign3A_43 = arith.constant 0 : i32
    %sign3A_44 = arith.cmpi sgt, %jit3A, %sign3A_43 : i32
    %sign3A_45 = arith.extui %sign3A_44 : i1 to i32
    %sign3A_46 = arith.constant 0 : i32
    %sign3A_47 = arith.cmpi slt, %jit3A, %sign3A_46 : i32
    %sign3A_48 = arith.extui %sign3A_47 : i1 to i32
    %sign3A_49 = arith.subi %sign3A_45, %sign3A_48 : i32
    %ne3A = vector.broadcast %sign3A_49 : i32 to vector<4x64xi32>
    %ne3A_50 = arith.cmpi ne, %sign3A_42, %ne3A : vector<4x64xi32>
    %rem3A = vector.broadcast %jit3A : i32 to vector<4x64xi32>
    %rem3A_51 = arith.remsi %iota3A_32, %rem3A : vector<4x64xi32>
    %ne3A_52 = arith.constant 0 : i32
    %ne3A_53 = vector.broadcast %ne3A_52 : i32 to vector<4x64xi32>
    %ne3A_54 = arith.cmpi ne, %rem3A_51, %ne3A_53 : vector<4x64xi32>
    %and3A = arith.andi %ne3A_50, %ne3A_54 : vector<4x64xi1>
    %sub3A_55 = arith.constant 1 : i32
    %sub3A_56 = vector.broadcast %sub3A_55 : i32 to vector<4x64xi32>
    %sub3A_57 = arith.subi %div3A_34, %sub3A_56 : vector<4x64xi32>
    %select_n3A = arith.select %and3A, %sub3A_57, %div3A_34 : vector<4x64xi1>, vector<4x64xi32>
    %eq3A = arith.cmpi eq, %iota3A, %select_n3A : vector<4x64xi32>
    %convert_element_type3A_58 = arith.extui %eq3A : vector<4x64xi1> to vector<4x64xi32>
    %convert_element_type3A_59 = arith.sitofp %convert_element_type3A_58 : vector<4x64xi32> to vector<4x64xf32>
    %dot_general3A_60 = arith.constant dense<0.000000e+00> : vector<1x64xf32>
    %dot_general3A_61 = tpu.matmul %div3A_25, %convert_element_type3A_59, %dot_general3A_60 {dimension_numbers = #tpu.dot_dimension_numbers<[1], [0], [0], [1], [0, 0, 1, 1], [], []>, precision = #tpu.contract_precision<fp32>, transpose_lhs_hint = false} : vector<1x4xf32>, vector<4x64xf32>, vector<1x64xf32> -> vector<1x64xf32>
    %dot_general3A_62 = arith.constant dense<0.000000e+00> : vector<1x64xf32>
    %dot_general3A_63 = tpu.matmul %rsqrt3A, %convert_element_type3A_59, %dot_general3A_62 {dimension_numbers = #tpu.dot_dimension_numbers<[1], [0], [0], [1], [0, 0, 1, 1], [], []>, precision = #tpu.contract_precision<fp32>, transpose_lhs_hint = false} : vector<1x4xf32>, vector<4x64xf32>, vector<1x64xf32> -> vector<1x64xf32>
    %mul3A_64 = arith.mulf %dot_general3A_63, %get3A_19 : vector<1x64xf32>
    %mul3A_65 = arith.mulf %dot_general3A_61, %mul3A_64 : vector<1x64xf32>
    %sub3A_66 = arith.subf %get3A_22, %mul3A_65 : vector<1x64xf32>
    %mul3A_67 = vector.broadcast %mul3A_64 : vector<1x64xf32> to vector<8192x64xf32>
    %mul3A_68 = arith.mulf %add3A_11, %mul3A_67 : vector<8192x64xf32>
    %add3A_69 = vector.broadcast %sub3A_66 : vector<1x64xf32> to vector<8192x64xf32>
    %add3A_70 = arith.addf %mul3A_68, %add3A_69 : vector<8192x64xf32>
    %ge3A = arith.constant 0.000000e+00 : f32
    %ge3A_71 = vector.broadcast %ge3A : f32 to vector<8192x64xf32>
    %ge3A_72 = arith.cmpf oge, %add3A_70, %ge3A_71 : vector<8192x64xf32>
    %mul3A_73 = arith.constant 1.000000e-01 : f32
    %mul3A_74 = vector.broadcast %mul3A_73 : f32 to vector<8192x64xf32>
    %mul3A_75 = arith.mulf %mul3A_74, %add3A_70 : vector<8192x64xf32>
    %select_n3A_76 = arith.select %ge3A_72, %add3A_70, %mul3A_75 : vector<8192x64xi1>, vector<8192x64xf32>
    %reshape3A = vector.shape_cast %select_n3A_76 : vector<8192x64xf32> to vector<256x32x64xf32>
    %reduce_max3A = arith.constant dense<0xFF800000> : vector<256x64xf32>
    %reduce_max3A_77 = vector.multi_reduction <maximumf>, %reshape3A, %reduce_max3A [1] : vector<256x32x64xf32> to vector<256x64xf32>
    %swap3A = arith.constant 0 : index
    %swap3A_78 = arith.constant 0 : index
    %swap3A_79 = arith.constant 0 : index
    %swap3A_80 = vector.load %arg8[%swap3A, %swap3A_78, %swap3A_79] : memref<1x256x64xf32, #tpu.memory_space<vmem>>, vector<1x256x64xf32>
    %swap3A_81 = vector.shape_cast %swap3A_80 : vector<1x256x64xf32> to vector<256x64xf32>
    %swap3A_82 = vector.shape_cast %reduce_max3A_77 : vector<256x64xf32> to vector<1x256x64xf32>
    tpu.vector_store %arg8[%swap3A, %swap3A_78, %swap3A_79], %swap3A_82 {strides = array<i32>} : memref<1x256x64xf32, #tpu.memory_space<vmem>>, vector<1x256x64xf32>,
    return
  }
  func.func @transform_0(%arg0: i32, %arg1: i32) -> (i32, i32, i32) {
    %c0_i32 = arith.constant 0 : i32
    %c0_i32_0 = arith.constant 0 : i32
    return %arg0, %arg1, %c0_i32 : i32, i32, i32
  }
  func.func @transform_1(%arg0: i32, %arg1: i32) -> (i32, i32) {
    %c0_i32 = arith.constant 0 : i32
    %c0_i32_0 = arith.constant 0 : i32
    %c0_i32_1 = arith.constant 0 : i32
    return %c0_i32, %c0_i32_0 : i32, i32
  }
  func.func @transform_2(%arg0: i32, %arg1: i32) -> (i32, i32) {
    %c0_i32 = arith.constant 0 : i32
    %c0_i32_0 = arith.constant 0 : i32
    %c0_i32_1 = arith.constant 0 : i32
    return %c0_i32, %c0_i32_0 : i32, i32
  }
  func.func @transform_3(%arg0: i32, %arg1: i32) -> (i32, i32, i32) {
    %c0_i32 = arith.constant 0 : i32
    %c0_i32_0 = arith.constant 0 : i32
    %c0_i32_1 = arith.constant 0 : i32
    return %arg0, %c0_i32, %c0_i32_0 : i32, i32, i32
  }
  func.func @transform_4(%arg0: i32, %arg1: i32) -> (i32, i32) {
    %c0_i32 = arith.constant 0 : i32
    %c0_i32_0 = arith.constant 0 : i32
    %c0_i32_1 = arith.constant 0 : i32
    return %c0_i32, %c0_i32_0 : i32, i32
  }
  func.func @transform_5(%arg0: i32, %arg1: i32) -> (i32, i32) {
    %c0_i32 = arith.constant 0 : i32
    %c0_i32_0 = arith.constant 0 : i32
    %c0_i32_1 = arith.constant 0 : i32
    return %c0_i32, %c0_i32_0 : i32, i32
  }
  func.func @transform_6(%arg0: i32, %arg1: i32) -> (i32, i32, i32) {
    %c0_i32 = arith.constant 0 : i32
    %c0_i32_0 = arith.constant 0 : i32
    return %arg0, %arg1, %c0_i32 : i32, i32, i32
  }
}

</mosaic_0001>

<sc_bundles>
// kernel: kernel.13.cloned.1.call-start
scs
__scs_entry_jumppad:
0x0: {  	(pc) =	sbr.rel $0x88, $3  }
0x1: {  	(tag) =	ssettag $0x0;
	lr =	simm.s32 $0x1  }
0x2: {  	[smem:$0x3F8F] =	sst lr;
	_ =	strace $0xD0000000  }
0x3: {  	_ = 	snop  }
0x4: {  	_ = 	snop  }
0x5: {  	_ = 	snop  }
0x6: {  	_ = 	snop  }
0x7: {  	_ = 	snop  }
__scs_overlays_trampoline_lowered:
0x8: {  	[smem:$0x3F9E] =	sst s0  }
0x9: {  	[smem:$0x3F9F] =	sst s1  }
0xa: {  	[smem:$0x3FA0] =	sst s2  }
0xb: {  	[smem:$0x3FA1] =	sst s3  }
0xc: {  	[smem:$0x3FA2] =	sst s4  }
0xd: {  	[smem:$0x3FA3] =	sst s5  }
0xe: {  	[smem:$0x3FA4] =	sst s6  }
0xf: {  	[smem:$0x3FA5] =	sst s7  }
0x10: {  	[smem:$0x3FA6] =	sst s8  }
0x11: {  	[smem:$0x3FA7] =	sst s9;
	s0 =	simm.s32 @!p0 $0x0  }
0x12: {  	s1 =	sld [smem:$0x3F8D];
	s0 =	simm.s32 @p0 $0x1  }
0x13: {  	[smem:$0x3FA8] =	sst s0;
	s0 =	simm.s32 @!p1 $0x0  }
0x14: {  	s2 =	sld [smem:$0x3F8C];
	s0 =	simm.s32 @p1 $0x1  }
0x15: {  	[smem:$0x3FA9] =	sst s0;
	s0 =	simm.s32 @!p2 $0x0  }
0x16: {  	s3 =	sld [smem:$0x3FDB];
	s0 =	simm.s32 @p2 $0x1  }
0x17: {  	s4 =	simm.s32 $0x1BF5;
	[smem:$0x3FAB] =	sst s0  }
0x18: {  	s0 =	sld [smem:$0x3F8E];
	_ =	swait.ge [sflag:s4], $0x0  }
0x19: {  	s7 =	sld [smem:$0x3F8F]  }
0x1a: {  	s8 =	sadd.s32 $0xFFFFE003, lr  }
0x1b: {  	s9 =	sadd.s32 $0xFFFFFEF7, lr;
	s5 =	simm.s32 $0xFFFFFFFF;
	p2 =	slt.u32 s8, $0xFFFFF086  }
0x1c: {  	p1 =	slt.u32 s9, $0xF7A;
	s5 =	simm.s32 @!p2 $0x0  }
0x1d: {  	s5 =	simm.s32 @p1 $0x1;
	p0 =	seq.s32 s7, s2  }
0x1e: {  	s7 =	smul.u32 @!p0 $0xF7A, s2;
	p2 =	seq.s32 @!p0 s5, $0x0  }
0x1f: {  	s9 =	smul.u32 $0xF7A, s1;
	s8 =	simm.s32 @!p0 $0x1BF5;
	p2 =	por !p2, p0  }
0x20: {  	[sflag:s8] =	ssyncset.s32 @!p0 $0xFFFFF086;
	s6 =	sadd.s32 @!p0 s3, s7;
	s7 =	simm.s32 @!p0 $0x108  }
0x21: {  	s3 =	sadd.s32 s3, s9;
	s6 =	sadd.s32 @!p0 $0x88, s6;
	s7 =	simm.s32 @p2 $0x1082  }
0x22: {  	[simem:s7], [sflag:s8] =	dma.local @!p0 [hbm:s6], $0xF7A  }
0x23: {  	s9 =	sor.u32 $0xD0000000, s2;
	s6 =	simm.s32 $0x108;
	_ =	swait.ge @!p0 [sflag:s8], $0x0  }
0x24: {  	s3 =	sadd.s32 $0x88, s3;
	s6 =	simm.s32 @!p1 $0x1082;
	[sflag:s4] =	ssyncset.s32 $0xFFFFF086  }
0x25: {  	[simem:s6], [sflag:s4] =	dma.local [hbm:s3], $0xF7A  }
0x26: {  	[smem:$0x3F8F] =	sst s1;
	(tag) =	ssettag s2;
	_ =	strace s9  }
0x27: {  	s1 =	sld [smem:$0x3F9F]  }
0x28: {  	s2 =	sld [smem:$0x3FA0]  }
0x29: {  	s4 =	sld [smem:$0x3FA2]  }
0x2a: {  	p0 =	seq.s32 s5, $0x0;
	s5 =	sld [smem:$0x3FA3]  }
0x2b: {  	s6 =	sld [smem:$0x3FA4]  }
0x2c: {  	s7 =	sld [smem:$0x3FA5]  }
0x2d: {  	s3 =	simm.s32 $0x108;
	s8 =	sld [smem:$0x3FA6]  }
0x2e: {  	s3 =	simm.s32 @!p0 $0x1082;
	s9 =	sld [smem:$0x3FA7]  }
0x2f: {  	lr =	sadd.s32 s0, s3;
	s0 =	sld [smem:$0x3F9E]  }
0x30: {  	s3 =	sld [smem:$0x3FA1]  }
0x31: {  	[smem:$0x3FAA] =	sst s10  }
0x32: {  	s10 =	sld [smem:$0x3FA8];
	_ =	sdelay $0x3  }
0x33: {  	p0 =	seq.s32 s10, $0x1;
	s10 =	sld [smem:$0x3FAA];
	_ =	sdelay $0x3  }
0x34: {  	[smem:$0x3FAA] =	sst s10  }
0x35: {  	s10 =	sld [smem:$0x3FA9];
	_ =	sdelay $0x3  }
0x36: {  	p1 =	seq.s32 s10, $0x1;
	s10 =	sld [smem:$0x3FAA];
	_ =	sdelay $0x3  }
0x37: {  	[smem:$0x3FAA] =	sst s10  }
0x38: {  	s10 =	sld [smem:$0x3FAB]  }
0x39: {  	_ = 	snop;
	(pc) =	sbr.ind lr, $3  }
0x3a: {  	_ = 	snop  }
0x3b: {  	_ = 	snop  }
0x3c: {  	p2 =	seq.s32 s10, $0x1;
	s10 =	sld [smem:$0x3FAA]  }
0x3d: {  	_ =	shalt  }
0x3e: {  	_ =	shalt  }
0x3f: {  	_ =	shalt  }
0x40: {  	_ =	shalt  }
0x41: {  	_ =	shalt  }
0x42: {  	_ =	shalt  }
0x43: {  	_ =	shalt  }
0x44: {  	_ =	shalt  }
0x45: {  	_ =	shalt  }
0x46: {  	_ =	shalt  }
0x47: {  	_ =	shalt  }
0x48: {  	_ =	shalt  }
0x49: {  	_ =	shalt  }
0x4a: {  	_ =	shalt  }
0x4b: {  	_ =	shalt  }
0x4c: {  	_ =	shalt  }
0x4d: {  	_ =	shalt  }
0x4e: {  	_ =	shalt  }
0x4f: {  	_ =	shalt  }
0x50: {  	_ =	shalt  }
0x51: {  	_ =	shalt  }
0x52: {  	_ =	shalt  }
0x53: {  	_ =	shalt  }
0x54: {  	_ =	shalt  }
0x55: {  	_ =	shalt  }
0x56: {  	_ =	shalt  }
0x57: {  	_ =	shalt  }
0x58: {  	_ =	shalt  }
0x59: {  	_ =	shalt  }
0x5a: {  	_ =	shalt  }
0x5b: {  	_ =	shalt  }
0x5c: {  	_ =	shalt  }
0x5d: {  	_ =	shalt  }
0x5e: {  	_ =	shalt  }
0x5f: {  	_ =	shalt  }
0x60: {  	_ =	shalt  }
0x61: {  	_ =	shalt  }
0x62: {  	_ =	shalt  }
0x63: {  	_ =	shalt  }
0x64: {  	_ =	shalt  }
0x65: {  	_ =	shalt  }
0x66: {  	_ =	shalt  }
0x67: {  	_ =	shalt  }
0x68: {  	_ =	shalt  }
0x69: {  	_ =	shalt  }
0x6a: {  	_ =	shalt  }
0x6b: {  	_ =	shalt  }
0x6c: {  	_ =	shalt  }
0x6d: {  	_ =	shalt  }
0x6e: {  	_ =	shalt  }
0x6f: {  	_ =	shalt  }
0x70: {  	_ =	shalt  }
0x71: {  	_ =	shalt  }
0x72: {  	_ =	shalt  }
0x73: {  	_ =	shalt  }
0x74: {  	_ =	shalt  }
0x75: {  	_ =	shalt  }
0x76: {  	_ =	shalt  }
0x77: {  	_ =	shalt  }
0x78: {  	_ =	shalt  }
0x79: {  	_ =	shalt  }
0x7a: {  	_ =	shalt  }
0x7b: {  	_ =	shalt  }
0x7c: {  	_ =	shalt  }
0x7d: {  	_ =	shalt  }
0x7e: {  	_ =	shalt  }
0x7f: {  	_ =	shalt  }
0x80: {  	_ =	shalt  }
0x81: {  	_ =	shalt  }
0x82: {  	_ =	shalt  }
0x83: {  	_ =	shalt  }
0x84: {  	_ =	shalt  }
0x85: {  	_ =	shalt  }
0x86: {  	_ =	shalt  }
0x87: {  	_ =	shalt  }
.Lfunc_end0:
.L_simem_size_0:
called_computation_lowered:
.L_overlay_start_0:
0x88: {  	s2 =	sld [smem:$0x3FD9]  }
0x89: {  	s3 =	sld [smem:$0x3FFE];
	_ =	sdelay $0x1  }
0x8a: {  	s1 =	srdreg.scid  }
0x8b: {  	s0 =	sand.u32 $0x1, s1  }
0x8c: {  	s15 =	sshll.u32 s0, $0xA;
	s2 =	sadd.s32 s3, s2  }
0x8d: {  	s2 =	sadd.s32 s2, s15  }
0x8e: {  	[smem:$0x3FB6] =	sst s2  }
0x8f: {  	_ = 	snop  }
0x90: {  	s2 =	sld [smem:$0x3FD0];
	_ =	sdelay $0x2  }
0x91: {  	s16 =	simm.s32 $0xB;
	s4 =	simm.s32 $0x10  }
0x92: {  	[smem:s4], [sflag:s16] =	dma.local [hbm:s2], $0x1  }
0x93: {  	_ =	swait.eq [sflag:s16], $0x1  }
0x94: {  	[sflag:s16] =	ssyncset.done $0x0  }
0x95: {  	[sflag:s16] =	ssyncadd.s32 $0xFFFFFFFF  }
0x96: {  	s17 =	sld [smem:$0x10];
	(tm) =	ssettm $0x1  }
0x97: {  	s18 =	sld [smem:$0x3FFB];
	_ =	sdelay $0x3  }
0x98: {  	_ =	strace s18  }
0x99: {  	s2 =	sld [smem:$0x3FFC];
	_ =	sdelay $0x3  }
0x9a: {  	_ =	strace s2  }
0x9b: {  	s2 =	sld [smem:$0x3FFD];
	_ =	sdelay $0x3  }
0x9c: {  	_ =	strace s2  }
0x9d: {  	_ =	strace $0x8FFFFFFF  }
0x9e: {  	s19 =	sld [smem:$0x3FDB];
	_ =	sdelay $0x1  }
0x9f: {  	s20 =	simm.s32 $_scs_section_size  }
0xa0: {  	s5 =	simm.s32 $_size__tile_overlayer_lowered;
	s6 =	simm.s32 $_tile_overlayer_lowered  }
0xa1: {  	s7 =	simm.s32 $0x1BFF;
	s21 =	sshll.u32 s6, $0x1;
	s4 =	sadd.s32 s20, s19  }
0xa2: {  	s22 =	simm.s32 $0x0;
	s5 =	sshll.u32 s5, $0x1;
	s6 =	sadd.s32 s21, s4  }
0xa3: {  	[timem:s22], [sflag:s7] =	dma.local [hbm:s6], s5  }
0xa4: {  	_ =	swait.ge [sflag:s7], s5  }
0xa5: {  	s5 =	ssub.s32 $0x0, s5;
	[sflag:s7] =	ssyncset.done $0x0  }
0xa6: {  	[sflag:s7] =	ssyncadd.s32 s5;
	_ =	sdelay $0x1  }
0xa7: {  	s23 =	simm.s32 $0x1B8B  }
0xa8: {  	_ =	swait.ge [sflag:s23], $0x1  }
0xa9: {  	[sflag:s23] =	ssyncset.done $0x0  }
0xaa: {  	[sflag:s23] =	ssyncadd.s32 $0xFFFFFFFF  }
0xab: {  	s5 =	sld [smem:$0x0]  }
0xac: {  	s6 =	sand.u32 $0xFFFFFFFE, s1  }
0xad: {  	p0 =	sne.s32 s1, s6  }
0xae: {  	s6 =	sshll.u32 @p0 s6, $0xE  }
0xaf: {  	s6 =	sadd.s32 @p0 $0x11B8D, s6;
	s7 =	sshll.u32 @p0 s5, $0x11  }
0xb0: {  	s6 =	sor.u32 @p0 s7, s6  }
0xb1: {  	[sflag:s6] =	ssyncadd.remote.s32 @p0 $0x1;
	_ =	sdelay $0x1  }
0xb2: {  	s6 =	simm.s32 @p0 $0x1B8D  }
0xb3: {  	_ =	swait.eq @p0 [sflag:s6], $0x1  }
0xb4: {  	[sflag:s6] =	ssyncadd.s32 @p0 $0xFFFFFFFF  }
0xb5: {  	s7 =	sshll.u32 @!p0 s1, $0xE  }
0xb6: {  	s7 =	sor.u32 @!p0 $0x4000, s7;
	s6 =	simm.s32 @!p0 $0x1B8D  }
0xb7: {  	s5 =	sshll.u32 @!p0 s5, $0x11;
	s7 =	sadd.s32 @!p0 $0x11B8D, s7;
	_ =	swait.eq @!p0 [sflag:s6], $0x1  }
0xb8: {  	s5 =	sor.u32 @!p0 s5, s7;
	[sflag:s6] =	ssyncadd.s32 @!p0 $0xFFFFFFFF  }
0xb9: {  	s25 =	simm.s32 $0x1B8E;
	s24 =	sld [smem:$0x3FFE];
	[sflag:s5] =	ssyncadd.remote.s32 @!p0 $0x1  }
0xba: {  	s26 =	simm.s32 $execute0_lowered;
	[smem:$0x3FD2] =	sst s25  }
0xbb: {  	s6 =	sshll.u32 s26, $0x1;
	_ =	strace $0x80000049;
	[dreg:$0x1] =	wrdreg $0xFFFFFFFF  }
0xbc: {  	s28 =	simm.s32 $_size_execute0_lowered;
	s4 =	sadd.s32 s4, s6;
	[dreg:$0x0] =	wrdreg $0x0  }
0xbd: {  	s6 =	sshll.u32 s28, $0x1;
	[dreg:$0x2] =	wrdreg s4  }
0xbe: {  	[dreg:$0x3] =	wrdreg s6  }
0xbf: {  	[dreg:$0x4] =	wrdreg $0xC0  }
0xc0: {  	_ =	task [dreg:s22], $0x5FFFF  }
0xc1: {  	[dreg:$0x1] =	wrdreg $0xFFFFFFFF  }
0xc2: {  	[dreg:$0x0] =	wrdreg $0x60  }
0xc3: {  	[dreg:$0x2] =	wrdreg s24  }
0xc4: {  	[dreg:$0x3] =	wrdreg s17  }
0xc5: {  	[dreg:$0x4] =	wrdreg $0x9  }
0xc6: {  	_ =	task.clear_ibuf [dreg:s22], $0x5FFFF;
	_ =	strace $0x90000049  }
0xc7: {  	s29 =	simm.s32 $0x9;
	_ =	strace $0x8000004B  }
0xc8: {  	_ =	swait.ge [sflag:s29], $0x1  }
0xc9: {  	[sflag:s29] =	ssyncadd.s32 $0xFFFFFFFF  }
0xca: {  	_ =	strace $0x9000004B  }
0xcb: {  	_ =	sfence  }
0xcc: {  	s30 =	sld [smem:$0x0];
	_ =	sdelay $0x2  }
0xcd: {  	s31 =	sshll.u32 s1, $0xD;
	s1 =	sshrl.u32 s1, $0x2  }
0xce: {  	s4 =	sand.u32 $0x4000, s31;
	s1 =	sadd.s32 s1, s30  }
0xcf: {  	s0 =	sor.u32 s4, s0;
	s1 =	sshll.u32 s1, $0x11  }
0xd0: {  	s0 =	sor.u32 s1, s0  }
0xd1: {  	s0 =	sadd.s32 $0x8F2B, s0  }
0xd2: {  	[sflag:s0] =	ssyncadd.remote.s32 $0x1  }
0xd3: {  	_ =	sfence.sel $0xFFFF  }
0xd4: {  	[dreg:$0x0] =	wrdreg $0xFFFFFFFF;
	(pc) =	sbr.abs _section_cstart, $3  }
0xd5: {  	[dreg:$0x1] =	wrdreg $0xFFFFFFFF  }
0xd6: {  	_ =	task.clear_ibuf [dreg:s22], $0x2FFFF;
	_ =	strace $0x9FFFFFFF  }
0xd7: {  	(tm) =	ssettm $0x7FFFFFFF  }
tec
execute0_lowered:
.L_overlay_start_1:
0x0: {  	(tag) =	ssettag $0x1  }
0x1: {  	s4 =	rddreg [dreg:$0x0]  }
0x2: {  	s6 =	rddreg [dreg:$0x1]  }
0x3: {  	s0 =	rddreg [dreg:$0x2];
	s2 =	simm.s32 $0x0;
	s1 =	stileid.u32  }
0x4: {  	s3 =	srdreg.scid;
	[smem:$0x7FF] =	sst s2  }
0x5: {  	s5 =	sshll.u32 s1, $0x12;
	s7 =	sand.u32 $0x1, s3;
	s3 =	sadd.s32 $0x4800, s4  }
0x6: {  	s9 =	sshll.u32 s1, $0xE;
	_ =	strace $0x8000004A;
	s5 =	sadd.s32 s5, s4  }
0x7: {  	s29 =	ssub.s32 $0x2, s7;
	s10 =	sshll.u32 s7, $0xD;
	s7 =	sshll.u32 s7, $0x11  }
0x8: {  	s8 =	sshrl.u32 s29, $0x1;
	s30 =	sor.u32 s10, s9;
	s5 =	sadd.s32 s7, s5  }
0x9: {  	s7 =	simm.s32 $0x2;
	s9 =	simm.s32 $0x1;
	s10 =	simm.s32 $0x0  }
0xa: {  	s4 =	ssub.s32 s29, s8;
	s31 =	sshrl.u32 s30, $0x3;
	s5 =	sadd.s32 $0x504800, s5  }
0xb: {  	s8 =	simm.s32 $0x80;
	s4 =	smax.u32 s4, $0x1;
	s6 =	sadd.s32 s31, s6  }
.LBB2_1:
0xc: {  	s11 =	sadd.s32 $0x0, s6  }
0xd: {  	[tilespmem:s2], [sflag:$0x2] =	stream.linear.gather [hbm4b:s11+s2], $0x80, $0x38;
	[tilespmem:$0x4080] =	vst v63  }
0xe: {  	_ =	swait.ge [sflag:s7], $0x80  }
0xf: {  	[sflag:s7] =	ssyncset.done $0x0  }
0x10: {  	[sflag:s7] =	ssyncadd.s32 $0xFFFFFF80  }
0x11: {  	[tilespmem:s8], [sflag:$0x1] =	stream.indirect.gather [hbm4b:s3+s8], $0x80, s2, s8, $0xb8;
	[tilespmem:$0x4080] =	vst v63  }
0x12: {  	_ =	swait.ge [sflag:s9], $0x4000  }
0x13: {  	[sflag:s9] =	ssyncset.done $0x0  }
0x14: {  	[sflag:s9] =	ssyncadd.s32 $0xFFFFC000  }
0x15: {  	[hbm4b:s5+s2] =	stream.linear.scatter [tilespmem:s8], [sflag:$0x2], $0x4000, $0x38;
	[tilespmem:$0x4080] =	vst v63  }
0x16: {  	s12 =	simm.s32 $0x10;
	_ =	swait.ge [sflag:s7], $0x4000  }
0x17: {  	s13 =	simm.s32 $0x20;
	s11 =	sadd.s32 $0x800, s5;
	[sflag:s7] =	ssyncset.done $0x0  }
.LBB2_2:
0x18: {  	s14 =	sadd.s32 s12, s6  }
0x19: {  	[sflag:s7] =	ssyncadd.s32 $0xFFFFC000;
	s12 =	smov.u32 s13;
	s15 =	sadd.s32 $0x10, s13  }
0x1a: {  	[tilespmem:s2], [sflag:$0x2] =	stream.linear.gather [hbm4b:s14+s2], $0x80, $0x38;
	[tilespmem:$0x4080] =	vst v63  }
0x1b: {  	p0 =	sne.s32 s13, $0x3F0;
	_ =	swait.ge [sflag:s7], $0x80  }
0x1c: {  	[sflag:s7] =	ssyncset.done $0x0  }
0x1d: {  	[sflag:s7] =	ssyncadd.s32 $0xFFFFFF80  }
0x1e: {  	[tilespmem:s8], [sflag:$0x1] =	stream.indirect.gather [hbm4b:s3+s8], $0x80, s2, s8, $0xb8;
	[tilespmem:$0x4080] =	vst v63  }
0x1f: {  	_ =	swait.ge [sflag:s9], $0x4000  }
.Ltmp0:
0x20: {  	[sflag:s9] =	ssyncset.done $0x0;
	(pc) =	sbr.rel @p0 .LBB2_2-.Ltmp0, $4  }
0x21: {  	[sflag:s9] =	ssyncadd.s32 $0xFFFFC000  }
0x22: {  	[hbm4b:s11+s2] =	stream.linear.scatter [tilespmem:s8], [sflag:$0x2], $0x4000, $0x38;
	[tilespmem:$0x4080] =	vst v63  }
0x23: {  	_ =	swait.ge [sflag:s7], $0x4000  }
0x24: {  	s13 =	smov.u32 s15;
	s11 =	sadd.s32 $0x800, s11;
	[sflag:s7] =	ssyncset.done $0x0  }
0x25: {  	s12 =	sadd.s32 s12, s6;
	[sflag:s7] =	ssyncadd.s32 $0xFFFFC000  }
0x26: {  	[tilespmem:s2], [sflag:$0x2] =	stream.linear.gather [hbm4b:s12+s2], $0x80, $0x38;
	[tilespmem:$0x4080] =	vst v63  }
0x27: {  	_ =	swait.ge [sflag:s7], $0x80  }
0x28: {  	[sflag:s7] =	ssyncset.done $0x0  }
0x29: {  	[sflag:s7] =	ssyncadd.s32 $0xFFFFFF80  }
0x2a: {  	[tilespmem:s8], [sflag:$0x1] =	stream.indirect.gather [hbm4b:s3+s8], $0x80, s2, s8, $0xb8;
	[tilespmem:$0x4080] =	vst v63  }
0x2b: {  	s10 =	sadd.s32 $0x1, s10;
	_ =	swait.ge [sflag:s9], $0x4000  }
0x2c: {  	p0 =	sne.s32 s10, s4;
	[sflag:s9] =	ssyncset.done $0x0  }
.Ltmp1:
0x2d: {  	[sflag:s9] =	ssyncadd.s32 $0xFFFFC000;
	(pc) =	sbr.rel @p0 .LBB2_1-.Ltmp1, $4  }
0x2e: {  	[hbm4b:s11+s2] =	stream.linear.scatter [tilespmem:s8], [sflag:$0x2], $0x4000, $0x38;
	[tilespmem:$0x4080] =	vst v63  }
0x2f: {  	_ =	swait.ge [sflag:s7], $0x4000  }
0x30: {  	[sflag:s7] =	ssyncset.done $0x0  }
0x31: {  	[sflag:s7] =	ssyncadd.s32 $0xFFFFC000  }
0x32: {  	_ =	sfence.sel $0x180000  }
0x33: {  	[bflag:$0x0] =	sbarrier.arrive $0xFFFF  }
0x34: {  	p0 =	sne.s32 s1, $0x0;
	_ =	strace $0x9000004A  }
0x35: {  	s0 =	sadd.s32 @!p0 $0x100000, s0;
	[bflag:$0x2] =	sbarrier.arrive $0xFFFF  }
0x36: {  	[sflag:s0] =	ssyncadd.tile.s32 @!p0 $0x1;
	_ =	shalt  }
.Lfunc_end2:
_tile_overlayer_lowered:
.L_overlay_start_2:
0x37: {  	(tag) =	ssettag $0x2  }
0x38: {  	s0 =	rddreg [dreg:$0x0];
	s2 =	stileid.u32  }
0x39: {  	s1 =	rddreg [dreg:$0x1];
	p0 =	sne.s32 s2, $0x0  }
0x3a: {  	s3 =	rddreg [dreg:$0x2];
	[bflag:$0x3] =	sbarrier.arrive $0xFFFF;
	s2 =	simm.s32 @!p0 $0x1C02  }
0x3b: {  	[timem:s3], [sflag:s2] =	dma.local @!p0 [hbm:s0], s1  }
0x3c: {  	s0 =	simm.s32 @!p0 $0x2  }
0x3d: {  	_ =	swait.ge @!p0 [sflag:s0], s1  }
0x3e: {  	s1 =	ssub.s32 @!p0 $0x0, s1;
	[sflag:s0] =	ssyncset.done @!p0 $0x0  }
0x3f: {  	[sflag:s0] =	ssyncadd.s32 @!p0 s1  }
0x40: {  	[bflag:$0x3] =	sbarrier.arrive $0xFFFF  }
0x41: {  	_ =	shalt  }

// kernel: kernel.16.cloned.1.call-start
scs
__scs_entry_jumppad:
0x0: {  	(pc) =	sbr.rel $0x88, $3  }
0x1: {  	(tag) =	ssettag $0x0;
	lr =	simm.s32 $0x1  }
0x2: {  	[smem:$0x3F8F] =	sst lr;
	_ =	strace $0xD0000000  }
0x3: {  	_ = 	snop  }
0x4: {  	_ = 	snop  }
0x5: {  	_ = 	snop  }
0x6: {  	_ = 	snop  }
0x7: {  	_ = 	snop  }
__scs_overlays_trampoline_lowered:
0x8: {  	[smem:$0x3F9E] =	sst s0  }
0x9: {  	[smem:$0x3F9F] =	sst s1  }
0xa: {  	[smem:$0x3FA0] =	sst s2  }
0xb: {  	[smem:$0x3FA1] =	sst s3  }
0xc: {  	[smem:$0x3FA2] =	sst s4  }
0xd: {  	[smem:$0x3FA3] =	sst s5  }
0xe: {  	[smem:$0x3FA4] =	sst s6  }
0xf: {  	[smem:$0x3FA5] =	sst s7  }
0x10: {  	[smem:$0x3FA6] =	sst s8  }
0x11: {  	[smem:$0x3FA7] =	sst s9;
	s0 =	simm.s32 @!p0 $0x0  }
0x12: {  	s1 =	sld [smem:$0x3F8D];
	s0 =	simm.s32 @p0 $0x1  }
0x13: {  	[smem:$0x3FA8] =	sst s0;
	s0 =	simm.s32 @!p1 $0x0  }
0x14: {  	s2 =	sld [smem:$0x3F8C];
	s0 =	simm.s32 @p1 $0x1  }
0x15: {  	[smem:$0x3FA9] =	sst s0;
	s0 =	simm.s32 @!p2 $0x0  }
0x16: {  	s3 =	sld [smem:$0x3FDB];
	s0 =	simm.s32 @p2 $0x1  }
0x17: {  	s4 =	simm.s32 $0x1BF5;
	[smem:$0x3FAB] =	sst s0  }
0x18: {  	s0 =	sld [smem:$0x3F8E];
	_ =	swait.ge [sflag:s4], $0x0  }
0x19: {  	s7 =	sld [smem:$0x3F8F]  }
0x1a: {  	s8 =	sadd.s32 $0xFFFFE003, lr  }
0x1b: {  	s9 =	sadd.s32 $0xFFFFFEF7, lr;
	s5 =	simm.s32 $0xFFFFFFFF;
	p2 =	slt.u32 s8, $0xFFFFF086  }
0x1c: {  	p1 =	slt.u32 s9, $0xF7A;
	s5 =	simm.s32 @!p2 $0x0  }
0x1d: {  	s5 =	simm.s32 @p1 $0x1;
	p0 =	seq.s32 s7, s2  }
0x1e: {  	s7 =	smul.u32 @!p0 $0xF7A, s2;
	p2 =	seq.s32 @!p0 s5, $0x0  }
0x1f: {  	s9 =	smul.u32 $0xF7A, s1;
	s8 =	simm.s32 @!p0 $0x1BF5;
	p2 =	por !p2, p0  }
0x20: {  	[sflag:s8] =	ssyncset.s32 @!p0 $0xFFFFF086;
	s6 =	sadd.s32 @!p0 s3, s7;
	s7 =	simm.s32 @!p0 $0x108  }
0x21: {  	s3 =	sadd.s32 s3, s9;
	s6 =	sadd.s32 @!p0 $0x88, s6;
	s7 =	simm.s32 @p2 $0x1082  }
0x22: {  	[simem:s7], [sflag:s8] =	dma.local @!p0 [hbm:s6], $0xF7A  }
0x23: {  	s9 =	sor.u32 $0xD0000000, s2;
	s6 =	simm.s32 $0x108;
	_ =	swait.ge @!p0 [sflag:s8], $0x0  }
0x24: {  	s3 =	sadd.s32 $0x88, s3;
	s6 =	simm.s32 @!p1 $0x1082;
	[sflag:s4] =	ssyncset.s32 $0xFFFFF086  }
0x25: {  	[simem:s6], [sflag:s4] =	dma.local [hbm:s3], $0xF7A  }
0x26: {  	[smem:$0x3F8F] =	sst s1;
	(tag) =	ssettag s2;
	_ =	strace s9  }
0x27: {  	s1 =	sld [smem:$0x3F9F]  }
0x28: {  	s2 =	sld [smem:$0x3FA0]  }
0x29: {  	s4 =	sld [smem:$0x3FA2]  }
0x2a: {  	p0 =	seq.s32 s5, $0x0;
	s5 =	sld [smem:$0x3FA3]  }
0x2b: {  	s6 =	sld [smem:$0x3FA4]  }
0x2c: {  	s7 =	sld [smem:$0x3FA5]  }
0x2d: {  	s3 =	simm.s32 $0x108;
	s8 =	sld [smem:$0x3FA6]  }
0x2e: {  	s3 =	simm.s32 @!p0 $0x1082;
	s9 =	sld [smem:$0x3FA7]  }
0x2f: {  	lr =	sadd.s32 s0, s3;
	s0 =	sld [smem:$0x3F9E]  }
0x30: {  	s3 =	sld [smem:$0x3FA1]  }
0x31: {  	[smem:$0x3FAA] =	sst s10  }
0x32: {  	s10 =	sld [smem:$0x3FA8];
	_ =	sdelay $0x3  }
0x33: {  	p0 =	seq.s32 s10, $0x1;
	s10 =	sld [smem:$0x3FAA];
	_ =	sdelay $0x3  }
0x34: {  	[smem:$0x3FAA] =	sst s10  }
0x35: {  	s10 =	sld [smem:$0x3FA9];
	_ =	sdelay $0x3  }
0x36: {  	p1 =	seq.s32 s10, $0x1;
	s10 =	sld [smem:$0x3FAA];
	_ =	sdelay $0x3  }
0x37: {  	[smem:$0x3FAA] =	sst s10  }
0x38: {  	s10 =	sld [smem:$0x3FAB]  }
0x39: {  	_ = 	snop;
	(pc) =	sbr.ind lr, $3  }
0x3a: {  	_ = 	snop  }
0x3b: {  	_ = 	snop  }
0x3c: {  	p2 =	seq.s32 s10, $0x1;
	s10 =	sld [smem:$0x3FAA]  }
0x3d: {  	_ =	shalt  }
0x3e: {  	_ =	shalt  }
0x3f: {  	_ =	shalt  }
0x40: {  	_ =	shalt  }
0x41: {  	_ =	shalt  }
0x42: {  	_ =	shalt  }
0x43: {  	_ =	shalt  }
0x44: {  	_ =	shalt  }
0x45: {  	_ =	shalt  }
0x46: {  	_ =	shalt  }
0x47: {  	_ =	shalt  }
0x48: {  	_ =	shalt  }
0x49: {  	_ =	shalt  }
0x4a: {  	_ =	shalt  }
0x4b: {  	_ =	shalt  }
0x4c: {  	_ =	shalt  }
0x4d: {  	_ =	shalt  }
0x4e: {  	_ =	shalt  }
0x4f: {  	_ =	shalt  }
0x50: {  	_ =	shalt  }
0x51: {  	_ =	shalt  }
0x52: {  	_ =	shalt  }
0x53: {  	_ =	shalt  }
0x54: {  	_ =	shalt  }
0x55: {  	_ =	shalt  }
0x56: {  	_ =	shalt  }
0x57: {  	_ =	shalt  }
0x58: {  	_ =	shalt  }
0x59: {  	_ =	shalt  }
0x5a: {  	_ =	shalt  }
0x5b: {  	_ =	shalt  }
0x5c: {  	_ =	shalt  }
0x5d: {  	_ =	shalt  }
0x5e: {  	_ =	shalt  }
0x5f: {  	_ =	shalt  }
0x60: {  	_ =	shalt  }
0x61: {  	_ =	shalt  }
0x62: {  	_ =	shalt  }
0x63: {  	_ =	shalt  }
0x64: {  	_ =	shalt  }
0x65: {  	_ =	shalt  }
0x66: {  	_ =	shalt  }
0x67: {  	_ =	shalt  }
0x68: {  	_ =	shalt  }
0x69: {  	_ =	shalt  }
0x6a: {  	_ =	shalt  }
0x6b: {  	_ =	shalt  }
0x6c: {  	_ =	shalt  }
0x6d: {  	_ =	shalt  }
0x6e: {  	_ =	shalt  }
0x6f: {  	_ =	shalt  }
0x70: {  	_ =	shalt  }
0x71: {  	_ =	shalt  }
0x72: {  	_ =	shalt  }
0x73: {  	_ =	shalt  }
0x74: {  	_ =	shalt  }
0x75: {  	_ =	shalt  }
0x76: {  	_ =	shalt  }
0x77: {  	_ =	shalt  }
0x78: {  	_ =	shalt  }
0x79: {  	_ =	shalt  }
0x7a: {  	_ =	shalt  }
0x7b: {  	_ =	shalt  }
0x7c: {  	_ =	shalt  }
0x7d: {  	_ =	shalt  }
0x7e: {  	_ =	shalt  }
0x7f: {  	_ =	shalt  }
0x80: {  	_ =	shalt  }
0x81: {  	_ =	shalt  }
0x82: {  	_ =	shalt  }
0x83: {  	_ =	shalt  }
0x84: {  	_ =	shalt  }
0x85: {  	_ =	shalt  }
0x86: {  	_ =	shalt  }
0x87: {  	_ =	shalt  }
.Lfunc_end0:
.L_simem_size_0:
called_computation.1_lowered:
.L_overlay_start_0:
0x88: {  	s2 =	sld [smem:$0x3FD9]  }
0x89: {  	s3 =	sld [smem:$0x3FFE];
	_ =	sdelay $0x1  }
0x8a: {  	s1 =	srdreg.scid  }
0x8b: {  	s0 =	sand.u32 $0x1, s1  }
0x8c: {  	s16 =	sshll.u32 s0, $0xA;
	s2 =	sadd.s32 s3, s2  }
0x8d: {  	s2 =	sadd.s32 s2, s16  }
0x8e: {  	[smem:$0x3FB6] =	sst s2  }
0x8f: {  	_ = 	snop  }
0x90: {  	(tm) =	ssettm $0x1  }
0x91: {  	s17 =	sld [smem:$0x3FFB];
	_ =	sdelay $0x3  }
0x92: {  	_ =	strace s17  }
0x93: {  	s2 =	sld [smem:$0x3FFC];
	_ =	sdelay $0x3  }
0x94: {  	_ =	strace s2  }
0x95: {  	s2 =	sld [smem:$0x3FFD];
	_ =	sdelay $0x3  }
0x96: {  	_ =	strace s2  }
0x97: {  	_ =	strace $0x8FFFFFFF  }
0x98: {  	s18 =	sld [smem:$0x3FDB];
	_ =	sdelay $0x1  }
0x99: {  	s19 =	simm.s32 $_scs_section_size  }
0x9a: {  	s4 =	simm.s32 $_size__tile_overlayer_lowered;
	s5 =	simm.s32 $_tile_overlayer_lowered  }
0x9b: {  	s22 =	simm.s32 $0x1BFF;
	s21 =	sshll.u32 s5, $0x1;
	s2 =	sadd.s32 s19, s18  }
0x9c: {  	s6 =	simm.s32 $0x0;
	s20 =	sshll.u32 s4, $0x1;
	s4 =	sadd.s32 s21, s2  }
0x9d: {  	[timem:s6], [sflag:s22] =	dma.local [hbm:s4], s20  }
0x9e: {  	_ =	swait.ge [sflag:s22], s20  }
0x9f: {  	s3 =	ssub.s32 $0x0, s20;
	[sflag:s22] =	ssyncset.done $0x0  }
0xa0: {  	[sflag:s22] =	ssyncadd.s32 s3;
	_ =	sdelay $0x1  }
0xa1: {  	s23 =	simm.s32 $0x1B8B  }
0xa2: {  	_ =	swait.ge [sflag:s23], $0x1  }
0xa3: {  	[sflag:s23] =	ssyncset.done $0x0  }
0xa4: {  	s25 =	simm.s32 $0x1B8E;
	s24 =	sld [smem:$0x3FFE];
	[sflag:s23] =	ssyncadd.s32 $0xFFFFFFFF  }
0xa5: {  	s26 =	simm.s32 $execute0_lowered;
	[smem:$0x3FD2] =	sst s25  }
0xa6: {  	s4 =	sshll.u32 s26, $0x1;
	_ =	strace $0x80000046;
	[dreg:$0x1] =	wrdreg $0xFFFFFFFF  }
0xa7: {  	s28 =	simm.s32 $_size_execute0_lowered;
	s2 =	sadd.s32 s2, s4;
	[dreg:$0x0] =	wrdreg $0x0  }
0xa8: {  	s4 =	sshll.u32 s28, $0x1;
	[dreg:$0x2] =	wrdreg s2  }
0xa9: {  	[dreg:$0x3] =	wrdreg s4  }
0xaa: {  	[dreg:$0x4] =	wrdreg $0xC0  }
0xab: {  	_ =	task [dreg:s6], $0x5FFFF  }
0xac: {  	[dreg:$0x1] =	wrdreg $0xFFFFFFFF  }
0xad: {  	[dreg:$0x0] =	wrdreg $0x60  }
0xae: {  	[dreg:$0x2] =	wrdreg s24  }
0xaf: {  	[dreg:$0x3] =	wrdreg $0xA  }
0xb0: {  	_ =	task.clear_ibuf [dreg:s6], $0x4FFFF;
	_ =	strace $0x90000046  }
0xb1: {  	s29 =	simm.s32 $0xA;
	_ =	strace $0x80000048  }
0xb2: {  	_ =	swait.ge [sflag:s29], $0x1  }
0xb3: {  	[sflag:s29] =	ssyncadd.s32 $0xFFFFFFFF  }
0xb4: {  	_ =	strace $0x90000048  }
0xb5: {  	_ =	sfence  }
0xb6: {  	s30 =	sld [smem:$0x0];
	_ =	sdelay $0x2  }
0xb7: {  	s31 =	sshll.u32 s1, $0xD;
	s1 =	sshrl.u32 s1, $0x2  }
0xb8: {  	s3 =	sand.u32 $0x4000, s31;
	s1 =	sadd.s32 s1, s30  }
0xb9: {  	s0 =	sor.u32 s3, s0;
	s1 =	sshll.u32 s1, $0x11  }
0xba: {  	s0 =	sor.u32 s1, s0  }
0xbb: {  	s0 =	sadd.s32 $0x8F2B, s0  }
0xbc: {  	[sflag:s0] =	ssyncadd.remote.s32 $0x1  }
0xbd: {  	_ =	sfence.sel $0xFFFF  }
0xbe: {  	[dreg:$0x0] =	wrdreg $0xFFFFFFFF;
	(pc) =	sbr.abs _section_cstart, $3  }
0xbf: {  	[dreg:$0x1] =	wrdreg $0xFFFFFFFF  }
0xc0: {  	_ =	task.clear_ibuf [dreg:s6], $0x2FFFF;
	_ =	strace $0x9FFFFFFF  }
0xc1: {  	(tm) =	ssettm $0x7FFFFFFF  }
tec
execute0_lowered:
.L_overlay_start_1:
0x0: {  	(tag) =	ssettag $0x1  }
0x1: {  	s4 =	rddreg [dreg:$0x0]  }
0x2: {  	s0 =	rddreg [dreg:$0x1];
	s2 =	simm.s32 $0x0;
	s3 =	srdreg.scid  }
0x3: {  	s1 =	stileid.u32;
	s10 =	simm.s32 $0x0;
	[smem:$0x7FF] =	sst s2  }
0x4: {  	s5 =	sand.u32 $0x1, s3;
	s6 =	sshll.u32 s1, $0xE;
	s3 =	sadd.s32 $0x4800, s4  }
0x5: {  	s8 =	sshll.u32 s1, $0x12;
	_ =	strace $0x80000047;
	s7 =	sshll.u32 s5, $0xD  }
0x6: {  	s31 =	ssub.s32 $0x2, s5;
	s8 =	sadd.s32 s8, s4;
	s5 =	sshll.u32 s5, $0x11  }
0x7: {  	s6 =	sor.u32 s7, s6;
	s9 =	sshrl.u32 s31, $0x1;
	s5 =	sadd.s32 s5, s8  }
0x8: {  	s8 =	simm.s32 $0x80;
	s6 =	sshrl.u32 s6, $0x3;
	s7 =	ssub.s32 s31, s9  }
0x9: {  	s5 =	sadd.s32 $0x104800, s5;
	s9 =	simm.s32 $0x1;
	s6 =	sadd.s32 s6, s4  }
0xa: {  	s4 =	smax.u32 s7, $0x1;
	s7 =	simm.s32 $0x2;
	s6 =	sadd.s32 $0x84800, s6  }
.LBB2_1:
0xb: {  	s11 =	sadd.s32 $0x0, s6  }
0xc: {  	[tilespmem:s2], [sflag:$0x2] =	stream.linear.gather [hbm4b:s11+s2], $0x80, $0x38;
	[tilespmem:$0x4080] =	vst v63  }
0xd: {  	_ =	swait.ge [sflag:s7], $0x80  }
0xe: {  	[sflag:s7] =	ssyncset.done $0x0  }
0xf: {  	[sflag:s7] =	ssyncadd.s32 $0xFFFFFF80  }
0x10: {  	[tilespmem:s8], [sflag:$0x1] =	stream.indirect.gather [hbm4b:s3+s8], $0x80, s2, s8, $0xb8;
	[tilespmem:$0x4080] =	vst v63  }
0x11: {  	_ =	swait.ge [sflag:s9], $0x4000  }
0x12: {  	[sflag:s9] =	ssyncset.done $0x0  }
0x13: {  	[sflag:s9] =	ssyncadd.s32 $0xFFFFC000  }
0x14: {  	[hbm4b:s5+s2] =	stream.linear.scatter [tilespmem:s8], [sflag:$0x2], $0x4000, $0x38;
	[tilespmem:$0x4080] =	vst v63  }
0x15: {  	s12 =	simm.s32 $0x10;
	_ =	swait.ge [sflag:s7], $0x4000  }
0x16: {  	s13 =	simm.s32 $0x20;
	s11 =	sadd.s32 $0x800, s5;
	[sflag:s7] =	ssyncset.done $0x0  }
.LBB2_2:
0x17: {  	s14 =	sadd.s32 s12, s6  }
0x18: {  	[sflag:s7] =	ssyncadd.s32 $0xFFFFC000;
	s12 =	smov.u32 s13;
	s15 =	sadd.s32 $0x10, s13  }
0x19: {  	[tilespmem:s2], [sflag:$0x2] =	stream.linear.gather [hbm4b:s14+s2], $0x80, $0x38;
	[tilespmem:$0x4080] =	vst v63  }
0x1a: {  	p0 =	sne.s32 s13, $0x3F0;
	_ =	swait.ge [sflag:s7], $0x80  }
0x1b: {  	[sflag:s7] =	ssyncset.done $0x0  }
0x1c: {  	[sflag:s7] =	ssyncadd.s32 $0xFFFFFF80  }
0x1d: {  	[tilespmem:s8], [sflag:$0x1] =	stream.indirect.gather [hbm4b:s3+s8], $0x80, s2, s8, $0xb8;
	[tilespmem:$0x4080] =	vst v63  }
0x1e: {  	_ =	swait.ge [sflag:s9], $0x4000  }
.Ltmp0:
0x1f: {  	[sflag:s9] =	ssyncset.done $0x0;
	(pc) =	sbr.rel @p0 .LBB2_2-.Ltmp0, $4  }
0x20: {  	[sflag:s9] =	ssyncadd.s32 $0xFFFFC000  }
0x21: {  	[hbm4b:s11+s2] =	stream.linear.scatter [tilespmem:s8], [sflag:$0x2], $0x4000, $0x38;
	[tilespmem:$0x4080] =	vst v63  }
0x22: {  	_ =	swait.ge [sflag:s7], $0x4000  }
0x23: {  	s13 =	smov.u32 s15;
	s11 =	sadd.s32 $0x800, s11;
	[sflag:s7] =	ssyncset.done $0x0  }
0x24: {  	s12 =	sadd.s32 s12, s6;
	[sflag:s7] =	ssyncadd.s32 $0xFFFFC000  }
0x25: {  	[tilespmem:s2], [sflag:$0x2] =	stream.linear.gather [hbm4b:s12+s2], $0x80, $0x38;
	[tilespmem:$0x4080] =	vst v63  }
0x26: {  	_ =	swait.ge [sflag:s7], $0x80  }
0x27: {  	[sflag:s7] =	ssyncset.done $0x0  }
0x28: {  	[sflag:s7] =	ssyncadd.s32 $0xFFFFFF80  }
0x29: {  	[tilespmem:s8], [sflag:$0x1] =	stream.indirect.gather [hbm4b:s3+s8], $0x80, s2, s8, $0xb8;
	[tilespmem:$0x4080] =	vst v63  }
0x2a: {  	s10 =	sadd.s32 $0x1, s10;
	_ =	swait.ge [sflag:s9], $0x4000  }
0x2b: {  	p0 =	sne.s32 s10, s4;
	[sflag:s9] =	ssyncset.done $0x0  }
.Ltmp1:
0x2c: {  	[sflag:s9] =	ssyncadd.s32 $0xFFFFC000;
	(pc) =	sbr.rel @p0 .LBB2_1-.Ltmp1, $4  }
0x2d: {  	[hbm4b:s11+s2] =	stream.linear.scatter [tilespmem:s8], [sflag:$0x2], $0x4000, $0x38;
	[tilespmem:$0x4080] =	vst v63  }
0x2e: {  	_ =	swait.ge [sflag:s7], $0x4000  }
0x2f: {  	[sflag:s7] =	ssyncset.done $0x0  }
0x30: {  	[sflag:s7] =	ssyncadd.s32 $0xFFFFC000  }
0x31: {  	_ =	sfence.sel $0x180000  }
0x32: {  	[bflag:$0x0] =	sbarrier.arrive $0xFFFF  }
0x33: {  	p0 =	sne.s32 s1, $0x0;
	_ =	strace $0x90000047  }
0x34: {  	s0 =	sadd.s32 @!p0 $0x100000, s0;
	[bflag:$0x2] =	sbarrier.arrive $0xFFFF  }
0x35: {  	[sflag:s0] =	ssyncadd.tile.s32 @!p0 $0x1;
	_ =	shalt  }
.Lfunc_end2:
_tile_overlayer_lowered:
.L_overlay_start_2:
0x36: {  	(tag) =	ssettag $0x2  }
0x37: {  	s0 =	rddreg [dreg:$0x0];
	s2 =	stileid.u32  }
0x38: {  	s1 =	rddreg [dreg:$0x1];
	p0 =	sne.s32 s2, $0x0  }
0x39: {  	s3 =	rddreg [dreg:$0x2];
	[bflag:$0x3] =	sbarrier.arrive $0xFFFF;
	s2 =	simm.s32 @!p0 $0x1C02  }
0x3a: {  	[timem:s3], [sflag:s2] =	dma.local @!p0 [hbm:s0], s1  }
0x3b: {  	s0 =	simm.s32 @!p0 $0x2  }
0x3c: {  	_ =	swait.ge @!p0 [sflag:s0], s1  }
0x3d: {  	s1 =	ssub.s32 @!p0 $0x0, s1;
	[sflag:s0] =	ssyncset.done @!p0 $0x0  }
0x3e: {  	[sflag:s0] =	ssyncadd.s32 @!p0 s1  }
0x3f: {  	[bflag:$0x3] =	sbarrier.arrive $0xFFFF  }
0x40: {  	_ =	shalt  }

</sc_bundles>
